<compile_context>
chip_gen: v7x
topology: tpu7x:2x2x1
jax: 0.10.2.dev20260603
libtpu: 0.0.44.dev20260713+nightly
codegen_flags: <defaults>
</compile_context>

<pallas_src>
import functools

import jax
import jax.numpy as jnp
from jax import lax
from jax.experimental import pallas as pl
from jax.experimental.pallas import tpu as pltpu
from jax.experimental.pallas import tpu_sc as plsc

B, S, D = 1, 2048, 768
E, K, F = 8, 2, 1024
T = B * S
A = T * K
BM = 256
PA = A + E * BM
G = PA // BM
BR = 1024

NC, NS, L = 2, 16, 16
NW = NC * NS
APW = A // NW
TPW = T // NW


def _router_body(x_ref, wg_ref, eidx_ref, wtop_ref, rank_ref, poff_ref,
                 cnt_scr):
    t = pl.program_id(0)

    @pl.when(t == 0)
    def _():
        cnt_scr[...] = jnp.zeros_like(cnt_scr)

    x = x_ref[...]
    wg = wg_ref[...]
    logits = lax.dot_general(x, wg, (((1,), (1,)), ((), ())),
                             preferred_element_type=jnp.float32)
    ex = jnp.exp(logits - jnp.max(logits, axis=1, keepdims=True))
    p = ex / jnp.sum(ex, axis=1, keepdims=True)
    iota = lax.broadcasted_iota(jnp.int32, (BR, E), 1)
    big = jnp.int32(2**30)
    m1 = jnp.max(p, axis=1, keepdims=True)
    i1 = jnp.min(jnp.where(p == m1, iota, big), axis=1, keepdims=True)
    masked = jnp.where(iota == i1, -jnp.float32(1.0), p)
    m2 = jnp.max(masked, axis=1, keepdims=True)
    i2 = jnp.min(jnp.where(masked == m2, iota, big), axis=1, keepdims=True)
    denom = m1 + m2 + jnp.float32(1e-20)
    w1 = m1 / denom
    w2 = m2 / denom

    oh0 = (iota == i1).astype(jnp.float32)
    oh1 = (iota == i2).astype(jnp.float32)
    ohp = oh0 + oh1
    ri = lax.broadcasted_iota(jnp.int32, (BR, BR), 0)
    ci = lax.broadcasted_iota(jnp.int32, (BR, BR), 1)
    tri = (ci < ri).astype(jnp.float32)
    cum = lax.dot_general(tri, ohp, (((1,), (0,)), ((), ())),
                          preferred_element_type=jnp.float32)
    base = cnt_scr[...] + cum
    rank0 = jnp.sum(oh0 * base, axis=1, keepdims=True)
    rank1 = jnp.sum(oh1 * base, axis=1, keepdims=True)
    cnt_new = cnt_scr[...] + jnp.sum(ohp, axis=0, keepdims=True)
    cnt_scr[...] = cnt_new

    eidx_ref[...] = jnp.concatenate([i1, i2], axis=1)
    wtop_ref[...] = jnp.concatenate([w1, w2], axis=1)
    rank_ref[...] = jnp.concatenate([rank0, rank1], axis=1).astype(jnp.int32)
    pcnt = jnp.floor((cnt_new + (BM - 1)) * (1.0 / BM)) * BM
    ei = lax.broadcasted_iota(jnp.int32, (E, E), 0)
    ej = lax.broadcasted_iota(jnp.int32, (E, E), 1)
    stri = (ei < ej).astype(jnp.float32)
    poff = lax.dot_general(pcnt, stri, (((1,), (0,)), ((), ())),
                           preferred_element_type=jnp.float32)
    total = jnp.sum(pcnt, axis=1, keepdims=True)
    pad = jnp.zeros((1, 16 - E - 1), jnp.int32)
    poff_ref[...] = jnp.concatenate(
        [poff.astype(jnp.int32), total.astype(jnp.int32), pad], axis=1)


def _router(xf, Wgate):
    return pl.pallas_call(
        _router_body,
        grid=(T // BR,),
        in_specs=[
            pl.BlockSpec((BR, D), lambda t: (t, 0)),
            pl.BlockSpec((E, D), lambda t: (0, 0)),
        ],
        out_specs=[
            pl.BlockSpec((BR, K), lambda t: (t, 0)),
            pl.BlockSpec((BR, K), lambda t: (t, 0)),
            pl.BlockSpec((BR, K), lambda t: (t, 0)),
            pl.BlockSpec((1, 16), lambda t: (0, 0)),
        ],
        out_shape=[
            jax.ShapeDtypeStruct((T, K), jnp.int32),
            jax.ShapeDtypeStruct((T, K), jnp.float32),
            jax.ShapeDtypeStruct((T, K), jnp.int32),
            jax.ShapeDtypeStruct((1, 16), jnp.int32),
        ],
        scratch_shapes=[pltpu.VMEM((1, E), jnp.float32)],
    )(xf, Wgate)




@functools.cache
def _get_sc_dispatch():
    @functools.partial(
        pl.kernel,
        out_type=jax.ShapeDtypeStruct((PA, D), jnp.float32),
        mesh=plsc.VectorSubcoreMesh(core_axis_name="c", subcore_axis_name="s",
                                    num_cores=NC, num_subcores=NS),
        compiler_params=pltpu.CompilerParams(needs_layout_passes=False),
        scratch_types=[
            pltpu.VMEM((16,), jnp.int32),
            pltpu.VMEM((APW,), jnp.int32),
            pltpu.VMEM((APW,), jnp.int32),
            pltpu.VMEM((TPW,), jnp.int32),
            pltpu.VMEM((TPW,), jnp.int32),
            pltpu.VMEM((TPW, D), jnp.float32),
            pltpu.SemaphoreType.DMA,
            pltpu.SemaphoreType.DMA,
            pltpu.SemaphoreType.DMA,
        ],
    )
    def _sc_dispatch(xf_hbm, eflat_hbm, rflat_hbm, poff_hbm, xs_hbm,
                     poff_vm, e_vm, r_vm, pos0_vm, pos1_vm, rows_vm,
                     semg, sems0, sems1):
        wid = lax.axis_index("s") * NC + lax.axis_index("c")
        abase = wid * APW
        tbase = wid * TPW
        g = pltpu.async_copy(xf_hbm.at[pl.ds(tbase, TPW)], rows_vm, semg)
        pltpu.sync_copy(poff_hbm, poff_vm)
        pltpu.sync_copy(eflat_hbm.at[pl.ds(abase, APW)], e_vm)
        pltpu.sync_copy(rflat_hbm.at[pl.ds(abase, APW)], r_vm)
        for i in range(TPW // L):
            l_v = i * L + lax.iota(jnp.int32, L)
            for k, dst in ((0, pos0_vm), (1, pos1_vm)):
                a_v = 2 * l_v + k
                e_v = plsc.load_gather(e_vm, [a_v])
                r_v = plsc.load_gather(r_vm, [a_v])
                dst[pl.ds(i * L, L)] = plsc.load_gather(poff_vm, [e_v]) + r_v
        g.wait()
        s0 = pltpu.async_copy(rows_vm, xs_hbm.at[pos0_vm], sems0)
        s1 = pltpu.async_copy(rows_vm, xs_hbm.at[pos1_vm], sems1)
        s0.wait()
        s1.wait()

    return _sc_dispatch


def _clamp_b(b, poff_ref):
    return jnp.minimum(b, poff_ref[E] // BM - 1)


def _block_expert(b, poff_ref):
    e = jnp.int32(0)
    for i in range(1, E):
        e = e + jnp.where(b * BM >= poff_ref[i], 1, 0).astype(jnp.int32)
    return e


def _ffn_body(poff_ref, xs_ref, wg_ref, wu_ref, wd_ref, out_ref):
    b = pl.program_id(0)

    @pl.when(b * BM < poff_ref[E])
    def _():
        x = xs_ref[...]
        xg = lax.dot_general(x, wg_ref[0], (((1,), (1,)), ((), ())),
                             preferred_element_type=jnp.float32)
        xu = lax.dot_general(x, wu_ref[0], (((1,), (1,)), ((), ())),
                             preferred_element_type=jnp.float32)
        h = (xg * jax.nn.sigmoid(xg)) * xu
        out_ref[...] = lax.dot_general(h, wd_ref[0],
                                       (((1,), (1,)), ((), ())),
                                       preferred_element_type=jnp.float32)


def _ffn_grouped(poff_flat, xs, Wg, Wu, Wd):
    grid_spec = pltpu.PrefetchScalarGridSpec(
        num_scalar_prefetch=1,
        grid=(G,),
        in_specs=[
            pl.BlockSpec((BM, D), lambda b, p: (_clamp_b(b, p), 0)),
            pl.BlockSpec((1, F, D),
                         lambda b, p: (_block_expert(_clamp_b(b, p), p), 0, 0)),
            pl.BlockSpec((1, F, D),
                         lambda b, p: (_block_expert(_clamp_b(b, p), p), 0, 0)),
            pl.BlockSpec((1, D, F),
                         lambda b, p: (_block_expert(_clamp_b(b, p), p), 0, 0)),
        ],
        out_specs=pl.BlockSpec((BM, D), lambda b, p: (_clamp_b(b, p), 0)),
    )
    return pl.pallas_call(
        _ffn_body,
        grid_spec=grid_spec,
        out_shape=jax.ShapeDtypeStruct((PA, D), jnp.float32),
    )(poff_flat, xs, Wg, Wu, Wd)


@functools.cache
def _get_sc_combine():
    @functools.partial(
        pl.kernel,
        out_type=jax.ShapeDtypeStruct((T, D), jnp.float32),
        mesh=plsc.VectorSubcoreMesh(core_axis_name="c", subcore_axis_name="s",
                                    num_cores=NC, num_subcores=NS),
        compiler_params=pltpu.CompilerParams(needs_layout_passes=False),
        scratch_types=[
            pltpu.VMEM((16,), jnp.int32),
            pltpu.VMEM((APW,), jnp.int32),
            pltpu.VMEM((APW,), jnp.int32),
            pltpu.VMEM((APW,), jnp.float32),
            pltpu.VMEM((APW,), jnp.int32),
            pltpu.VMEM((APW, D), jnp.float32),
            pltpu.SemaphoreType.DMA,
        ],
    )
    def _sc_combine(outp_hbm, eflat_hbm, rflat_hbm, wflat_hbm, poff_hbm,
                    y_hbm, poff_vm, e_vm, r_vm, w_vm, pos_vm, rows_vm, sem1):
        wid = lax.axis_index("s") * NC + lax.axis_index("c")
        abase = wid * APW
        tbase = wid * TPW
        pltpu.sync_copy(poff_hbm, poff_vm)
        pltpu.sync_copy(eflat_hbm.at[pl.ds(abase, APW)], e_vm)
        pltpu.sync_copy(rflat_hbm.at[pl.ds(abase, APW)], r_vm)
        pltpu.sync_copy(wflat_hbm.at[pl.ds(abase, APW)], w_vm)
        for i in range(APW // L):
            k = i // (TPW // L)
            l_v = (i % (TPW // L)) * L + lax.iota(jnp.int32, L)
            a_v = 2 * l_v + k
            e_v = plsc.load_gather(e_vm, [a_v])
            r_v = plsc.load_gather(r_vm, [a_v])
            pos_vm[pl.ds(i * L, L)] = plsc.load_gather(poff_vm, [e_v]) + r_v
        pltpu.async_copy(outp_hbm.at[pos_vm], rows_vm, sem1).wait()

        def body(l, carry):
            i0 = jnp.zeros((L,), jnp.int32) + 2 * l
            w0 = plsc.load_gather(w_vm, [i0])
            w1 = plsc.load_gather(w_vm, [i0 + 1])
            for v in range(D // L):
                sl = pl.ds(v * L, L)
                rows_vm[l, sl] = (rows_vm[l, sl] * w0
                                  + rows_vm[TPW + l, sl] * w1)
            return carry

        lax.fori_loop(0, TPW, body, 0)
        pltpu.sync_copy(rows_vm.at[pl.ds(0, TPW)], y_hbm.at[pl.ds(tbase, TPW)])

    return _sc_combine


def kernel(x, Wgate, Wg, Wu, Wd):
    xf = x.reshape(T, D)
    eidx, wtop, rank, poff16 = _router(xf, Wgate)

    eflat = eidx.reshape(A)
    rflat = rank.reshape(A)
    wflat = wtop.reshape(A)
    poff_flat = poff16.reshape(16)

    xs = _get_sc_dispatch()(xf, eflat, rflat, poff_flat)
    outp = _ffn_grouped(poff_flat, xs, Wg, Wu, Wd)
    y = _get_sc_combine()(outp, eflat, rflat, wflat, poff_flat)
    return y.reshape(B, S, D)

# --- scband reference (transcript-rebuilt; emitter-appended) ---
"""Pipeline reference for scband-moefeed-forward-37349035606545 (READ-ONLY COPY).

The authoritative reference and input builder live on the scoring server;
editing this copy changes nothing except your own understanding.
"""

import jax, jax.numpy as jnp
import numpy as np

B, S, D = 1, 2048, 768
E, K, F = 8, 2, 1024


def setup_inputs(seed: int = 0) -> dict:
    key = jax.random.key(seed)
    ks = jax.random.split(key, 5)
    x = jax.random.normal(ks[0], (B, S, D), dtype=jnp.float32)
    Wgate = jax.random.normal(ks[1], (E, D), dtype=jnp.float32) * 0.02
    Wg = jax.random.normal(ks[2], (E, F, D), dtype=jnp.float32) * 0.02
    Wu = jax.random.normal(ks[3], (E, F, D), dtype=jnp.float32) * 0.02
    Wd = jax.random.normal(ks[4], (E, D, F), dtype=jnp.float32) * 0.02
    return {"x": x, "Wgate": Wgate, "Wg": Wg, "Wu": Wu, "Wd": Wd}


def reference(x, Wgate, Wg, Wu, Wd):
    Bq, Sq, Dq = x.shape
    xf = x.reshape(-1, Dq)
    # router
    router_logits = xf @ Wgate.T
    scores = jax.nn.softmax(router_logits, axis=-1)
    topk_weight, topk_idx = jax.lax.top_k(scores, K)
    # norm_topk_prob
    topk_weight = topk_weight / (topk_weight.sum(axis=-1, keepdims=True) + 1e-20)
    y = jnp.zeros_like(xf)
    Ecnt = Wgate.shape[0]
    for i in range(Ecnt):
        mask = (topk_idx == i)  # [T, K]
        # per-token weight for expert i (each token selects an expert at most once)
        w = (topk_weight * mask).sum(axis=-1)[:, None]
        h = jax.nn.silu(xf @ Wg[i].T) * (xf @ Wu[i].T)
        out = h @ Wd[i].T
        y = y + out * w
    return y.reshape(Bq, Sq, Dq)

if __name__ == "__main__":
    import jax
    _d = setup_inputs()
    print(jax.jit(kernel)(*tuple(_d.values())))

</pallas_src>

<mosaic_0001>
#map = affine_map<(d0, d1) -> (0, 0)>
#map1 = affine_map<(d0, d1) -> (0)>
module attributes {stable_mosaic.version = 14 : i64} {
  func.func @_sc_dispatch(%arg0: i32, %arg1: i32, %arg2: memref<2048x768xf32, #tpu.memory_space<hbm>>, %arg3: memref<4096xi32, #tpu.memory_space<hbm>>, %arg4: memref<4096xi32, #tpu.memory_space<hbm>>, %arg5: memref<16xi32, #tpu.memory_space<hbm>>, %arg6: memref<6144x768xf32, #tpu.memory_space<hbm>>, %arg7: memref<16xi32, #tpu.memory_space<vmem>>, %arg8: memref<128xi32, #tpu.memory_space<vmem>>, %arg9: memref<128xi32, #tpu.memory_space<vmem>>, %arg10: memref<64xi32, #tpu.memory_space<vmem>>, %arg11: memref<64xi32, #tpu.memory_space<vmem>>, %arg12: memref<64x768xf32, #tpu.memory_space<vmem>>, %arg13: memref<!tpu.dma_semaphore, #tpu.memory_space<semaphore_mem>>, %arg14: memref<!tpu.dma_semaphore, #tpu.memory_space<semaphore_mem>>, %arg15: memref<!tpu.dma_semaphore, #tpu.memory_space<semaphore_mem>>) attributes {dimension_semantics = [#tpu.dimension_semantics<core_parallel>, #tpu.dimension_semantics<subcore_parallel>], iteration_bounds = array<i64: 2, 16>, scalar_prefetch = 0 : i64, scratch_operands = 9 : i64, tpu.core_type = #tpu.core_type<sc_vector_subcore>, window_params = [{transform_indices = #map}, {transform_indices = #map1}, {transform_indices = #map1}, {transform_indices = #map1}, {transform_indices = #map}]} {
    %mul3A = arith.constant 2 : i32
    %mul3A_0 = arith.muli %arg1, %mul3A : i32
    %add3A = arith.addi %mul3A_0, %arg0 : i32
    %mul3A_1 = arith.constant 128 : i32
    %mul3A_2 = arith.muli %add3A, %mul3A_1 : i32
    %mul3A_3 = arith.constant 64 : i32
    %mul3A_4 = arith.muli %add3A, %mul3A_3 : i32
    %dma_start3A = arith.constant 0 : i32
    %dma_start3A_5 = tpu.memref_slice %arg2[%mul3A_4, %dma_start3A] : memref<2048x768xf32, #tpu.memory_space<hbm>> -> memref<64x768xf32, #tpu.memory_space<hbm>>
    %dma_start3A_6 = arith.constant 0 : i32
    %dma_start3A_7 = tpu.memref_slice %arg2[%mul3A_4, %dma_start3A_6] : memref<2048x768xf32, #tpu.memory_space<hbm>> -> memref<64x768xf32, #tpu.memory_space<hbm>>
    tpu.enqueue_dma source(%dma_start3A_7 : memref<64x768xf32, #tpu.memory_space<hbm>>) target(%arg12 : memref<64x768xf32, #tpu.memory_space<vmem>>) target_semaphore(%arg13 : memref<!tpu.dma_semaphore, #tpu.memory_space<semaphore_mem>>)
    "tpu.region"() ({
      %run_scoped3A = tpu.sem_alloc : memref<!tpu.dma_semaphore, #tpu.memory_space<semaphore_mem>>
      tpu.enqueue_dma source(%arg5 : memref<16xi32, #tpu.memory_space<hbm>>) target(%arg7 : memref<16xi32, #tpu.memory_space<vmem>>) target_semaphore(%run_scoped3A : memref<!tpu.dma_semaphore, #tpu.memory_space<semaphore_mem>>)
      tpu.wait_dma2 semaphore(%run_scoped3A : memref<!tpu.dma_semaphore, #tpu.memory_space<semaphore_mem>>) src(%arg5 : memref<16xi32, #tpu.memory_space<hbm>>) dst(%arg7 : memref<16xi32, #tpu.memory_space<vmem>>)
      tpu.yield
    }) : () -> ()
    "tpu.region"() ({
      %run_scoped3A = tpu.sem_alloc : memref<!tpu.dma_semaphore, #tpu.memory_space<semaphore_mem>>
      %dma_start3A_132 = tpu.memref_slice %arg3[%mul3A_2] : memref<4096xi32, #tpu.memory_space<hbm>> -> memref<128xi32, #tpu.memory_space<hbm>>
      %dma_start3A_133 = tpu.memref_slice %arg3[%mul3A_2] : memref<4096xi32, #tpu.memory_space<hbm>> -> memref<128xi32, #tpu.memory_space<hbm>>
      tpu.enqueue_dma source(%dma_start3A_133 : memref<128xi32, #tpu.memory_space<hbm>>) target(%arg8 : memref<128xi32, #tpu.memory_space<vmem>>) target_semaphore(%run_scoped3A : memref<!tpu.dma_semaphore, #tpu.memory_space<semaphore_mem>>)
      %dma_wait3A_134 = tpu.memref_slice %arg3[%mul3A_2] : memref<4096xi32, #tpu.memory_space<hbm>> -> memref<128xi32, #tpu.memory_space<hbm>>
      %dma_wait3A_135 = tpu.memref_slice %arg3[%mul3A_2] : memref<4096xi32, #tpu.memory_space<hbm>> -> memref<128xi32, #tpu.memory_space<hbm>>
      tpu.wait_dma2 semaphore(%run_scoped3A : memref<!tpu.dma_semaphore, #tpu.memory_space<semaphore_mem>>) src(%dma_wait3A_135 : memref<128xi32, #tpu.memory_space<hbm>>) dst(%arg8 : memref<128xi32, #tpu.memory_space<vmem>>)
      tpu.yield
    }) : () -> ()
    "tpu.region"() ({
      %run_scoped3A = tpu.sem_alloc : memref<!tpu.dma_semaphore, #tpu.memory_space<semaphore_mem>>
      %dma_start3A_132 = tpu.memref_slice %arg4[%mul3A_2] : memref<4096xi32, #tpu.memory_space<hbm>> -> memref<128xi32, #tpu.memory_space<hbm>>
      %dma_start3A_133 = tpu.memref_slice %arg4[%mul3A_2] : memref<4096xi32, #tpu.memory_space<hbm>> -> memref<128xi32, #tpu.memory_space<hbm>>
      tpu.enqueue_dma source(%dma_start3A_133 : memref<128xi32, #tpu.memory_space<hbm>>) target(%arg9 : memref<128xi32, #tpu.memory_space<vmem>>) target_semaphore(%run_scoped3A : memref<!tpu.dma_semaphore, #tpu.memory_space<semaphore_mem>>)
      %dma_wait3A_134 = tpu.memref_slice %arg4[%mul3A_2] : memref<4096xi32, #tpu.memory_space<hbm>> -> memref<128xi32, #tpu.memory_space<hbm>>
      %dma_wait3A_135 = tpu.memref_slice %arg4[%mul3A_2] : memref<4096xi32, #tpu.memory_space<hbm>> -> memref<128xi32, #tpu.memory_space<hbm>>
      tpu.wait_dma2 semaphore(%run_scoped3A : memref<!tpu.dma_semaphore, #tpu.memory_space<semaphore_mem>>) src(%dma_wait3A_135 : memref<128xi32, #tpu.memory_space<hbm>>) dst(%arg9 : memref<128xi32, #tpu.memory_space<vmem>>)
      tpu.yield
    }) : () -> ()
    %iota3A = tpu.iota {dimensions = array<i32: 0>} : vector<16xi32>
    %add3A_8 = arith.constant 0 : i32
    %add3A_9 = vector.broadcast %add3A_8 : i32 to vector<16xi32>
    %add3A_10 = arith.addi %add3A_9, %iota3A : vector<16xi32>
    %mul3A_11 = arith.constant 2 : i32
    %mul3A_12 = vector.broadcast %mul3A_11 : i32 to vector<16xi32>
    %mul3A_13 = arith.muli %mul3A_12, %add3A_10 : vector<16xi32>
    %add3A_14 = arith.constant 0 : i32
    %add3A_15 = vector.broadcast %add3A_14 : i32 to vector<16xi32>
    %add3A_16 = arith.addi %mul3A_13, %add3A_15 : vector<16xi32>
    %gather3A = tpu.vector_load_idx %arg8[%add3A_16] : memref<128xi32, #tpu.memory_space<vmem>>[vector<16xi32>], vector<16xi32>,
    %gather3A_17 = tpu.vector_load_idx %arg9[%add3A_16] : memref<128xi32, #tpu.memory_space<vmem>>[vector<16xi32>], vector<16xi32>,
    %gather3A_18 = tpu.vector_load_idx %arg7[%gather3A] : memref<16xi32, #tpu.memory_space<vmem>>[vector<16xi32>], vector<16xi32>,
    %add3A_19 = arith.addi %gather3A_18, %gather3A_17 : vector<16xi32>
    %swap3A = arith.constant 0 : index
    %swap3A_20 = tpu.vector_load %arg10[%swap3A] {strides = array<i32>} : memref<64xi32, #tpu.memory_space<vmem>>, vector<16xi32>,
    tpu.vector_store %arg10[%swap3A], %add3A_19 {strides = array<i32>} : memref<64xi32, #tpu.memory_space<vmem>>, vector<16xi32>,
    %mul3A_21 = arith.constant 2 : i32
    %mul3A_22 = vector.broadcast %mul3A_21 : i32 to vector<16xi32>
    %mul3A_23 = arith.muli %mul3A_22, %add3A_10 : vector<16xi32>
    %add3A_24 = arith.constant 1 : i32
    %add3A_25 = vector.broadcast %add3A_24 : i32 to vector<16xi32>
    %add3A_26 = arith.addi %mul3A_23, %add3A_25 : vector<16xi32>
    %gather3A_27 = tpu.vector_load_idx %arg8[%add3A_26] : memref<128xi32, #tpu.memory_space<vmem>>[vector<16xi32>], vector<16xi32>,
    %gather3A_28 = tpu.vector_load_idx %arg9[%add3A_26] : memref<128xi32, #tpu.memory_space<vmem>>[vector<16xi32>], vector<16xi32>,
    %gather3A_29 = tpu.vector_load_idx %arg7[%gather3A_27] : memref<16xi32, #tpu.memory_space<vmem>>[vector<16xi32>], vector<16xi32>,
    %add3A_30 = arith.addi %gather3A_29, %gather3A_28 : vector<16xi32>
    %swap3A_31 = arith.constant 0 : index
    %swap3A_32 = tpu.vector_load %arg11[%swap3A_31] {strides = array<i32>} : memref<64xi32, #tpu.memory_space<vmem>>, vector<16xi32>,
    tpu.vector_store %arg11[%swap3A_31], %add3A_30 {strides = array<i32>} : memref<64xi32, #tpu.memory_space<vmem>>, vector<16xi32>,
    %iota3A_33 = tpu.iota {dimensions = array<i32: 0>} : vector<16xi32>
    %add3A_34 = arith.constant 16 : i32
    %add3A_35 = vector.broadcast %add3A_34 : i32 to vector<16xi32>
    %add3A_36 = arith.addi %add3A_35, %iota3A_33 : vector<16xi32>
    %mul3A_37 = arith.constant 2 : i32
    %mul3A_38 = vector.broadcast %mul3A_37 : i32 to vector<16xi32>
    %mul3A_39 = arith.muli %mul3A_38, %add3A_36 : vector<16xi32>
    %add3A_40 = arith.constant 0 : i32
    %add3A_41 = vector.broadcast %add3A_40 : i32 to vector<16xi32>
    %add3A_42 = arith.addi %mul3A_39, %add3A_41 : vector<16xi32>
    %gather3A_43 = tpu.vector_load_idx %arg8[%add3A_42] : memref<128xi32, #tpu.memory_space<vmem>>[vector<16xi32>], vector<16xi32>,
    %gather3A_44 = tpu.vector_load_idx %arg9[%add3A_42] : memref<128xi32, #tpu.memory_space<vmem>>[vector<16xi32>], vector<16xi32>,
    %gather3A_45 = tpu.vector_load_idx %arg7[%gather3A_43] : memref<16xi32, #tpu.memory_space<vmem>>[vector<16xi32>], vector<16xi32>,
    %add3A_46 = arith.addi %gather3A_45, %gather3A_44 : vector<16xi32>
    %swap3A_47 = arith.constant 16 : index
    %swap3A_48 = tpu.vector_load %arg10[%swap3A_47] {strides = array<i32>} : memref<64xi32, #tpu.memory_space<vmem>>, vector<16xi32>,
    tpu.vector_store %arg10[%swap3A_47], %add3A_46 {strides = array<i32>} : memref<64xi32, #tpu.memory_space<vmem>>, vector<16xi32>,
    %mul3A_49 = arith.constant 2 : i32
    %mul3A_50 = vector.broadcast %mul3A_49 : i32 to vector<16xi32>
    %mul3A_51 = arith.muli %mul3A_50, %add3A_36 : vector<16xi32>
    %add3A_52 = arith.constant 1 : i32
    %add3A_53 = vector.broadcast %add3A_52 : i32 to vector<16xi32>
    %add3A_54 = arith.addi %mul3A_51, %add3A_53 : vector<16xi32>
    %gather3A_55 = tpu.vector_load_idx %arg8[%add3A_54] : memref<128xi32, #tpu.memory_space<vmem>>[vector<16xi32>], vector<16xi32>,
    %gather3A_56 = tpu.vector_load_idx %arg9[%add3A_54] : memref<128xi32, #tpu.memory_space<vmem>>[vector<16xi32>], vector<16xi32>,
    %gather3A_57 = tpu.vector_load_idx %arg7[%gather3A_55] : memref<16xi32, #tpu.memory_space<vmem>>[vector<16xi32>], vector<16xi32>,
    %add3A_58 = arith.addi %gather3A_57, %gather3A_56 : vector<16xi32>
    %swap3A_59 = arith.constant 16 : index
    %swap3A_60 = tpu.vector_load %arg11[%swap3A_59] {strides = array<i32>} : memref<64xi32, #tpu.memory_space<vmem>>, vector<16xi32>,
    tpu.vector_store %arg11[%swap3A_59], %add3A_58 {strides = array<i32>} : memref<64xi32, #tpu.memory_space<vmem>>, vector<16xi32>,
    %iota3A_61 = tpu.iota {dimensions = array<i32: 0>} : vector<16xi32>
    %add3A_62 = arith.constant 32 : i32
    %add3A_63 = vector.broadcast %add3A_62 : i32 to vector<16xi32>
    %add3A_64 = arith.addi %add3A_63, %iota3A_61 : vector<16xi32>
    %mul3A_65 = arith.constant 2 : i32
    %mul3A_66 = vector.broadcast %mul3A_65 : i32 to vector<16xi32>
    %mul3A_67 = arith.muli %mul3A_66, %add3A_64 : vector<16xi32>
    %add3A_68 = arith.constant 0 : i32
    %add3A_69 = vector.broadcast %add3A_68 : i32 to vector<16xi32>
    %add3A_70 = arith.addi %mul3A_67, %add3A_69 : vector<16xi32>
    %gather3A_71 = tpu.vector_load_idx %arg8[%add3A_70] : memref<128xi32, #tpu.memory_space<vmem>>[vector<16xi32>], vector<16xi32>,
    %gather3A_72 = tpu.vector_load_idx %arg9[%add3A_70] : memref<128xi32, #tpu.memory_space<vmem>>[vector<16xi32>], vector<16xi32>,
    %gather3A_73 = tpu.vector_load_idx %arg7[%gather3A_71] : memref<16xi32, #tpu.memory_space<vmem>>[vector<16xi32>], vector<16xi32>,
    %add3A_74 = arith.addi %gather3A_73, %gather3A_72 : vector<16xi32>
    %swap3A_75 = arith.constant 32 : index
    %swap3A_76 = tpu.vector_load %arg10[%swap3A_75] {strides = array<i32>} : memref<64xi32, #tpu.memory_space<vmem>>, vector<16xi32>,
    tpu.vector_store %arg10[%swap3A_75], %add3A_74 {strides = array<i32>} : memref<64xi32, #tpu.memory_space<vmem>>, vector<16xi32>,
    %mul3A_77 = arith.constant 2 : i32
    %mul3A_78 = vector.broadcast %mul3A_77 : i32 to vector<16xi32>
    %mul3A_79 = arith.muli %mul3A_78, %add3A_64 : vector<16xi32>
    %add3A_80 = arith.constant 1 : i32
    %add3A_81 = vector.broadcast %add3A_80 : i32 to vector<16xi32>
    %add3A_82 = arith.addi %mul3A_79, %add3A_81 : vector<16xi32>
    %gather3A_83 = tpu.vector_load_idx %arg8[%add3A_82] : memref<128xi32, #tpu.memory_space<vmem>>[vector<16xi32>], vector<16xi32>,
    %gather3A_84 = tpu.vector_load_idx %arg9[%add3A_82] : memref<128xi32, #tpu.memory_space<vmem>>[vector<16xi32>], vector<16xi32>,
    %gather3A_85 = tpu.vector_load_idx %arg7[%gather3A_83] : memref<16xi32, #tpu.memory_space<vmem>>[vector<16xi32>], vector<16xi32>,
    %add3A_86 = arith.addi %gather3A_85, %gather3A_84 : vector<16xi32>
    %swap3A_87 = arith.constant 32 : index
    %swap3A_88 = tpu.vector_load %arg11[%swap3A_87] {strides = array<i32>} : memref<64xi32, #tpu.memory_space<vmem>>, vector<16xi32>,
    tpu.vector_store %arg11[%swap3A_87], %add3A_86 {strides = array<i32>} : memref<64xi32, #tpu.memory_space<vmem>>, vector<16xi32>,
    %iota3A_89 = tpu.iota {dimensions = array<i32: 0>} : vector<16xi32>
    %add3A_90 = arith.constant 48 : i32
    %add3A_91 = vector.broadcast %add3A_90 : i32 to vector<16xi32>
    %add3A_92 = arith.addi %add3A_91, %iota3A_89 : vector<16xi32>
    %mul3A_93 = arith.constant 2 : i32
    %mul3A_94 = vector.broadcast %mul3A_93 : i32 to vector<16xi32>
    %mul3A_95 = arith.muli %mul3A_94, %add3A_92 : vector<16xi32>
    %add3A_96 = arith.constant 0 : i32
    %add3A_97 = vector.broadcast %add3A_96 : i32 to vector<16xi32>
    %add3A_98 = arith.addi %mul3A_95, %add3A_97 : vector<16xi32>
    %gather3A_99 = tpu.vector_load_idx %arg8[%add3A_98] : memref<128xi32, #tpu.memory_space<vmem>>[vector<16xi32>], vector<16xi32>,
    %gather3A_100 = tpu.vector_load_idx %arg9[%add3A_98] : memref<128xi32, #tpu.memory_space<vmem>>[vector<16xi32>], vector<16xi32>,
    %gather3A_101 = tpu.vector_load_idx %arg7[%gather3A_99] : memref<16xi32, #tpu.memory_space<vmem>>[vector<16xi32>], vector<16xi32>,
    %add3A_102 = arith.addi %gather3A_101, %gather3A_100 : vector<16xi32>
    %swap3A_103 = arith.constant 48 : index
    %swap3A_104 = tpu.vector_load %arg10[%swap3A_103] {strides = array<i32>} : memref<64xi32, #tpu.memory_space<vmem>>, vector<16xi32>,
    tpu.vector_store %arg10[%swap3A_103], %add3A_102 {strides = array<i32>} : memref<64xi32, #tpu.memory_space<vmem>>, vector<16xi32>,
    %mul3A_105 = arith.constant 2 : i32
    %mul3A_106 = vector.broadcast %mul3A_105 : i32 to vector<16xi32>
    %mul3A_107 = arith.muli %mul3A_106, %add3A_92 : vector<16xi32>
    %add3A_108 = arith.constant 1 : i32
    %add3A_109 = vector.broadcast %add3A_108 : i32 to vector<16xi32>
    %add3A_110 = arith.addi %mul3A_107, %add3A_109 : vector<16xi32>
    %gather3A_111 = tpu.vector_load_idx %arg8[%add3A_110] : memref<128xi32, #tpu.memory_space<vmem>>[vector<16xi32>], vector<16xi32>,
    %gather3A_112 = tpu.vector_load_idx %arg9[%add3A_110] : memref<128xi32, #tpu.memory_space<vmem>>[vector<16xi32>], vector<16xi32>,
    %gather3A_113 = tpu.vector_load_idx %arg7[%gather3A_111] : memref<16xi32, #tpu.memory_space<vmem>>[vector<16xi32>], vector<16xi32>,
    %add3A_114 = arith.addi %gather3A_113, %gather3A_112 : vector<16xi32>
    %swap3A_115 = arith.constant 48 : index
    %swap3A_116 = tpu.vector_load %arg11[%swap3A_115] {strides = array<i32>} : memref<64xi32, #tpu.memory_space<vmem>>, vector<16xi32>,
    tpu.vector_store %arg11[%swap3A_115], %add3A_114 {strides = array<i32>} : memref<64xi32, #tpu.memory_space<vmem>>, vector<16xi32>,
    %dma_wait3A = arith.constant 0 : i32
    %dma_wait3A_117 = tpu.memref_slice %arg2[%mul3A_4, %dma_wait3A] : memref<2048x768xf32, #tpu.memory_space<hbm>> -> memref<64x768xf32, #tpu.memory_space<hbm>>
    %dma_wait3A_118 = arith.constant 0 : i32
    %dma_wait3A_119 = tpu.memref_slice %arg2[%mul3A_4, %dma_wait3A_118] : memref<2048x768xf32, #tpu.memory_space<hbm>> -> memref<64x768xf32, #tpu.memory_space<hbm>>
    tpu.wait_dma2 semaphore(%arg13 : memref<!tpu.dma_semaphore, #tpu.memory_space<semaphore_mem>>) src(%dma_wait3A_119 : memref<64x768xf32, #tpu.memory_space<hbm>>) dst(%arg12 : memref<64x768xf32, #tpu.memory_space<vmem>>)
    %dma_start3A_120 = arith.constant 0 : i32
    %dma_start3A_121 = arith.constant 0 : i32
    %dma_start3A_122 = tpu.memref_slice %arg6[%dma_start3A_120, %dma_start3A_121] : memref<6144x768xf32, #tpu.memory_space<hbm>> -> memref<6144x768xf32, #tpu.memory_space<hbm>>
    tpu.enqueue_indirect_dma source(%arg12 : memref<64x768xf32, #tpu.memory_space<vmem>>) target(%dma_start3A_122 : memref<6144x768xf32, #tpu.memory_space<hbm>>) offsets(%arg10 : memref<64xi32, #tpu.memory_space<vmem>>) semaphore(%arg14 : memref<!tpu.dma_semaphore, #tpu.memory_space<semaphore_mem>>)
    %dma_start3A_123 = arith.constant 0 : i32
    %dma_start3A_124 = arith.constant 0 : i32
    %dma_start3A_125 = tpu.memref_slice %arg6[%dma_start3A_123, %dma_start3A_124] : memref<6144x768xf32, #tpu.memory_space<hbm>> -> memref<6144x768xf32, #tpu.memory_space<hbm>>
    tpu.enqueue_indirect_dma source(%arg12 : memref<64x768xf32, #tpu.memory_space<vmem>>) target(%dma_start3A_125 : memref<6144x768xf32, #tpu.memory_space<hbm>>) offsets(%arg11 : memref<64xi32, #tpu.memory_space<vmem>>) semaphore(%arg15 : memref<!tpu.dma_semaphore, #tpu.memory_space<semaphore_mem>>)
    %dma_wait3A_126 = arith.constant 0 : i32
    %dma_wait3A_127 = arith.constant 0 : i32
    %dma_wait3A_128 = tpu.memref_slice %arg6[%dma_wait3A_126, %dma_wait3A_127] : memref<6144x768xf32, #tpu.memory_space<hbm>> -> memref<6144x768xf32, #tpu.memory_space<hbm>>
    tpu.wait_indirect_dma semaphore(%arg14 : memref<!tpu.dma_semaphore, #tpu.memory_space<semaphore_mem>>) src(%arg12 : memref<64x768xf32, #tpu.memory_space<vmem>>) dst(%dma_wait3A_128 : memref<6144x768xf32, #tpu.memory_space<hbm>>)
    %dma_wait3A_129 = arith.constant 0 : i32
    %dma_wait3A_130 = arith.constant 0 : i32
    %dma_wait3A_131 = tpu.memref_slice %arg6[%dma_wait3A_129, %dma_wait3A_130] : memref<6144x768xf32, #tpu.memory_space<hbm>> -> memref<6144x768xf32, #tpu.memory_space<hbm>>
    tpu.wait_indirect_dma semaphore(%arg15 : memref<!tpu.dma_semaphore, #tpu.memory_space<semaphore_mem>>) src(%arg12 : memref<64x768xf32, #tpu.memory_space<vmem>>) dst(%dma_wait3A_131 : memref<6144x768xf32, #tpu.memory_space<hbm>>)
    return
  }
}

#map = affine_map<(d0, d1) -> (0, 0)>
#map1 = affine_map<(d0, d1) -> (0)>
module attributes {stable_mosaic.version = 14 : i64} {
  func.func @_sc_combine(%arg0: i32, %arg1: i32, %arg2: memref<6144x768xf32, #tpu.memory_space<hbm>>, %arg3: memref<4096xi32, #tpu.memory_space<hbm>>, %arg4: memref<4096xi32, #tpu.memory_space<hbm>>, %arg5: memref<4096xf32, #tpu.memory_space<hbm>>, %arg6: memref<16xi32, #tpu.memory_space<hbm>>, %arg7: memref<2048x768xf32, #tpu.memory_space<hbm>>, %arg8: memref<16xi32, #tpu.memory_space<vmem>>, %arg9: memref<128xi32, #tpu.memory_space<vmem>>, %arg10: memref<128xi32, #tpu.memory_space<vmem>>, %arg11: memref<128xf32, #tpu.memory_space<vmem>>, %arg12: memref<128xi32, #tpu.memory_space<vmem>>, %arg13: memref<128x768xf32, #tpu.memory_space<vmem>>, %arg14: memref<!tpu.dma_semaphore, #tpu.memory_space<semaphore_mem>>) attributes {dimension_semantics = [#tpu.dimension_semantics<core_parallel>, #tpu.dimension_semantics<subcore_parallel>], iteration_bounds = array<i64: 2, 16>, scalar_prefetch = 0 : i64, scratch_operands = 7 : i64, tpu.core_type = #tpu.core_type<sc_vector_subcore>, window_params = [{transform_indices = #map}, {transform_indices = #map1}, {transform_indices = #map1}, {transform_indices = #map1}, {transform_indices = #map1}, {transform_indices = #map}]} {
    %mul3A = arith.constant 2 : i32
    %mul3A_0 = arith.muli %arg1, %mul3A : i32
    %add3A = arith.addi %mul3A_0, %arg0 : i32
    %mul3A_1 = arith.constant 128 : i32
    %mul3A_2 = arith.muli %add3A, %mul3A_1 : i32
    %mul3A_3 = arith.constant 64 : i32
    %mul3A_4 = arith.muli %add3A, %mul3A_3 : i32
    "tpu.region"() ({
      %run_scoped3A = tpu.sem_alloc : memref<!tpu.dma_semaphore, #tpu.memory_space<semaphore_mem>>
      tpu.enqueue_dma source(%arg6 : memref<16xi32, #tpu.memory_space<hbm>>) target(%arg8 : memref<16xi32, #tpu.memory_space<vmem>>) target_semaphore(%run_scoped3A : memref<!tpu.dma_semaphore, #tpu.memory_space<semaphore_mem>>)
      tpu.wait_dma2 semaphore(%run_scoped3A : memref<!tpu.dma_semaphore, #tpu.memory_space<semaphore_mem>>) src(%arg6 : memref<16xi32, #tpu.memory_space<hbm>>) dst(%arg8 : memref<16xi32, #tpu.memory_space<vmem>>)
      tpu.yield
    }) : () -> ()
    "tpu.region"() ({
      %run_scoped3A = tpu.sem_alloc : memref<!tpu.dma_semaphore, #tpu.memory_space<semaphore_mem>>
      %dma_start3A_139 = tpu.memref_slice %arg3[%mul3A_2] : memref<4096xi32, #tpu.memory_space<hbm>> -> memref<128xi32, #tpu.memory_space<hbm>>
      %dma_start3A_140 = tpu.memref_slice %arg3[%mul3A_2] : memref<4096xi32, #tpu.memory_space<hbm>> -> memref<128xi32, #tpu.memory_space<hbm>>
      tpu.enqueue_dma source(%dma_start3A_140 : memref<128xi32, #tpu.memory_space<hbm>>) target(%arg9 : memref<128xi32, #tpu.memory_space<vmem>>) target_semaphore(%run_scoped3A : memref<!tpu.dma_semaphore, #tpu.memory_space<semaphore_mem>>)
      %dma_wait3A_141 = tpu.memref_slice %arg3[%mul3A_2] : memref<4096xi32, #tpu.memory_space<hbm>> -> memref<128xi32, #tpu.memory_space<hbm>>
      %dma_wait3A_142 = tpu.memref_slice %arg3[%mul3A_2] : memref<4096xi32, #tpu.memory_space<hbm>> -> memref<128xi32, #tpu.memory_space<hbm>>
      tpu.wait_dma2 semaphore(%run_scoped3A : memref<!tpu.dma_semaphore, #tpu.memory_space<semaphore_mem>>) src(%dma_wait3A_142 : memref<128xi32, #tpu.memory_space<hbm>>) dst(%arg9 : memref<128xi32, #tpu.memory_space<vmem>>)
      tpu.yield
    }) : () -> ()
    "tpu.region"() ({
      %run_scoped3A = tpu.sem_alloc : memref<!tpu.dma_semaphore, #tpu.memory_space<semaphore_mem>>
      %dma_start3A_139 = tpu.memref_slice %arg4[%mul3A_2] : memref<4096xi32, #tpu.memory_space<hbm>> -> memref<128xi32, #tpu.memory_space<hbm>>
      %dma_start3A_140 = tpu.memref_slice %arg4[%mul3A_2] : memref<4096xi32, #tpu.memory_space<hbm>> -> memref<128xi32, #tpu.memory_space<hbm>>
      tpu.enqueue_dma source(%dma_start3A_140 : memref<128xi32, #tpu.memory_space<hbm>>) target(%arg10 : memref<128xi32, #tpu.memory_space<vmem>>) target_semaphore(%run_scoped3A : memref<!tpu.dma_semaphore, #tpu.memory_space<semaphore_mem>>)
      %dma_wait3A_141 = tpu.memref_slice %arg4[%mul3A_2] : memref<4096xi32, #tpu.memory_space<hbm>> -> memref<128xi32, #tpu.memory_space<hbm>>
      %dma_wait3A_142 = tpu.memref_slice %arg4[%mul3A_2] : memref<4096xi32, #tpu.memory_space<hbm>> -> memref<128xi32, #tpu.memory_space<hbm>>
      tpu.wait_dma2 semaphore(%run_scoped3A : memref<!tpu.dma_semaphore, #tpu.memory_space<semaphore_mem>>) src(%dma_wait3A_142 : memref<128xi32, #tpu.memory_space<hbm>>) dst(%arg10 : memref<128xi32, #tpu.memory_space<vmem>>)
      tpu.yield
    }) : () -> ()
    "tpu.region"() ({
      %run_scoped3A = tpu.sem_alloc : memref<!tpu.dma_semaphore, #tpu.memory_space<semaphore_mem>>
      %dma_start3A_139 = tpu.memref_slice %arg5[%mul3A_2] : memref<4096xf32, #tpu.memory_space<hbm>> -> memref<128xf32, #tpu.memory_space<hbm>>
      %dma_start3A_140 = tpu.memref_slice %arg5[%mul3A_2] : memref<4096xf32, #tpu.memory_space<hbm>> -> memref<128xf32, #tpu.memory_space<hbm>>
      tpu.enqueue_dma source(%dma_start3A_140 : memref<128xf32, #tpu.memory_space<hbm>>) target(%arg11 : memref<128xf32, #tpu.memory_space<vmem>>) target_semaphore(%run_scoped3A : memref<!tpu.dma_semaphore, #tpu.memory_space<semaphore_mem>>)
      %dma_wait3A_141 = tpu.memref_slice %arg5[%mul3A_2] : memref<4096xf32, #tpu.memory_space<hbm>> -> memref<128xf32, #tpu.memory_space<hbm>>
      %dma_wait3A_142 = tpu.memref_slice %arg5[%mul3A_2] : memref<4096xf32, #tpu.memory_space<hbm>> -> memref<128xf32, #tpu.memory_space<hbm>>
      tpu.wait_dma2 semaphore(%run_scoped3A : memref<!tpu.dma_semaphore, #tpu.memory_space<semaphore_mem>>) src(%dma_wait3A_142 : memref<128xf32, #tpu.memory_space<hbm>>) dst(%arg11 : memref<128xf32, #tpu.memory_space<vmem>>)
      tpu.yield
    }) : () -> ()
    %iota3A = tpu.iota {dimensions = array<i32: 0>} : vector<16xi32>
    %add3A_5 = arith.constant 0 : i32
    %add3A_6 = vector.broadcast %add3A_5 : i32 to vector<16xi32>
    %add3A_7 = arith.addi %add3A_6, %iota3A : vector<16xi32>
    %mul3A_8 = arith.constant 2 : i32
    %mul3A_9 = vector.broadcast %mul3A_8 : i32 to vector<16xi32>
    %mul3A_10 = arith.muli %mul3A_9, %add3A_7 : vector<16xi32>
    %add3A_11 = arith.constant 0 : i32
    %add3A_12 = vector.broadcast %add3A_11 : i32 to vector<16xi32>
    %add3A_13 = arith.addi %mul3A_10, %add3A_12 : vector<16xi32>
    %gather3A = tpu.vector_load_idx %arg9[%add3A_13] : memref<128xi32, #tpu.memory_space<vmem>>[vector<16xi32>], vector<16xi32>,
    %gather3A_14 = tpu.vector_load_idx %arg10[%add3A_13] : memref<128xi32, #tpu.memory_space<vmem>>[vector<16xi32>], vector<16xi32>,
    %gather3A_15 = tpu.vector_load_idx %arg8[%gather3A] : memref<16xi32, #tpu.memory_space<vmem>>[vector<16xi32>], vector<16xi32>,
    %add3A_16 = arith.addi %gather3A_15, %gather3A_14 : vector<16xi32>
    %swap3A = arith.constant 0 : index
    %swap3A_17 = tpu.vector_load %arg12[%swap3A] {strides = array<i32>} : memref<128xi32, #tpu.memory_space<vmem>>, vector<16xi32>,
    tpu.vector_store %arg12[%swap3A], %add3A_16 {strides = array<i32>} : memref<128xi32, #tpu.memory_space<vmem>>, vector<16xi32>,
    %iota3A_18 = tpu.iota {dimensions = array<i32: 0>} : vector<16xi32>
    %add3A_19 = arith.constant 16 : i32
    %add3A_20 = vector.broadcast %add3A_19 : i32 to vector<16xi32>
    %add3A_21 = arith.addi %add3A_20, %iota3A_18 : vector<16xi32>
    %mul3A_22 = arith.constant 2 : i32
    %mul3A_23 = vector.broadcast %mul3A_22 : i32 to vector<16xi32>
    %mul3A_24 = arith.muli %mul3A_23, %add3A_21 : vector<16xi32>
    %add3A_25 = arith.constant 0 : i32
    %add3A_26 = vector.broadcast %add3A_25 : i32 to vector<16xi32>
    %add3A_27 = arith.addi %mul3A_24, %add3A_26 : vector<16xi32>
    %gather3A_28 = tpu.vector_load_idx %arg9[%add3A_27] : memref<128xi32, #tpu.memory_space<vmem>>[vector<16xi32>], vector<16xi32>,
    %gather3A_29 = tpu.vector_load_idx %arg10[%add3A_27] : memref<128xi32, #tpu.memory_space<vmem>>[vector<16xi32>], vector<16xi32>,
    %gather3A_30 = tpu.vector_load_idx %arg8[%gather3A_28] : memref<16xi32, #tpu.memory_space<vmem>>[vector<16xi32>], vector<16xi32>,
    %add3A_31 = arith.addi %gather3A_30, %gather3A_29 : vector<16xi32>
    %swap3A_32 = arith.constant 16 : index
    %swap3A_33 = tpu.vector_load %arg12[%swap3A_32] {strides = array<i32>} : memref<128xi32, #tpu.memory_space<vmem>>, vector<16xi32>,
    tpu.vector_store %arg12[%swap3A_32], %add3A_31 {strides = array<i32>} : memref<128xi32, #tpu.memory_space<vmem>>, vector<16xi32>,
    %iota3A_34 = tpu.iota {dimensions = array<i32: 0>} : vector<16xi32>
    %add3A_35 = arith.constant 32 : i32
    %add3A_36 = vector.broadcast %add3A_35 : i32 to vector<16xi32>
    %add3A_37 = arith.addi %add3A_36, %iota3A_34 : vector<16xi32>
    %mul3A_38 = arith.constant 2 : i32
    %mul3A_39 = vector.broadcast %mul3A_38 : i32 to vector<16xi32>
    %mul3A_40 = arith.muli %mul3A_39, %add3A_37 : vector<16xi32>
    %add3A_41 = arith.constant 0 : i32
    %add3A_42 = vector.broadcast %add3A_41 : i32 to vector<16xi32>
    %add3A_43 = arith.addi %mul3A_40, %add3A_42 : vector<16xi32>
    %gather3A_44 = tpu.vector_load_idx %arg9[%add3A_43] : memref<128xi32, #tpu.memory_space<vmem>>[vector<16xi32>], vector<16xi32>,
    %gather3A_45 = tpu.vector_load_idx %arg10[%add3A_43] : memref<128xi32, #tpu.memory_space<vmem>>[vector<16xi32>], vector<16xi32>,
    %gather3A_46 = tpu.vector_load_idx %arg8[%gather3A_44] : memref<16xi32, #tpu.memory_space<vmem>>[vector<16xi32>], vector<16xi32>,
    %add3A_47 = arith.addi %gather3A_46, %gather3A_45 : vector<16xi32>
    %swap3A_48 = arith.constant 32 : index
    %swap3A_49 = tpu.vector_load %arg12[%swap3A_48] {strides = array<i32>} : memref<128xi32, #tpu.memory_space<vmem>>, vector<16xi32>,
    tpu.vector_store %arg12[%swap3A_48], %add3A_47 {strides = array<i32>} : memref<128xi32, #tpu.memory_space<vmem>>, vector<16xi32>,
    %iota3A_50 = tpu.iota {dimensions = array<i32: 0>} : vector<16xi32>
    %add3A_51 = arith.constant 48 : i32
    %add3A_52 = vector.broadcast %add3A_51 : i32 to vector<16xi32>
    %add3A_53 = arith.addi %add3A_52, %iota3A_50 : vector<16xi32>
    %mul3A_54 = arith.constant 2 : i32
    %mul3A_55 = vector.broadcast %mul3A_54 : i32 to vector<16xi32>
    %mul3A_56 = arith.muli %mul3A_55, %add3A_53 : vector<16xi32>
    %add3A_57 = arith.constant 0 : i32
    %add3A_58 = vector.broadcast %add3A_57 : i32 to vector<16xi32>
    %add3A_59 = arith.addi %mul3A_56, %add3A_58 : vector<16xi32>
    %gather3A_60 = tpu.vector_load_idx %arg9[%add3A_59] : memref<128xi32, #tpu.memory_space<vmem>>[vector<16xi32>], vector<16xi32>,
    %gather3A_61 = tpu.vector_load_idx %arg10[%add3A_59] : memref<128xi32, #tpu.memory_space<vmem>>[vector<16xi32>], vector<16xi32>,
    %gather3A_62 = tpu.vector_load_idx %arg8[%gather3A_60] : memref<16xi32, #tpu.memory_space<vmem>>[vector<16xi32>], vector<16xi32>,
    %add3A_63 = arith.addi %gather3A_62, %gather3A_61 : vector<16xi32>
    %swap3A_64 = arith.constant 48 : index
    %swap3A_65 = tpu.vector_load %arg12[%swap3A_64] {strides = array<i32>} : memref<128xi32, #tpu.memory_space<vmem>>, vector<16xi32>,
    tpu.vector_store %arg12[%swap3A_64], %add3A_63 {strides = array<i32>} : memref<128xi32, #tpu.memory_space<vmem>>, vector<16xi32>,
    %iota3A_66 = tpu.iota {dimensions = array<i32: 0>} : vector<16xi32>
    %add3A_67 = arith.constant 0 : i32
    %add3A_68 = vector.broadcast %add3A_67 : i32 to vector<16xi32>
    %add3A_69 = arith.addi %add3A_68, %iota3A_66 : vector<16xi32>
    %mul3A_70 = arith.constant 2 : i32
    %mul3A_71 = vector.broadcast %mul3A_70 : i32 to vector<16xi32>
    %mul3A_72 = arith.muli %mul3A_71, %add3A_69 : vector<16xi32>
    %add3A_73 = arith.constant 1 : i32
    %add3A_74 = vector.broadcast %add3A_73 : i32 to vector<16xi32>
    %add3A_75 = arith.addi %mul3A_72, %add3A_74 : vector<16xi32>
    %gather3A_76 = tpu.vector_load_idx %arg9[%add3A_75] : memref<128xi32, #tpu.memory_space<vmem>>[vector<16xi32>], vector<16xi32>,
    %gather3A_77 = tpu.vector_load_idx %arg10[%add3A_75] : memref<128xi32, #tpu.memory_space<vmem>>[vector<16xi32>], vector<16xi32>,
    %gather3A_78 = tpu.vector_load_idx %arg8[%gather3A_76] : memref<16xi32, #tpu.memory_space<vmem>>[vector<16xi32>], vector<16xi32>,
    %add3A_79 = arith.addi %gather3A_78, %gather3A_77 : vector<16xi32>
    %swap3A_80 = arith.constant 64 : index
    %swap3A_81 = tpu.vector_load %arg12[%swap3A_80] {strides = array<i32>} : memref<128xi32, #tpu.memory_space<vmem>>, vector<16xi32>,
    tpu.vector_store %arg12[%swap3A_80], %add3A_79 {strides = array<i32>} : memref<128xi32, #tpu.memory_space<vmem>>, vector<16xi32>,
    %iota3A_82 = tpu.iota {dimensions = array<i32: 0>} : vector<16xi32>
    %add3A_83 = arith.constant 16 : i32
    %add3A_84 = vector.broadcast %add3A_83 : i32 to vector<16xi32>
    %add3A_85 = arith.addi %add3A_84, %iota3A_82 : vector<16xi32>
    %mul3A_86 = arith.constant 2 : i32
    %mul3A_87 = vector.broadcast %mul3A_86 : i32 to vector<16xi32>
    %mul3A_88 = arith.muli %mul3A_87, %add3A_85 : vector<16xi32>
    %add3A_89 = arith.constant 1 : i32
    %add3A_90 = vector.broadcast %add3A_89 : i32 to vector<16xi32>
    %add3A_91 = arith.addi %mul3A_88, %add3A_90 : vector<16xi32>
    %gather3A_92 = tpu.vector_load_idx %arg9[%add3A_91] : memref<128xi32, #tpu.memory_space<vmem>>[vector<16xi32>], vector<16xi32>,
    %gather3A_93 = tpu.vector_load_idx %arg10[%add3A_91] : memref<128xi32, #tpu.memory_space<vmem>>[vector<16xi32>], vector<16xi32>,
    %gather3A_94 = tpu.vector_load_idx %arg8[%gather3A_92] : memref<16xi32, #tpu.memory_space<vmem>>[vector<16xi32>], vector<16xi32>,
    %add3A_95 = arith.addi %gather3A_94, %gather3A_93 : vector<16xi32>
    %swap3A_96 = arith.constant 80 : index
    %swap3A_97 = tpu.vector_load %arg12[%swap3A_96] {strides = array<i32>} : memref<128xi32, #tpu.memory_space<vmem>>, vector<16xi32>,
    tpu.vector_store %arg12[%swap3A_96], %add3A_95 {strides = array<i32>} : memref<128xi32, #tpu.memory_space<vmem>>, vector<16xi32>,
    %iota3A_98 = tpu.iota {dimensions = array<i32: 0>} : vector<16xi32>
    %add3A_99 = arith.constant 32 : i32
    %add3A_100 = vector.broadcast %add3A_99 : i32 to vector<16xi32>
    %add3A_101 = arith.addi %add3A_100, %iota3A_98 : vector<16xi32>
    %mul3A_102 = arith.constant 2 : i32
    %mul3A_103 = vector.broadcast %mul3A_102 : i32 to vector<16xi32>
    %mul3A_104 = arith.muli %mul3A_103, %add3A_101 : vector<16xi32>
    %add3A_105 = arith.constant 1 : i32
    %add3A_106 = vector.broadcast %add3A_105 : i32 to vector<16xi32>
    %add3A_107 = arith.addi %mul3A_104, %add3A_106 : vector<16xi32>
    %gather3A_108 = tpu.vector_load_idx %arg9[%add3A_107] : memref<128xi32, #tpu.memory_space<vmem>>[vector<16xi32>], vector<16xi32>,
    %gather3A_109 = tpu.vector_load_idx %arg10[%add3A_107] : memref<128xi32, #tpu.memory_space<vmem>>[vector<16xi32>], vector<16xi32>,
    %gather3A_110 = tpu.vector_load_idx %arg8[%gather3A_108] : memref<16xi32, #tpu.memory_space<vmem>>[vector<16xi32>], vector<16xi32>,
    %add3A_111 = arith.addi %gather3A_110, %gather3A_109 : vector<16xi32>
    %swap3A_112 = arith.constant 96 : index
    %swap3A_113 = tpu.vector_load %arg12[%swap3A_112] {strides = array<i32>} : memref<128xi32, #tpu.memory_space<vmem>>, vector<16xi32>,
    tpu.vector_store %arg12[%swap3A_112], %add3A_111 {strides = array<i32>} : memref<128xi32, #tpu.memory_space<vmem>>, vector<16xi32>,
    %iota3A_114 = tpu.iota {dimensions = array<i32: 0>} : vector<16xi32>
    %add3A_115 = arith.constant 48 : i32
    %add3A_116 = vector.broadcast %add3A_115 : i32 to vector<16xi32>
    %add3A_117 = arith.addi %add3A_116, %iota3A_114 : vector<16xi32>
    %mul3A_118 = arith.constant 2 : i32
    %mul3A_119 = vector.broadcast %mul3A_118 : i32 to vector<16xi32>
    %mul3A_120 = arith.muli %mul3A_119, %add3A_117 : vector<16xi32>
    %add3A_121 = arith.constant 1 : i32
    %add3A_122 = vector.broadcast %add3A_121 : i32 to vector<16xi32>
    %add3A_123 = arith.addi %mul3A_120, %add3A_122 : vector<16xi32>
    %gather3A_124 = tpu.vector_load_idx %arg9[%add3A_123] : memref<128xi32, #tpu.memory_space<vmem>>[vector<16xi32>], vector<16xi32>,
    %gather3A_125 = tpu.vector_load_idx %arg10[%add3A_123] : memref<128xi32, #tpu.memory_space<vmem>>[vector<16xi32>], vector<16xi32>,
    %gather3A_126 = tpu.vector_load_idx %arg8[%gather3A_124] : memref<16xi32, #tpu.memory_space<vmem>>[vector<16xi32>], vector<16xi32>,
    %add3A_127 = arith.addi %gather3A_126, %gather3A_125 : vector<16xi32>
    %swap3A_128 = arith.constant 112 : index
    %swap3A_129 = tpu.vector_load %arg12[%swap3A_128] {strides = array<i32>} : memref<128xi32, #tpu.memory_space<vmem>>, vector<16xi32>,
    tpu.vector_store %arg12[%swap3A_128], %add3A_127 {strides = array<i32>} : memref<128xi32, #tpu.memory_space<vmem>>, vector<16xi32>,
    %dma_start3A = arith.constant 0 : i32
    %dma_start3A_130 = arith.constant 0 : i32
    %dma_start3A_131 = tpu.memref_slice %arg2[%dma_start3A, %dma_start3A_130] : memref<6144x768xf32, #tpu.memory_space<hbm>> -> memref<6144x768xf32, #tpu.memory_space<hbm>>
    tpu.enqueue_indirect_dma source(%dma_start3A_131 : memref<6144x768xf32, #tpu.memory_space<hbm>>) target(%arg13 : memref<128x768xf32, #tpu.memory_space<vmem>>) offsets(%arg12 : memref<128xi32, #tpu.memory_space<vmem>>) semaphore(%arg14 : memref<!tpu.dma_semaphore, #tpu.memory_space<semaphore_mem>>)
    %dma_wait3A = arith.constant 0 : i32
    %dma_wait3A_132 = arith.constant 0 : i32
    %dma_wait3A_133 = tpu.memref_slice %arg2[%dma_wait3A, %dma_wait3A_132] : memref<6144x768xf32, #tpu.memory_space<hbm>> -> memref<6144x768xf32, #tpu.memory_space<hbm>>
    tpu.wait_indirect_dma semaphore(%arg14 : memref<!tpu.dma_semaphore, #tpu.memory_space<semaphore_mem>>) src(%dma_wait3A_133 : memref<6144x768xf32, #tpu.memory_space<hbm>>) dst(%arg13 : memref<128x768xf32, #tpu.memory_space<vmem>>)
    %scan3A = arith.constant 0 : i32
    %scan3A_134 = arith.constant 0 : i32
    %scan3A_135 = arith.constant 64 : i32
    %scan3A_136 = arith.addi %scan3A_134, %scan3A_135 : i32
    %scan3A_137 = arith.constant 1 : i32
    scf.for %scan3A_139 = %scan3A_134 to %scan3A_136 step %scan3A_137  : i32 {
      %broadcast_in_dim3A = arith.constant 0 : i32
      %broadcast_in_dim3A_140 = vector.broadcast %broadcast_in_dim3A : i32 to vector<16xi32>
      %mul3A_141 = arith.constant 2 : i32
      %mul3A_142 = arith.muli %mul3A_141, %scan3A_139 : i32
      %add3A_143 = vector.broadcast %mul3A_142 : i32 to vector<16xi32>
      %add3A_144 = arith.addi %broadcast_in_dim3A_140, %add3A_143 : vector<16xi32>
      %gather3A_145 = tpu.vector_load_idx %arg11[%add3A_144] : memref<128xf32, #tpu.memory_space<vmem>>[vector<16xi32>], vector<16xf32>,
      %add3A_146 = arith.constant 1 : i32
      %add3A_147 = vector.broadcast %add3A_146 : i32 to vector<16xi32>
      %add3A_148 = arith.addi %add3A_144, %add3A_147 : vector<16xi32>
      %gather3A_149 = tpu.vector_load_idx %arg11[%add3A_148] : memref<128xf32, #tpu.memory_space<vmem>>[vector<16xi32>], vector<16xf32>,
      %get3A = arith.index_cast %scan3A_139 : i32 to index
      %get3A_150 = arith.constant 0 : index
      %get3A_151 = tpu.vector_load %arg13[%get3A, %get3A_150] {strides = array<i32>} : memref<128x768xf32, #tpu.memory_space<vmem>>, vector<16xf32>,
      %mul3A_152 = arith.mulf %get3A_151, %gather3A_145 : vector<16xf32>
      %add3A_153 = arith.constant 64 : i32
      %add3A_154 = arith.addi %add3A_153, %scan3A_139 : i32
      %get3A_155 = arith.index_cast %add3A_154 : i32 to index
      %get3A_156 = arith.constant 0 : index
      %get3A_157 = tpu.vector_load %arg13[%get3A_155, %get3A_156] {strides = array<i32>} : memref<128x768xf32, #tpu.memory_space<vmem>>, vector<16xf32>,
      %mul3A_158 = arith.mulf %get3A_157, %gather3A_149 : vector<16xf32>
      %add3A_159 = arith.addf %mul3A_152, %mul3A_158 : vector<16xf32>
      %swap3A_160 = arith.index_cast %scan3A_139 : i32 to index
      %swap3A_161 = arith.constant 0 : index
      %swap3A_162 = tpu.vector_load %arg13[%swap3A_160, %swap3A_161] {strides = array<i32>} : memref<128x768xf32, #tpu.memory_space<vmem>>, vector<16xf32>,
      tpu.vector_store %arg13[%swap3A_160, %swap3A_161], %add3A_159 {strides = array<i32>} : memref<128x768xf32, #tpu.memory_space<vmem>>, vector<16xf32>,
      %get3A_163 = arith.index_cast %scan3A_139 : i32 to index
      %get3A_164 = arith.constant 16 : index
      %get3A_165 = tpu.vector_load %arg13[%get3A_163, %get3A_164] {strides = array<i32>} : memref<128x768xf32, #tpu.memory_space<vmem>>, vector<16xf32>,
      %mul3A_166 = arith.mulf %get3A_165, %gather3A_145 : vector<16xf32>
      %add3A_167 = arith.constant 64 : i32
      %add3A_168 = arith.addi %add3A_167, %scan3A_139 : i32
      %get3A_169 = arith.index_cast %add3A_168 : i32 to index
      %get3A_170 = arith.constant 16 : index
      %get3A_171 = tpu.vector_load %arg13[%get3A_169, %get3A_170] {strides = array<i32>} : memref<128x768xf32, #tpu.memory_space<vmem>>, vector<16xf32>,
      %mul3A_172 = arith.mulf %get3A_171, %gather3A_149 : vector<16xf32>
      %add3A_173 = arith.addf %mul3A_166, %mul3A_172 : vector<16xf32>
      %swap3A_174 = arith.index_cast %scan3A_139 : i32 to index
      %swap3A_175 = arith.constant 16 : index
      %swap3A_176 = tpu.vector_load %arg13[%swap3A_174, %swap3A_175] {strides = array<i32>} : memref<128x768xf32, #tpu.memory_space<vmem>>, vector<16xf32>,
      tpu.vector_store %arg13[%swap3A_174, %swap3A_175], %add3A_173 {strides = array<i32>} : memref<128x768xf32, #tpu.memory_space<vmem>>, vector<16xf32>,
      %get3A_177 = arith.index_cast %scan3A_139 : i32 to index
      %get3A_178 = arith.constant 32 : index
      %get3A_179 = tpu.vector_load %arg13[%get3A_177, %get3A_178] {strides = array<i32>} : memref<128x768xf32, #tpu.memory_space<vmem>>, vector<16xf32>,
      %mul3A_180 = arith.mulf %get3A_179, %gather3A_145 : vector<16xf32>
      %add3A_181 = arith.constant 64 : i32
      %add3A_182 = arith.addi %add3A_181, %scan3A_139 : i32
      %get3A_183 = arith.index_cast %add3A_182 : i32 to index
      %get3A_184 = arith.constant 32 : index
      %get3A_185 = tpu.vector_load %arg13[%get3A_183, %get3A_184] {strides = array<i32>} : memref<128x768xf32, #tpu.memory_space<vmem>>, vector<16xf32>,
      %mul3A_186 = arith.mulf %get3A_185, %gather3A_149 : vector<16xf32>
      %add3A_187 = arith.addf %mul3A_180, %mul3A_186 : vector<16xf32>
      %swap3A_188 = arith.index_cast %scan3A_139 : i32 to index
      %swap3A_189 = arith.constant 32 : index
      %swap3A_190 = tpu.vector_load %arg13[%swap3A_188, %swap3A_189] {strides = array<i32>} : memref<128x768xf32, #tpu.memory_space<vmem>>, vector<16xf32>,
      tpu.vector_store %arg13[%swap3A_188, %swap3A_189], %add3A_187 {strides = array<i32>} : memref<128x768xf32, #tpu.memory_space<vmem>>, vector<16xf32>,
      %get3A_191 = arith.index_cast %scan3A_139 : i32 to index
      %get3A_192 = arith.constant 48 : index
      %get3A_193 = tpu.vector_load %arg13[%get3A_191, %get3A_192] {strides = array<i32>} : memref<128x768xf32, #tpu.memory_space<vmem>>, vector<16xf32>,
      %mul3A_194 = arith.mulf %get3A_193, %gather3A_145 : vector<16xf32>
      %add3A_195 = arith.constant 64 : i32
      %add3A_196 = arith.addi %add3A_195, %scan3A_139 : i32
      %get3A_197 = arith.index_cast %add3A_196 : i32 to index
      %get3A_198 = arith.constant 48 : index
      %get3A_199 = tpu.vector_load %arg13[%get3A_197, %get3A_198] {strides = array<i32>} : memref<128x768xf32, #tpu.memory_space<vmem>>, vector<16xf32>,
      %mul3A_200 = arith.mulf %get3A_199, %gather3A_149 : vector<16xf32>
      %add3A_201 = arith.addf %mul3A_194, %mul3A_200 : vector<16xf32>
      %swap3A_202 = arith.index_cast %scan3A_139 : i32 to index
      %swap3A_203 = arith.constant 48 : index
      %swap3A_204 = tpu.vector_load %arg13[%swap3A_202, %swap3A_203] {strides = array<i32>} : memref<128x768xf32, #tpu.memory_space<vmem>>, vector<16xf32>,
      tpu.vector_store %arg13[%swap3A_202, %swap3A_203], %add3A_201 {strides = array<i32>} : memref<128x768xf32, #tpu.memory_space<vmem>>, vector<16xf32>,
      %get3A_205 = arith.index_cast %scan3A_139 : i32 to index
      %get3A_206 = arith.constant 64 : index
      %get3A_207 = tpu.vector_load %arg13[%get3A_205, %get3A_206] {strides = array<i32>} : memref<128x768xf32, #tpu.memory_space<vmem>>, vector<16xf32>,
      %mul3A_208 = arith.mulf %get3A_207, %gather3A_145 : vector<16xf32>
      %add3A_209 = arith.constant 64 : i32
      %add3A_210 = arith.addi %add3A_209, %scan3A_139 : i32
      %get3A_211 = arith.index_cast %add3A_210 : i32 to index
      %get3A_212 = arith.constant 64 : index
      %get3A_213 = tpu.vector_load %arg13[%get3A_211, %get3A_212] {strides = array<i32>} : memref<128x768xf32, #tpu.memory_space<vmem>>, vector<16xf32>,
      %mul3A_214 = arith.mulf %get3A_213, %gather3A_149 : vector<16xf32>
      %add3A_215 = arith.addf %mul3A_208, %mul3A_214 : vector<16xf32>
      %swap3A_216 = arith.index_cast %scan3A_139 : i32 to index
      %swap3A_217 = arith.constant 64 : index
      %swap3A_218 = tpu.vector_load %arg13[%swap3A_216, %swap3A_217] {strides = array<i32>} : memref<128x768xf32, #tpu.memory_space<vmem>>, vector<16xf32>,
      tpu.vector_store %arg13[%swap3A_216, %swap3A_217], %add3A_215 {strides = array<i32>} : memref<128x768xf32, #tpu.memory_space<vmem>>, vector<16xf32>,
      %get3A_219 = arith.index_cast %scan3A_139 : i32 to index
      %get3A_220 = arith.constant 80 : index
      %get3A_221 = tpu.vector_load %arg13[%get3A_219, %get3A_220] {strides = array<i32>} : memref<128x768xf32, #tpu.memory_space<vmem>>, vector<16xf32>,
      %mul3A_222 = arith.mulf %get3A_221, %gather3A_145 : vector<16xf32>
      %add3A_223 = arith.constant 64 : i32
      %add3A_224 = arith.addi %add3A_223, %scan3A_139 : i32
      %get3A_225 = arith.index_cast %add3A_224 : i32 to index
      %get3A_226 = arith.constant 80 : index
      %get3A_227 = tpu.vector_load %arg13[%get3A_225, %get3A_226] {strides = array<i32>} : memref<128x768xf32, #tpu.memory_space<vmem>>, vector<16xf32>,
      %mul3A_228 = arith.mulf %get3A_227, %gather3A_149 : vector<16xf32>
      %add3A_229 = arith.addf %mul3A_222, %mul3A_228 : vector<16xf32>
      %swap3A_230 = arith.index_cast %scan3A_139 : i32 to index
      %swap3A_231 = arith.constant 80 : index
      %swap3A_232 = tpu.vector_load %arg13[%swap3A_230, %swap3A_231] {strides = array<i32>} : memref<128x768xf32, #tpu.memory_space<vmem>>, vector<16xf32>,
      tpu.vector_store %arg13[%swap3A_230, %swap3A_231], %add3A_229 {strides = array<i32>} : memref<128x768xf32, #tpu.memory_space<vmem>>, vector<16xf32>,
      %get3A_233 = arith.index_cast %scan3A_139 : i32 to index
      %get3A_234 = arith.constant 96 : index
      %get3A_235 = tpu.vector_load %arg13[%get3A_233, %get3A_234] {strides = array<i32>} : memref<128x768xf32, #tpu.memory_space<vmem>>, vector<16xf32>,
      %mul3A_236 = arith.mulf %get3A_235, %gather3A_145 : vector<16xf32>
      %add3A_237 = arith.constant 64 : i32
      %add3A_238 = arith.addi %add3A_237, %scan3A_139 : i32
      %get3A_239 = arith.index_cast %add3A_238 : i32 to index
      %get3A_240 = arith.constant 96 : index
      %get3A_241 = tpu.vector_load %arg13[%get3A_239, %get3A_240] {strides = array<i32>} : memref<128x768xf32, #tpu.memory_space<vmem>>, vector<16xf32>,
      %mul3A_242 = arith.mulf %get3A_241, %gather3A_149 : vector<16xf32>
      %add3A_243 = arith.addf %mul3A_236, %mul3A_242 : vector<16xf32>
      %swap3A_244 = arith.index_cast %scan3A_139 : i32 to index
      %swap3A_245 = arith.constant 96 : index
      %swap3A_246 = tpu.vector_load %arg13[%swap3A_244, %swap3A_245] {strides = array<i32>} : memref<128x768xf32, #tpu.memory_space<vmem>>, vector<16xf32>,
      tpu.vector_store %arg13[%swap3A_244, %swap3A_245], %add3A_243 {strides = array<i32>} : memref<128x768xf32, #tpu.memory_space<vmem>>, vector<16xf32>,
      %get3A_247 = arith.index_cast %scan3A_139 : i32 to index
      %get3A_248 = arith.constant 112 : index
      %get3A_249 = tpu.vector_load %arg13[%get3A_247, %get3A_248] {strides = array<i32>} : memref<128x768xf32, #tpu.memory_space<vmem>>, vector<16xf32>,
      %mul3A_250 = arith.mulf %get3A_249, %gather3A_145 : vector<16xf32>
      %add3A_251 = arith.constant 64 : i32
      %add3A_252 = arith.addi %add3A_251, %scan3A_139 : i32
      %get3A_253 = arith.index_cast %add3A_252 : i32 to index
      %get3A_254 = arith.constant 112 : index
      %get3A_255 = tpu.vector_load %arg13[%get3A_253, %get3A_254] {strides = array<i32>} : memref<128x768xf32, #tpu.memory_space<vmem>>, vector<16xf32>,
      %mul3A_256 = arith.mulf %get3A_255, %gather3A_149 : vector<16xf32>
      %add3A_257 = arith.addf %mul3A_250, %mul3A_256 : vector<16xf32>
      %swap3A_258 = arith.index_cast %scan3A_139 : i32 to index
      %swap3A_259 = arith.constant 112 : index
      %swap3A_260 = tpu.vector_load %arg13[%swap3A_258, %swap3A_259] {strides = array<i32>} : memref<128x768xf32, #tpu.memory_space<vmem>>, vector<16xf32>,
      tpu.vector_store %arg13[%swap3A_258, %swap3A_259], %add3A_257 {strides = array<i32>} : memref<128x768xf32, #tpu.memory_space<vmem>>, vector<16xf32>,
      %get3A_261 = arith.index_cast %scan3A_139 : i32 to index
      %get3A_262 = arith.constant 128 : index
      %get3A_263 = tpu.vector_load %arg13[%get3A_261, %get3A_262] {strides = array<i32>} : memref<128x768xf32, #tpu.memory_space<vmem>>, vector<16xf32>,
      %mul3A_264 = arith.mulf %get3A_263, %gather3A_145 : vector<16xf32>
      %add3A_265 = arith.constant 64 : i32
      %add3A_266 = arith.addi %add3A_265, %scan3A_139 : i32
      %get3A_267 = arith.index_cast %add3A_266 : i32 to index
      %get3A_268 = arith.constant 128 : index
      %get3A_269 = tpu.vector_load %arg13[%get3A_267, %get3A_268] {strides = array<i32>} : memref<128x768xf32, #tpu.memory_space<vmem>>, vector<16xf32>,
      %mul3A_270 = arith.mulf %get3A_269, %gather3A_149 : vector<16xf32>
      %add3A_271 = arith.addf %mul3A_264, %mul3A_270 : vector<16xf32>
      %swap3A_272 = arith.index_cast %scan3A_139 : i32 to index
      %swap3A_273 = arith.constant 128 : index
      %swap3A_274 = tpu.vector_load %arg13[%swap3A_272, %swap3A_273] {strides = array<i32>} : memref<128x768xf32, #tpu.memory_space<vmem>>, vector<16xf32>,
      tpu.vector_store %arg13[%swap3A_272, %swap3A_273], %add3A_271 {strides = array<i32>} : memref<128x768xf32, #tpu.memory_space<vmem>>, vector<16xf32>,
      %get3A_275 = arith.index_cast %scan3A_139 : i32 to index
      %get3A_276 = arith.constant 144 : index
      %get3A_277 = tpu.vector_load %arg13[%get3A_275, %get3A_276] {strides = array<i32>} : memref<128x768xf32, #tpu.memory_space<vmem>>, vector<16xf32>,
      %mul3A_278 = arith.mulf %get3A_277, %gather3A_145 : vector<16xf32>
      %add3A_279 = arith.constant 64 : i32
      %add3A_280 = arith.addi %add3A_279, %scan3A_139 : i32
      %get3A_281 = arith.index_cast %add3A_280 : i32 to index
      %get3A_282 = arith.constant 144 : index
      %get3A_283 = tpu.vector_load %arg13[%get3A_281, %get3A_282] {strides = array<i32>} : memref<128x768xf32, #tpu.memory_space<vmem>>, vector<16xf32>,
      %mul3A_284 = arith.mulf %get3A_283, %gather3A_149 : vector<16xf32>
      %add3A_285 = arith.addf %mul3A_278, %mul3A_284 : vector<16xf32>
      %swap3A_286 = arith.index_cast %scan3A_139 : i32 to index
      %swap3A_287 = arith.constant 144 : index
      %swap3A_288 = tpu.vector_load %arg13[%swap3A_286, %swap3A_287] {strides = array<i32>} : memref<128x768xf32, #tpu.memory_space<vmem>>, vector<16xf32>,
      tpu.vector_store %arg13[%swap3A_286, %swap3A_287], %add3A_285 {strides = array<i32>} : memref<128x768xf32, #tpu.memory_space<vmem>>, vector<16xf32>,
      %get3A_289 = arith.index_cast %scan3A_139 : i32 to index
      %get3A_290 = arith.constant 160 : index
      %get3A_291 = tpu.vector_load %arg13[%get3A_289, %get3A_290] {strides = array<i32>} : memref<128x768xf32, #tpu.memory_space<vmem>>, vector<16xf32>,
      %mul3A_292 = arith.mulf %get3A_291, %gather3A_145 : vector<16xf32>
      %add3A_293 = arith.constant 64 : i32
      %add3A_294 = arith.addi %add3A_293, %scan3A_139 : i32
      %get3A_295 = arith.index_cast %add3A_294 : i32 to index
      %get3A_296 = arith.constant 160 : index
      %get3A_297 = tpu.vector_load %arg13[%get3A_295, %get3A_296] {strides = array<i32>} : memref<128x768xf32, #tpu.memory_space<vmem>>, vector<16xf32>,
      %mul3A_298 = arith.mulf %get3A_297, %gather3A_149 : vector<16xf32>
      %add3A_299 = arith.addf %mul3A_292, %mul3A_298 : vector<16xf32>
      %swap3A_300 = arith.index_cast %scan3A_139 : i32 to index
      %swap3A_301 = arith.constant 160 : index
      %swap3A_302 = tpu.vector_load %arg13[%swap3A_300, %swap3A_301] {strides = array<i32>} : memref<128x768xf32, #tpu.memory_space<vmem>>, vector<16xf32>,
      tpu.vector_store %arg13[%swap3A_300, %swap3A_301], %add3A_299 {strides = array<i32>} : memref<128x768xf32, #tpu.memory_space<vmem>>, vector<16xf32>,
      %get3A_303 = arith.index_cast %scan3A_139 : i32 to index
      %get3A_304 = arith.constant 176 : index
      %get3A_305 = tpu.vector_load %arg13[%get3A_303, %get3A_304] {strides = array<i32>} : memref<128x768xf32, #tpu.memory_space<vmem>>, vector<16xf32>,
      %mul3A_306 = arith.mulf %get3A_305, %gather3A_145 : vector<16xf32>
      %add3A_307 = arith.constant 64 : i32
      %add3A_308 = arith.addi %add3A_307, %scan3A_139 : i32
      %get3A_309 = arith.index_cast %add3A_308 : i32 to index
      %get3A_310 = arith.constant 176 : index
      %get3A_311 = tpu.vector_load %arg13[%get3A_309, %get3A_310] {strides = array<i32>} : memref<128x768xf32, #tpu.memory_space<vmem>>, vector<16xf32>,
      %mul3A_312 = arith.mulf %get3A_311, %gather3A_149 : vector<16xf32>
      %add3A_313 = arith.addf %mul3A_306, %mul3A_312 : vector<16xf32>
      %swap3A_314 = arith.index_cast %scan3A_139 : i32 to index
      %swap3A_315 = arith.constant 176 : index
      %swap3A_316 = tpu.vector_load %arg13[%swap3A_314, %swap3A_315] {strides = array<i32>} : memref<128x768xf32, #tpu.memory_space<vmem>>, vector<16xf32>,
      tpu.vector_store %arg13[%swap3A_314, %swap3A_315], %add3A_313 {strides = array<i32>} : memref<128x768xf32, #tpu.memory_space<vmem>>, vector<16xf32>,
      %get3A_317 = arith.index_cast %scan3A_139 : i32 to index
      %get3A_318 = arith.constant 192 : index
      %get3A_319 = tpu.vector_load %arg13[%get3A_317, %get3A_318] {strides = array<i32>} : memref<128x768xf32, #tpu.memory_space<vmem>>, vector<16xf32>,
      %mul3A_320 = arith.mulf %get3A_319, %gather3A_145 : vector<16xf32>
      %add3A_321 = arith.constant 64 : i32
      %add3A_322 = arith.addi %add3A_321, %scan3A_139 : i32
      %get3A_323 = arith.index_cast %add3A_322 : i32 to index
      %get3A_324 = arith.constant 192 : index
      %get3A_325 = tpu.vector_load %arg13[%get3A_323, %get3A_324] {strides = array<i32>} : memref<128x768xf32, #tpu.memory_space<vmem>>, vector<16xf32>,
      %mul3A_326 = arith.mulf %get3A_325, %gather3A_149 : vector<16xf32>
      %add3A_327 = arith.addf %mul3A_320, %mul3A_326 : vector<16xf32>
      %swap3A_328 = arith.index_cast %scan3A_139 : i32 to index
      %swap3A_329 = arith.constant 192 : index
      %swap3A_330 = tpu.vector_load %arg13[%swap3A_328, %swap3A_329] {strides = array<i32>} : memref<128x768xf32, #tpu.memory_space<vmem>>, vector<16xf32>,
      tpu.vector_store %arg13[%swap3A_328, %swap3A_329], %add3A_327 {strides = array<i32>} : memref<128x768xf32, #tpu.memory_space<vmem>>, vector<16xf32>,
      %get3A_331 = arith.index_cast %scan3A_139 : i32 to index
      %get3A_332 = arith.constant 208 : index
      %get3A_333 = tpu.vector_load %arg13[%get3A_331, %get3A_332] {strides = array<i32>} : memref<128x768xf32, #tpu.memory_space<vmem>>, vector<16xf32>,
      %mul3A_334 = arith.mulf %get3A_333, %gather3A_145 : vector<16xf32>
      %add3A_335 = arith.constant 64 : i32
      %add3A_336 = arith.addi %add3A_335, %scan3A_139 : i32
      %get3A_337 = arith.index_cast %add3A_336 : i32 to index
      %get3A_338 = arith.constant 208 : index
      %get3A_339 = tpu.vector_load %arg13[%get3A_337, %get3A_338] {strides = array<i32>} : memref<128x768xf32, #tpu.memory_space<vmem>>, vector<16xf32>,
      %mul3A_340 = arith.mulf %get3A_339, %gather3A_149 : vector<16xf32>
      %add3A_341 = arith.addf %mul3A_334, %mul3A_340 : vector<16xf32>
      %swap3A_342 = arith.index_cast %scan3A_139 : i32 to index
      %swap3A_343 = arith.constant 208 : index
      %swap3A_344 = tpu.vector_load %arg13[%swap3A_342, %swap3A_343] {strides = array<i32>} : memref<128x768xf32, #tpu.memory_space<vmem>>, vector<16xf32>,
      tpu.vector_store %arg13[%swap3A_342, %swap3A_343], %add3A_341 {strides = array<i32>} : memref<128x768xf32, #tpu.memory_space<vmem>>, vector<16xf32>,
      %get3A_345 = arith.index_cast %scan3A_139 : i32 to index
      %get3A_346 = arith.constant 224 : index
      %get3A_347 = tpu.vector_load %arg13[%get3A_345, %get3A_346] {strides = array<i32>} : memref<128x768xf32, #tpu.memory_space<vmem>>, vector<16xf32>,
      %mul3A_348 = arith.mulf %get3A_347, %gather3A_145 : vector<16xf32>
      %add3A_349 = arith.constant 64 : i32
      %add3A_350 = arith.addi %add3A_349, %scan3A_139 : i32
      %get3A_351 = arith.index_cast %add3A_350 : i32 to index
      %get3A_352 = arith.constant 224 : index
      %get3A_353 = tpu.vector_load %arg13[%get3A_351, %get3A_352] {strides = array<i32>} : memref<128x768xf32, #tpu.memory_space<vmem>>, vector<16xf32>,
      %mul3A_354 = arith.mulf %get3A_353, %gather3A_149 : vector<16xf32>
      %add3A_355 = arith.addf %mul3A_348, %mul3A_354 : vector<16xf32>
      %swap3A_356 = arith.index_cast %scan3A_139 : i32 to index
      %swap3A_357 = arith.constant 224 : index
      %swap3A_358 = tpu.vector_load %arg13[%swap3A_356, %swap3A_357] {strides = array<i32>} : memref<128x768xf32, #tpu.memory_space<vmem>>, vector<16xf32>,
      tpu.vector_store %arg13[%swap3A_356, %swap3A_357], %add3A_355 {strides = array<i32>} : memref<128x768xf32, #tpu.memory_space<vmem>>, vector<16xf32>,
      %get3A_359 = arith.index_cast %scan3A_139 : i32 to index
      %get3A_360 = arith.constant 240 : index
      %get3A_361 = tpu.vector_load %arg13[%get3A_359, %get3A_360] {strides = array<i32>} : memref<128x768xf32, #tpu.memory_space<vmem>>, vector<16xf32>,
      %mul3A_362 = arith.mulf %get3A_361, %gather3A_145 : vector<16xf32>
      %add3A_363 = arith.constant 64 : i32
      %add3A_364 = arith.addi %add3A_363, %scan3A_139 : i32
      %get3A_365 = arith.index_cast %add3A_364 : i32 to index
      %get3A_366 = arith.constant 240 : index
      %get3A_367 = tpu.vector_load %arg13[%get3A_365, %get3A_366] {strides = array<i32>} : memref<128x768xf32, #tpu.memory_space<vmem>>, vector<16xf32>,
      %mul3A_368 = arith.mulf %get3A_367, %gather3A_149 : vector<16xf32>
      %add3A_369 = arith.addf %mul3A_362, %mul3A_368 : vector<16xf32>
      %swap3A_370 = arith.index_cast %scan3A_139 : i32 to index
      %swap3A_371 = arith.constant 240 : index
      %swap3A_372 = tpu.vector_load %arg13[%swap3A_370, %swap3A_371] {strides = array<i32>} : memref<128x768xf32, #tpu.memory_space<vmem>>, vector<16xf32>,
      tpu.vector_store %arg13[%swap3A_370, %swap3A_371], %add3A_369 {strides = array<i32>} : memref<128x768xf32, #tpu.memory_space<vmem>>, vector<16xf32>,
      %get3A_373 = arith.index_cast %scan3A_139 : i32 to index
      %get3A_374 = arith.constant 256 : index
      %get3A_375 = tpu.vector_load %arg13[%get3A_373, %get3A_374] {strides = array<i32>} : memref<128x768xf32, #tpu.memory_space<vmem>>, vector<16xf32>,
      %mul3A_376 = arith.mulf %get3A_375, %gather3A_145 : vector<16xf32>
      %add3A_377 = arith.constant 64 : i32
      %add3A_378 = arith.addi %add3A_377, %scan3A_139 : i32
      %get3A_379 = arith.index_cast %add3A_378 : i32 to index
      %get3A_380 = arith.constant 256 : index
      %get3A_381 = tpu.vector_load %arg13[%get3A_379, %get3A_380] {strides = array<i32>} : memref<128x768xf32, #tpu.memory_space<vmem>>, vector<16xf32>,
      %mul3A_382 = arith.mulf %get3A_381, %gather3A_149 : vector<16xf32>
      %add3A_383 = arith.addf %mul3A_376, %mul3A_382 : vector<16xf32>
      %swap3A_384 = arith.index_cast %scan3A_139 : i32 to index
      %swap3A_385 = arith.constant 256 : index
      %swap3A_386 = tpu.vector_load %arg13[%swap3A_384, %swap3A_385] {strides = array<i32>} : memref<128x768xf32, #tpu.memory_space<vmem>>, vector<16xf32>,
      tpu.vector_store %arg13[%swap3A_384, %swap3A_385], %add3A_383 {strides = array<i32>} : memref<128x768xf32, #tpu.memory_space<vmem>>, vector<16xf32>,
      %get3A_387 = arith.index_cast %scan3A_139 : i32 to index
      %get3A_388 = arith.constant 272 : index
      %get3A_389 = tpu.vector_load %arg13[%get3A_387, %get3A_388] {strides = array<i32>} : memref<128x768xf32, #tpu.memory_space<vmem>>, vector<16xf32>,
      %mul3A_390 = arith.mulf %get3A_389, %gather3A_145 : vector<16xf32>
      %add3A_391 = arith.constant 64 : i32
      %add3A_392 = arith.addi %add3A_391, %scan3A_139 : i32
      %get3A_393 = arith.index_cast %add3A_392 : i32 to index
      %get3A_394 = arith.constant 272 : index
      %get3A_395 = tpu.vector_load %arg13[%get3A_393, %get3A_394] {strides = array<i32>} : memref<128x768xf32, #tpu.memory_space<vmem>>, vector<16xf32>,
      %mul3A_396 = arith.mulf %get3A_395, %gather3A_149 : vector<16xf32>
      %add3A_397 = arith.addf %mul3A_390, %mul3A_396 : vector<16xf32>
      %swap3A_398 = arith.index_cast %scan3A_139 : i32 to index
      %swap3A_399 = arith.constant 272 : index
      %swap3A_400 = tpu.vector_load %arg13[%swap3A_398, %swap3A_399] {strides = array<i32>} : memref<128x768xf32, #tpu.memory_space<vmem>>, vector<16xf32>,
      tpu.vector_store %arg13[%swap3A_398, %swap3A_399], %add3A_397 {strides = array<i32>} : memref<128x768xf32, #tpu.memory_space<vmem>>, vector<16xf32>,
      %get3A_401 = arith.index_cast %scan3A_139 : i32 to index
      %get3A_402 = arith.constant 288 : index
      %get3A_403 = tpu.vector_load %arg13[%get3A_401, %get3A_402] {strides = array<i32>} : memref<128x768xf32, #tpu.memory_space<vmem>>, vector<16xf32>,
      %mul3A_404 = arith.mulf %get3A_403, %gather3A_145 : vector<16xf32>
      %add3A_405 = arith.constant 64 : i32
      %add3A_406 = arith.addi %add3A_405, %scan3A_139 : i32
      %get3A_407 = arith.index_cast %add3A_406 : i32 to index
      %get3A_408 = arith.constant 288 : index
      %get3A_409 = tpu.vector_load %arg13[%get3A_407, %get3A_408] {strides = array<i32>} : memref<128x768xf32, #tpu.memory_space<vmem>>, vector<16xf32>,
      %mul3A_410 = arith.mulf %get3A_409, %gather3A_149 : vector<16xf32>
      %add3A_411 = arith.addf %mul3A_404, %mul3A_410 : vector<16xf32>
      %swap3A_412 = arith.index_cast %scan3A_139 : i32 to index
      %swap3A_413 = arith.constant 288 : index
      %swap3A_414 = tpu.vector_load %arg13[%swap3A_412, %swap3A_413] {strides = array<i32>} : memref<128x768xf32, #tpu.memory_space<vmem>>, vector<16xf32>,
      tpu.vector_store %arg13[%swap3A_412, %swap3A_413], %add3A_411 {strides = array<i32>} : memref<128x768xf32, #tpu.memory_space<vmem>>, vector<16xf32>,
      %get3A_415 = arith.index_cast %scan3A_139 : i32 to index
      %get3A_416 = arith.constant 304 : index
      %get3A_417 = tpu.vector_load %arg13[%get3A_415, %get3A_416] {strides = array<i32>} : memref<128x768xf32, #tpu.memory_space<vmem>>, vector<16xf32>,
      %mul3A_418 = arith.mulf %get3A_417, %gather3A_145 : vector<16xf32>
      %add3A_419 = arith.constant 64 : i32
      %add3A_420 = arith.addi %add3A_419, %scan3A_139 : i32
      %get3A_421 = arith.index_cast %add3A_420 : i32 to index
      %get3A_422 = arith.constant 304 : index
      %get3A_423 = tpu.vector_load %arg13[%get3A_421, %get3A_422] {strides = array<i32>} : memref<128x768xf32, #tpu.memory_space<vmem>>, vector<16xf32>,
      %mul3A_424 = arith.mulf %get3A_423, %gather3A_149 : vector<16xf32>
      %add3A_425 = arith.addf %mul3A_418, %mul3A_424 : vector<16xf32>
      %swap3A_426 = arith.index_cast %scan3A_139 : i32 to index
      %swap3A_427 = arith.constant 304 : index
      %swap3A_428 = tpu.vector_load %arg13[%swap3A_426, %swap3A_427] {strides = array<i32>} : memref<128x768xf32, #tpu.memory_space<vmem>>, vector<16xf32>,
      tpu.vector_store %arg13[%swap3A_426, %swap3A_427], %add3A_425 {strides = array<i32>} : memref<128x768xf32, #tpu.memory_space<vmem>>, vector<16xf32>,
      %get3A_429 = arith.index_cast %scan3A_139 : i32 to index
      %get3A_430 = arith.constant 320 : index
      %get3A_431 = tpu.vector_load %arg13[%get3A_429, %get3A_430] {strides = array<i32>} : memref<128x768xf32, #tpu.memory_space<vmem>>, vector<16xf32>,
      %mul3A_432 = arith.mulf %get3A_431, %gather3A_145 : vector<16xf32>
      %add3A_433 = arith.constant 64 : i32
      %add3A_434 = arith.addi %add3A_433, %scan3A_139 : i32
      %get3A_435 = arith.index_cast %add3A_434 : i32 to index
      %get3A_436 = arith.constant 320 : index
      %get3A_437 = tpu.vector_load %arg13[%get3A_435, %get3A_436] {strides = array<i32>} : memref<128x768xf32, #tpu.memory_space<vmem>>, vector<16xf32>,
      %mul3A_438 = arith.mulf %get3A_437, %gather3A_149 : vector<16xf32>
      %add3A_439 = arith.addf %mul3A_432, %mul3A_438 : vector<16xf32>
      %swap3A_440 = arith.index_cast %scan3A_139 : i32 to index
      %swap3A_441 = arith.constant 320 : index
      %swap3A_442 = tpu.vector_load %arg13[%swap3A_440, %swap3A_441] {strides = array<i32>} : memref<128x768xf32, #tpu.memory_space<vmem>>, vector<16xf32>,
      tpu.vector_store %arg13[%swap3A_440, %swap3A_441], %add3A_439 {strides = array<i32>} : memref<128x768xf32, #tpu.memory_space<vmem>>, vector<16xf32>,
      %get3A_443 = arith.index_cast %scan3A_139 : i32 to index
      %get3A_444 = arith.constant 336 : index
      %get3A_445 = tpu.vector_load %arg13[%get3A_443, %get3A_444] {strides = array<i32>} : memref<128x768xf32, #tpu.memory_space<vmem>>, vector<16xf32>,
      %mul3A_446 = arith.mulf %get3A_445, %gather3A_145 : vector<16xf32>
      %add3A_447 = arith.constant 64 : i32
      %add3A_448 = arith.addi %add3A_447, %scan3A_139 : i32
      %get3A_449 = arith.index_cast %add3A_448 : i32 to index
      %get3A_450 = arith.constant 336 : index
      %get3A_451 = tpu.vector_load %arg13[%get3A_449, %get3A_450] {strides = array<i32>} : memref<128x768xf32, #tpu.memory_space<vmem>>, vector<16xf32>,
      %mul3A_452 = arith.mulf %get3A_451, %gather3A_149 : vector<16xf32>
      %add3A_453 = arith.addf %mul3A_446, %mul3A_452 : vector<16xf32>
      %swap3A_454 = arith.index_cast %scan3A_139 : i32 to index
      %swap3A_455 = arith.constant 336 : index
      %swap3A_456 = tpu.vector_load %arg13[%swap3A_454, %swap3A_455] {strides = array<i32>} : memref<128x768xf32, #tpu.memory_space<vmem>>, vector<16xf32>,
      tpu.vector_store %arg13[%swap3A_454, %swap3A_455], %add3A_453 {strides = array<i32>} : memref<128x768xf32, #tpu.memory_space<vmem>>, vector<16xf32>,
      %get3A_457 = arith.index_cast %scan3A_139 : i32 to index
      %get3A_458 = arith.constant 352 : index
      %get3A_459 = tpu.vector_load %arg13[%get3A_457, %get3A_458] {strides = array<i32>} : memref<128x768xf32, #tpu.memory_space<vmem>>, vector<16xf32>,
      %mul3A_460 = arith.mulf %get3A_459, %gather3A_145 : vector<16xf32>
      %add3A_461 = arith.constant 64 : i32
      %add3A_462 = arith.addi %add3A_461, %scan3A_139 : i32
      %get3A_463 = arith.index_cast %add3A_462 : i32 to index
      %get3A_464 = arith.constant 352 : index
      %get3A_465 = tpu.vector_load %arg13[%get3A_463, %get3A_464] {strides = array<i32>} : memref<128x768xf32, #tpu.memory_space<vmem>>, vector<16xf32>,
      %mul3A_466 = arith.mulf %get3A_465, %gather3A_149 : vector<16xf32>
      %add3A_467 = arith.addf %mul3A_460, %mul3A_466 : vector<16xf32>
      %swap3A_468 = arith.index_cast %scan3A_139 : i32 to index
      %swap3A_469 = arith.constant 352 : index
      %swap3A_470 = tpu.vector_load %arg13[%swap3A_468, %swap3A_469] {strides = array<i32>} : memref<128x768xf32, #tpu.memory_space<vmem>>, vector<16xf32>,
      tpu.vector_store %arg13[%swap3A_468, %swap3A_469], %add3A_467 {strides = array<i32>} : memref<128x768xf32, #tpu.memory_space<vmem>>, vector<16xf32>,
      %get3A_471 = arith.index_cast %scan3A_139 : i32 to index
      %get3A_472 = arith.constant 368 : index
      %get3A_473 = tpu.vector_load %arg13[%get3A_471, %get3A_472] {strides = array<i32>} : memref<128x768xf32, #tpu.memory_space<vmem>>, vector<16xf32>,
      %mul3A_474 = arith.mulf %get3A_473, %gather3A_145 : vector<16xf32>
      %add3A_475 = arith.constant 64 : i32
      %add3A_476 = arith.addi %add3A_475, %scan3A_139 : i32
      %get3A_477 = arith.index_cast %add3A_476 : i32 to index
      %get3A_478 = arith.constant 368 : index
      %get3A_479 = tpu.vector_load %arg13[%get3A_477, %get3A_478] {strides = array<i32>} : memref<128x768xf32, #tpu.memory_space<vmem>>, vector<16xf32>,
      %mul3A_480 = arith.mulf %get3A_479, %gather3A_149 : vector<16xf32>
      %add3A_481 = arith.addf %mul3A_474, %mul3A_480 : vector<16xf32>
      %swap3A_482 = arith.index_cast %scan3A_139 : i32 to index
      %swap3A_483 = arith.constant 368 : index
      %swap3A_484 = tpu.vector_load %arg13[%swap3A_482, %swap3A_483] {strides = array<i32>} : memref<128x768xf32, #tpu.memory_space<vmem>>, vector<16xf32>,
      tpu.vector_store %arg13[%swap3A_482, %swap3A_483], %add3A_481 {strides = array<i32>} : memref<128x768xf32, #tpu.memory_space<vmem>>, vector<16xf32>,
      %get3A_485 = arith.index_cast %scan3A_139 : i32 to index
      %get3A_486 = arith.constant 384 : index
      %get3A_487 = tpu.vector_load %arg13[%get3A_485, %get3A_486] {strides = array<i32>} : memref<128x768xf32, #tpu.memory_space<vmem>>, vector<16xf32>,
      %mul3A_488 = arith.mulf %get3A_487, %gather3A_145 : vector<16xf32>
      %add3A_489 = arith.constant 64 : i32
      %add3A_490 = arith.addi %add3A_489, %scan3A_139 : i32
      %get3A_491 = arith.index_cast %add3A_490 : i32 to index
      %get3A_492 = arith.constant 384 : index
      %get3A_493 = tpu.vector_load %arg13[%get3A_491, %get3A_492] {strides = array<i32>} : memref<128x768xf32, #tpu.memory_space<vmem>>, vector<16xf32>,
      %mul3A_494 = arith.mulf %get3A_493, %gather3A_149 : vector<16xf32>
      %add3A_495 = arith.addf %mul3A_488, %mul3A_494 : vector<16xf32>
      %swap3A_496 = arith.index_cast %scan3A_139 : i32 to index
      %swap3A_497 = arith.constant 384 : index
      %swap3A_498 = tpu.vector_load %arg13[%swap3A_496, %swap3A_497] {strides = array<i32>} : memref<128x768xf32, #tpu.memory_space<vmem>>, vector<16xf32>,
      tpu.vector_store %arg13[%swap3A_496, %swap3A_497], %add3A_495 {strides = array<i32>} : memref<128x768xf32, #tpu.memory_space<vmem>>, vector<16xf32>,
      %get3A_499 = arith.index_cast %scan3A_139 : i32 to index
      %get3A_500 = arith.constant 400 : index
      %get3A_501 = tpu.vector_load %arg13[%get3A_499, %get3A_500] {strides = array<i32>} : memref<128x768xf32, #tpu.memory_space<vmem>>, vector<16xf32>,
      %mul3A_502 = arith.mulf %get3A_501, %gather3A_145 : vector<16xf32>
      %add3A_503 = arith.constant 64 : i32
      %add3A_504 = arith.addi %add3A_503, %scan3A_139 : i32
      %get3A_505 = arith.index_cast %add3A_504 : i32 to index
      %get3A_506 = arith.constant 400 : index
      %get3A_507 = tpu.vector_load %arg13[%get3A_505, %get3A_506] {strides = array<i32>} : memref<128x768xf32, #tpu.memory_space<vmem>>, vector<16xf32>,
      %mul3A_508 = arith.mulf %get3A_507, %gather3A_149 : vector<16xf32>
      %add3A_509 = arith.addf %mul3A_502, %mul3A_508 : vector<16xf32>
      %swap3A_510 = arith.index_cast %scan3A_139 : i32 to index
      %swap3A_511 = arith.constant 400 : index
      %swap3A_512 = tpu.vector_load %arg13[%swap3A_510, %swap3A_511] {strides = array<i32>} : memref<128x768xf32, #tpu.memory_space<vmem>>, vector<16xf32>,
      tpu.vector_store %arg13[%swap3A_510, %swap3A_511], %add3A_509 {strides = array<i32>} : memref<128x768xf32, #tpu.memory_space<vmem>>, vector<16xf32>,
      %get3A_513 = arith.index_cast %scan3A_139 : i32 to index
      %get3A_514 = arith.constant 416 : index
      %get3A_515 = tpu.vector_load %arg13[%get3A_513, %get3A_514] {strides = array<i32>} : memref<128x768xf32, #tpu.memory_space<vmem>>, vector<16xf32>,
      %mul3A_516 = arith.mulf %get3A_515, %gather3A_145 : vector<16xf32>
      %add3A_517 = arith.constant 64 : i32
      %add3A_518 = arith.addi %add3A_517, %scan3A_139 : i32
      %get3A_519 = arith.index_cast %add3A_518 : i32 to index
      %get3A_520 = arith.constant 416 : index
      %get3A_521 = tpu.vector_load %arg13[%get3A_519, %get3A_520] {strides = array<i32>} : memref<128x768xf32, #tpu.memory_space<vmem>>, vector<16xf32>,
      %mul3A_522 = arith.mulf %get3A_521, %gather3A_149 : vector<16xf32>
      %add3A_523 = arith.addf %mul3A_516, %mul3A_522 : vector<16xf32>
      %swap3A_524 = arith.index_cast %scan3A_139 : i32 to index
      %swap3A_525 = arith.constant 416 : index
      %swap3A_526 = tpu.vector_load %arg13[%swap3A_524, %swap3A_525] {strides = array<i32>} : memref<128x768xf32, #tpu.memory_space<vmem>>, vector<16xf32>,
      tpu.vector_store %arg13[%swap3A_524, %swap3A_525], %add3A_523 {strides = array<i32>} : memref<128x768xf32, #tpu.memory_space<vmem>>, vector<16xf32>,
      %get3A_527 = arith.index_cast %scan3A_139 : i32 to index
      %get3A_528 = arith.constant 432 : index
      %get3A_529 = tpu.vector_load %arg13[%get3A_527, %get3A_528] {strides = array<i32>} : memref<128x768xf32, #tpu.memory_space<vmem>>, vector<16xf32>,
      %mul3A_530 = arith.mulf %get3A_529, %gather3A_145 : vector<16xf32>
      %add3A_531 = arith.constant 64 : i32
      %add3A_532 = arith.addi %add3A_531, %scan3A_139 : i32
      %get3A_533 = arith.index_cast %add3A_532 : i32 to index
      %get3A_534 = arith.constant 432 : index
      %get3A_535 = tpu.vector_load %arg13[%get3A_533, %get3A_534] {strides = array<i32>} : memref<128x768xf32, #tpu.memory_space<vmem>>, vector<16xf32>,
      %mul3A_536 = arith.mulf %get3A_535, %gather3A_149 : vector<16xf32>
      %add3A_537 = arith.addf %mul3A_530, %mul3A_536 : vector<16xf32>
      %swap3A_538 = arith.index_cast %scan3A_139 : i32 to index
      %swap3A_539 = arith.constant 432 : index
      %swap3A_540 = tpu.vector_load %arg13[%swap3A_538, %swap3A_539] {strides = array<i32>} : memref<128x768xf32, #tpu.memory_space<vmem>>, vector<16xf32>,
      tpu.vector_store %arg13[%swap3A_538, %swap3A_539], %add3A_537 {strides = array<i32>} : memref<128x768xf32, #tpu.memory_space<vmem>>, vector<16xf32>,
      %get3A_541 = arith.index_cast %scan3A_139 : i32 to index
      %get3A_542 = arith.constant 448 : index
      %get3A_543 = tpu.vector_load %arg13[%get3A_541, %get3A_542] {strides = array<i32>} : memref<128x768xf32, #tpu.memory_space<vmem>>, vector<16xf32>,
      %mul3A_544 = arith.mulf %get3A_543, %gather3A_145 : vector<16xf32>
      %add3A_545 = arith.constant 64 : i32
      %add3A_546 = arith.addi %add3A_545, %scan3A_139 : i32
      %get3A_547 = arith.index_cast %add3A_546 : i32 to index
      %get3A_548 = arith.constant 448 : index
      %get3A_549 = tpu.vector_load %arg13[%get3A_547, %get3A_548] {strides = array<i32>} : memref<128x768xf32, #tpu.memory_space<vmem>>, vector<16xf32>,
      %mul3A_550 = arith.mulf %get3A_549, %gather3A_149 : vector<16xf32>
      %add3A_551 = arith.addf %mul3A_544, %mul3A_550 : vector<16xf32>
      %swap3A_552 = arith.index_cast %scan3A_139 : i32 to index
      %swap3A_553 = arith.constant 448 : index
      %swap3A_554 = tpu.vector_load %arg13[%swap3A_552, %swap3A_553] {strides = array<i32>} : memref<128x768xf32, #tpu.memory_space<vmem>>, vector<16xf32>,
      tpu.vector_store %arg13[%swap3A_552, %swap3A_553], %add3A_551 {strides = array<i32>} : memref<128x768xf32, #tpu.memory_space<vmem>>, vector<16xf32>,
      %get3A_555 = arith.index_cast %scan3A_139 : i32 to index
      %get3A_556 = arith.constant 464 : index
      %get3A_557 = tpu.vector_load %arg13[%get3A_555, %get3A_556] {strides = array<i32>} : memref<128x768xf32, #tpu.memory_space<vmem>>, vector<16xf32>,
      %mul3A_558 = arith.mulf %get3A_557, %gather3A_145 : vector<16xf32>
      %add3A_559 = arith.constant 64 : i32
      %add3A_560 = arith.addi %add3A_559, %scan3A_139 : i32
      %get3A_561 = arith.index_cast %add3A_560 : i32 to index
      %get3A_562 = arith.constant 464 : index
      %get3A_563 = tpu.vector_load %arg13[%get3A_561, %get3A_562] {strides = array<i32>} : memref<128x768xf32, #tpu.memory_space<vmem>>, vector<16xf32>,
      %mul3A_564 = arith.mulf %get3A_563, %gather3A_149 : vector<16xf32>
      %add3A_565 = arith.addf %mul3A_558, %mul3A_564 : vector<16xf32>
      %swap3A_566 = arith.index_cast %scan3A_139 : i32 to index
      %swap3A_567 = arith.constant 464 : index
      %swap3A_568 = tpu.vector_load %arg13[%swap3A_566, %swap3A_567] {strides = array<i32>} : memref<128x768xf32, #tpu.memory_space<vmem>>, vector<16xf32>,
      tpu.vector_store %arg13[%swap3A_566, %swap3A_567], %add3A_565 {strides = array<i32>} : memref<128x768xf32, #tpu.memory_space<vmem>>, vector<16xf32>,
      %get3A_569 = arith.index_cast %scan3A_139 : i32 to index
      %get3A_570 = arith.constant 480 : index
      %get3A_571 = tpu.vector_load %arg13[%get3A_569, %get3A_570] {strides = array<i32>} : memref<128x768xf32, #tpu.memory_space<vmem>>, vector<16xf32>,
      %mul3A_572 = arith.mulf %get3A_571, %gather3A_145 : vector<16xf32>
      %add3A_573 = arith.constant 64 : i32
      %add3A_574 = arith.addi %add3A_573, %scan3A_139 : i32
      %get3A_575 = arith.index_cast %add3A_574 : i32 to index
      %get3A_576 = arith.constant 480 : index
      %get3A_577 = tpu.vector_load %arg13[%get3A_575, %get3A_576] {strides = array<i32>} : memref<128x768xf32, #tpu.memory_space<vmem>>, vector<16xf32>,
      %mul3A_578 = arith.mulf %get3A_577, %gather3A_149 : vector<16xf32>
      %add3A_579 = arith.addf %mul3A_572, %mul3A_578 : vector<16xf32>
      %swap3A_580 = arith.index_cast %scan3A_139 : i32 to index
      %swap3A_581 = arith.constant 480 : index
      %swap3A_582 = tpu.vector_load %arg13[%swap3A_580, %swap3A_581] {strides = array<i32>} : memref<128x768xf32, #tpu.memory_space<vmem>>, vector<16xf32>,
      tpu.vector_store %arg13[%swap3A_580, %swap3A_581], %add3A_579 {strides = array<i32>} : memref<128x768xf32, #tpu.memory_space<vmem>>, vector<16xf32>,
      %get3A_583 = arith.index_cast %scan3A_139 : i32 to index
      %get3A_584 = arith.constant 496 : index
      %get3A_585 = tpu.vector_load %arg13[%get3A_583, %get3A_584] {strides = array<i32>} : memref<128x768xf32, #tpu.memory_space<vmem>>, vector<16xf32>,
      %mul3A_586 = arith.mulf %get3A_585, %gather3A_145 : vector<16xf32>
      %add3A_587 = arith.constant 64 : i32
      %add3A_588 = arith.addi %add3A_587, %scan3A_139 : i32
      %get3A_589 = arith.index_cast %add3A_588 : i32 to index
      %get3A_590 = arith.constant 496 : index
      %get3A_591 = tpu.vector_load %arg13[%get3A_589, %get3A_590] {strides = array<i32>} : memref<128x768xf32, #tpu.memory_space<vmem>>, vector<16xf32>,
      %mul3A_592 = arith.mulf %get3A_591, %gather3A_149 : vector<16xf32>
      %add3A_593 = arith.addf %mul3A_586, %mul3A_592 : vector<16xf32>
      %swap3A_594 = arith.index_cast %scan3A_139 : i32 to index
      %swap3A_595 = arith.constant 496 : index
      %swap3A_596 = tpu.vector_load %arg13[%swap3A_594, %swap3A_595] {strides = array<i32>} : memref<128x768xf32, #tpu.memory_space<vmem>>, vector<16xf32>,
      tpu.vector_store %arg13[%swap3A_594, %swap3A_595], %add3A_593 {strides = array<i32>} : memref<128x768xf32, #tpu.memory_space<vmem>>, vector<16xf32>,
      %get3A_597 = arith.index_cast %scan3A_139 : i32 to index
      %get3A_598 = arith.constant 512 : index
      %get3A_599 = tpu.vector_load %arg13[%get3A_597, %get3A_598] {strides = array<i32>} : memref<128x768xf32, #tpu.memory_space<vmem>>, vector<16xf32>,
      %mul3A_600 = arith.mulf %get3A_599, %gather3A_145 : vector<16xf32>
      %add3A_601 = arith.constant 64 : i32
      %add3A_602 = arith.addi %add3A_601, %scan3A_139 : i32
      %get3A_603 = arith.index_cast %add3A_602 : i32 to index
      %get3A_604 = arith.constant 512 : index
      %get3A_605 = tpu.vector_load %arg13[%get3A_603, %get3A_604] {strides = array<i32>} : memref<128x768xf32, #tpu.memory_space<vmem>>, vector<16xf32>,
      %mul3A_606 = arith.mulf %get3A_605, %gather3A_149 : vector<16xf32>
      %add3A_607 = arith.addf %mul3A_600, %mul3A_606 : vector<16xf32>
      %swap3A_608 = arith.index_cast %scan3A_139 : i32 to index
      %swap3A_609 = arith.constant 512 : index
      %swap3A_610 = tpu.vector_load %arg13[%swap3A_608, %swap3A_609] {strides = array<i32>} : memref<128x768xf32, #tpu.memory_space<vmem>>, vector<16xf32>,
      tpu.vector_store %arg13[%swap3A_608, %swap3A_609], %add3A_607 {strides = array<i32>} : memref<128x768xf32, #tpu.memory_space<vmem>>, vector<16xf32>,
      %get3A_611 = arith.index_cast %scan3A_139 : i32 to index
      %get3A_612 = arith.constant 528 : index
      %get3A_613 = tpu.vector_load %arg13[%get3A_611, %get3A_612] {strides = array<i32>} : memref<128x768xf32, #tpu.memory_space<vmem>>, vector<16xf32>,
      %mul3A_614 = arith.mulf %get3A_613, %gather3A_145 : vector<16xf32>
      %add3A_615 = arith.constant 64 : i32
      %add3A_616 = arith.addi %add3A_615, %scan3A_139 : i32
      %get3A_617 = arith.index_cast %add3A_616 : i32 to index
      %get3A_618 = arith.constant 528 : index
      %get3A_619 = tpu.vector_load %arg13[%get3A_617, %get3A_618] {strides = array<i32>} : memref<128x768xf32, #tpu.memory_space<vmem>>, vector<16xf32>,
      %mul3A_620 = arith.mulf %get3A_619, %gather3A_149 : vector<16xf32>
      %add3A_621 = arith.addf %mul3A_614, %mul3A_620 : vector<16xf32>
      %swap3A_622 = arith.index_cast %scan3A_139 : i32 to index
      %swap3A_623 = arith.constant 528 : index
      %swap3A_624 = tpu.vector_load %arg13[%swap3A_622, %swap3A_623] {strides = array<i32>} : memref<128x768xf32, #tpu.memory_space<vmem>>, vector<16xf32>,
      tpu.vector_store %arg13[%swap3A_622, %swap3A_623], %add3A_621 {strides = array<i32>} : memref<128x768xf32, #tpu.memory_space<vmem>>, vector<16xf32>,
      %get3A_625 = arith.index_cast %scan3A_139 : i32 to index
      %get3A_626 = arith.constant 544 : index
      %get3A_627 = tpu.vector_load %arg13[%get3A_625, %get3A_626] {strides = array<i32>} : memref<128x768xf32, #tpu.memory_space<vmem>>, vector<16xf32>,
      %mul3A_628 = arith.mulf %get3A_627, %gather3A_145 : vector<16xf32>
      %add3A_629 = arith.constant 64 : i32
      %add3A_630 = arith.addi %add3A_629, %scan3A_139 : i32
      %get3A_631 = arith.index_cast %add3A_630 : i32 to index
      %get3A_632 = arith.constant 544 : index
      %get3A_633 = tpu.vector_load %arg13[%get3A_631, %get3A_632] {strides = array<i32>} : memref<128x768xf32, #tpu.memory_space<vmem>>, vector<16xf32>,
      %mul3A_634 = arith.mulf %get3A_633, %gather3A_149 : vector<16xf32>
      %add3A_635 = arith.addf %mul3A_628, %mul3A_634 : vector<16xf32>
      %swap3A_636 = arith.index_cast %scan3A_139 : i32 to index
      %swap3A_637 = arith.constant 544 : index
      %swap3A_638 = tpu.vector_load %arg13[%swap3A_636, %swap3A_637] {strides = array<i32>} : memref<128x768xf32, #tpu.memory_space<vmem>>, vector<16xf32>,
      tpu.vector_store %arg13[%swap3A_636, %swap3A_637], %add3A_635 {strides = array<i32>} : memref<128x768xf32, #tpu.memory_space<vmem>>, vector<16xf32>,
      %get3A_639 = arith.index_cast %scan3A_139 : i32 to index
      %get3A_640 = arith.constant 560 : index
      %get3A_641 = tpu.vector_load %arg13[%get3A_639, %get3A_640] {strides = array<i32>} : memref<128x768xf32, #tpu.memory_space<vmem>>, vector<16xf32>,
      %mul3A_642 = arith.mulf %get3A_641, %gather3A_145 : vector<16xf32>
      %add3A_643 = arith.constant 64 : i32
      %add3A_644 = arith.addi %add3A_643, %scan3A_139 : i32
      %get3A_645 = arith.index_cast %add3A_644 : i32 to index
      %get3A_646 = arith.constant 560 : index
      %get3A_647 = tpu.vector_load %arg13[%get3A_645, %get3A_646] {strides = array<i32>} : memref<128x768xf32, #tpu.memory_space<vmem>>, vector<16xf32>,
      %mul3A_648 = arith.mulf %get3A_647, %gather3A_149 : vector<16xf32>
      %add3A_649 = arith.addf %mul3A_642, %mul3A_648 : vector<16xf32>
      %swap3A_650 = arith.index_cast %scan3A_139 : i32 to index
      %swap3A_651 = arith.constant 560 : index
      %swap3A_652 = tpu.vector_load %arg13[%swap3A_650, %swap3A_651] {strides = array<i32>} : memref<128x768xf32, #tpu.memory_space<vmem>>, vector<16xf32>,
      tpu.vector_store %arg13[%swap3A_650, %swap3A_651], %add3A_649 {strides = array<i32>} : memref<128x768xf32, #tpu.memory_space<vmem>>, vector<16xf32>,
      %get3A_653 = arith.index_cast %scan3A_139 : i32 to index
      %get3A_654 = arith.constant 576 : index
      %get3A_655 = tpu.vector_load %arg13[%get3A_653, %get3A_654] {strides = array<i32>} : memref<128x768xf32, #tpu.memory_space<vmem>>, vector<16xf32>,
      %mul3A_656 = arith.mulf %get3A_655, %gather3A_145 : vector<16xf32>
      %add3A_657 = arith.constant 64 : i32
      %add3A_658 = arith.addi %add3A_657, %scan3A_139 : i32
      %get3A_659 = arith.index_cast %add3A_658 : i32 to index
      %get3A_660 = arith.constant 576 : index
      %get3A_661 = tpu.vector_load %arg13[%get3A_659, %get3A_660] {strides = array<i32>} : memref<128x768xf32, #tpu.memory_space<vmem>>, vector<16xf32>,
      %mul3A_662 = arith.mulf %get3A_661, %gather3A_149 : vector<16xf32>
      %add3A_663 = arith.addf %mul3A_656, %mul3A_662 : vector<16xf32>
      %swap3A_664 = arith.index_cast %scan3A_139 : i32 to index
      %swap3A_665 = arith.constant 576 : index
      %swap3A_666 = tpu.vector_load %arg13[%swap3A_664, %swap3A_665] {strides = array<i32>} : memref<128x768xf32, #tpu.memory_space<vmem>>, vector<16xf32>,
      tpu.vector_store %arg13[%swap3A_664, %swap3A_665], %add3A_663 {strides = array<i32>} : memref<128x768xf32, #tpu.memory_space<vmem>>, vector<16xf32>,
      %get3A_667 = arith.index_cast %scan3A_139 : i32 to index
      %get3A_668 = arith.constant 592 : index
      %get3A_669 = tpu.vector_load %arg13[%get3A_667, %get3A_668] {strides = array<i32>} : memref<128x768xf32, #tpu.memory_space<vmem>>, vector<16xf32>,
      %mul3A_670 = arith.mulf %get3A_669, %gather3A_145 : vector<16xf32>
      %add3A_671 = arith.constant 64 : i32
      %add3A_672 = arith.addi %add3A_671, %scan3A_139 : i32
      %get3A_673 = arith.index_cast %add3A_672 : i32 to index
      %get3A_674 = arith.constant 592 : index
      %get3A_675 = tpu.vector_load %arg13[%get3A_673, %get3A_674] {strides = array<i32>} : memref<128x768xf32, #tpu.memory_space<vmem>>, vector<16xf32>,
      %mul3A_676 = arith.mulf %get3A_675, %gather3A_149 : vector<16xf32>
      %add3A_677 = arith.addf %mul3A_670, %mul3A_676 : vector<16xf32>
      %swap3A_678 = arith.index_cast %scan3A_139 : i32 to index
      %swap3A_679 = arith.constant 592 : index
      %swap3A_680 = tpu.vector_load %arg13[%swap3A_678, %swap3A_679] {strides = array<i32>} : memref<128x768xf32, #tpu.memory_space<vmem>>, vector<16xf32>,
      tpu.vector_store %arg13[%swap3A_678, %swap3A_679], %add3A_677 {strides = array<i32>} : memref<128x768xf32, #tpu.memory_space<vmem>>, vector<16xf32>,
      %get3A_681 = arith.index_cast %scan3A_139 : i32 to index
      %get3A_682 = arith.constant 608 : index
      %get3A_683 = tpu.vector_load %arg13[%get3A_681, %get3A_682] {strides = array<i32>} : memref<128x768xf32, #tpu.memory_space<vmem>>, vector<16xf32>,
      %mul3A_684 = arith.mulf %get3A_683, %gather3A_145 : vector<16xf32>
      %add3A_685 = arith.constant 64 : i32
      %add3A_686 = arith.addi %add3A_685, %scan3A_139 : i32
      %get3A_687 = arith.index_cast %add3A_686 : i32 to index
      %get3A_688 = arith.constant 608 : index
      %get3A_689 = tpu.vector_load %arg13[%get3A_687, %get3A_688] {strides = array<i32>} : memref<128x768xf32, #tpu.memory_space<vmem>>, vector<16xf32>,
      %mul3A_690 = arith.mulf %get3A_689, %gather3A_149 : vector<16xf32>
      %add3A_691 = arith.addf %mul3A_684, %mul3A_690 : vector<16xf32>
      %swap3A_692 = arith.index_cast %scan3A_139 : i32 to index
      %swap3A_693 = arith.constant 608 : index
      %swap3A_694 = tpu.vector_load %arg13[%swap3A_692, %swap3A_693] {strides = array<i32>} : memref<128x768xf32, #tpu.memory_space<vmem>>, vector<16xf32>,
      tpu.vector_store %arg13[%swap3A_692, %swap3A_693], %add3A_691 {strides = array<i32>} : memref<128x768xf32, #tpu.memory_space<vmem>>, vector<16xf32>,
      %get3A_695 = arith.index_cast %scan3A_139 : i32 to index
      %get3A_696 = arith.constant 624 : index
      %get3A_697 = tpu.vector_load %arg13[%get3A_695, %get3A_696] {strides = array<i32>} : memref<128x768xf32, #tpu.memory_space<vmem>>, vector<16xf32>,
      %mul3A_698 = arith.mulf %get3A_697, %gather3A_145 : vector<16xf32>
      %add3A_699 = arith.constant 64 : i32
      %add3A_700 = arith.addi %add3A_699, %scan3A_139 : i32
      %get3A_701 = arith.index_cast %add3A_700 : i32 to index
      %get3A_702 = arith.constant 624 : index
      %get3A_703 = tpu.vector_load %arg13[%get3A_701, %get3A_702] {strides = array<i32>} : memref<128x768xf32, #tpu.memory_space<vmem>>, vector<16xf32>,
      %mul3A_704 = arith.mulf %get3A_703, %gather3A_149 : vector<16xf32>
      %add3A_705 = arith.addf %mul3A_698, %mul3A_704 : vector<16xf32>
      %swap3A_706 = arith.index_cast %scan3A_139 : i32 to index
      %swap3A_707 = arith.constant 624 : index
      %swap3A_708 = tpu.vector_load %arg13[%swap3A_706, %swap3A_707] {strides = array<i32>} : memref<128x768xf32, #tpu.memory_space<vmem>>, vector<16xf32>,
      tpu.vector_store %arg13[%swap3A_706, %swap3A_707], %add3A_705 {strides = array<i32>} : memref<128x768xf32, #tpu.memory_space<vmem>>, vector<16xf32>,
      %get3A_709 = arith.index_cast %scan3A_139 : i32 to index
      %get3A_710 = arith.constant 640 : index
      %get3A_711 = tpu.vector_load %arg13[%get3A_709, %get3A_710] {strides = array<i32>} : memref<128x768xf32, #tpu.memory_space<vmem>>, vector<16xf32>,
      %mul3A_712 = arith.mulf %get3A_711, %gather3A_145 : vector<16xf32>
      %add3A_713 = arith.constant 64 : i32
      %add3A_714 = arith.addi %add3A_713, %scan3A_139 : i32
      %get3A_715 = arith.index_cast %add3A_714 : i32 to index
      %get3A_716 = arith.constant 640 : index
      %get3A_717 = tpu.vector_load %arg13[%get3A_715, %get3A_716] {strides = array<i32>} : memref<128x768xf32, #tpu.memory_space<vmem>>, vector<16xf32>,
      %mul3A_718 = arith.mulf %get3A_717, %gather3A_149 : vector<16xf32>
      %add3A_719 = arith.addf %mul3A_712, %mul3A_718 : vector<16xf32>
      %swap3A_720 = arith.index_cast %scan3A_139 : i32 to index
      %swap3A_721 = arith.constant 640 : index
      %swap3A_722 = tpu.vector_load %arg13[%swap3A_720, %swap3A_721] {strides = array<i32>} : memref<128x768xf32, #tpu.memory_space<vmem>>, vector<16xf32>,
      tpu.vector_store %arg13[%swap3A_720, %swap3A_721], %add3A_719 {strides = array<i32>} : memref<128x768xf32, #tpu.memory_space<vmem>>, vector<16xf32>,
      %get3A_723 = arith.index_cast %scan3A_139 : i32 to index
      %get3A_724 = arith.constant 656 : index
      %get3A_725 = tpu.vector_load %arg13[%get3A_723, %get3A_724] {strides = array<i32>} : memref<128x768xf32, #tpu.memory_space<vmem>>, vector<16xf32>,
      %mul3A_726 = arith.mulf %get3A_725, %gather3A_145 : vector<16xf32>
      %add3A_727 = arith.constant 64 : i32
      %add3A_728 = arith.addi %add3A_727, %scan3A_139 : i32
      %get3A_729 = arith.index_cast %add3A_728 : i32 to index
      %get3A_730 = arith.constant 656 : index
      %get3A_731 = tpu.vector_load %arg13[%get3A_729, %get3A_730] {strides = array<i32>} : memref<128x768xf32, #tpu.memory_space<vmem>>, vector<16xf32>,
      %mul3A_732 = arith.mulf %get3A_731, %gather3A_149 : vector<16xf32>
      %add3A_733 = arith.addf %mul3A_726, %mul3A_732 : vector<16xf32>
      %swap3A_734 = arith.index_cast %scan3A_139 : i32 to index
      %swap3A_735 = arith.constant 656 : index
      %swap3A_736 = tpu.vector_load %arg13[%swap3A_734, %swap3A_735] {strides = array<i32>} : memref<128x768xf32, #tpu.memory_space<vmem>>, vector<16xf32>,
      tpu.vector_store %arg13[%swap3A_734, %swap3A_735], %add3A_733 {strides = array<i32>} : memref<128x768xf32, #tpu.memory_space<vmem>>, vector<16xf32>,
      %get3A_737 = arith.index_cast %scan3A_139 : i32 to index
      %get3A_738 = arith.constant 672 : index
      %get3A_739 = tpu.vector_load %arg13[%get3A_737, %get3A_738] {strides = array<i32>} : memref<128x768xf32, #tpu.memory_space<vmem>>, vector<16xf32>,
      %mul3A_740 = arith.mulf %get3A_739, %gather3A_145 : vector<16xf32>
      %add3A_741 = arith.constant 64 : i32
      %add3A_742 = arith.addi %add3A_741, %scan3A_139 : i32
      %get3A_743 = arith.index_cast %add3A_742 : i32 to index
      %get3A_744 = arith.constant 672 : index
      %get3A_745 = tpu.vector_load %arg13[%get3A_743, %get3A_744] {strides = array<i32>} : memref<128x768xf32, #tpu.memory_space<vmem>>, vector<16xf32>,
      %mul3A_746 = arith.mulf %get3A_745, %gather3A_149 : vector<16xf32>
      %add3A_747 = arith.addf %mul3A_740, %mul3A_746 : vector<16xf32>
      %swap3A_748 = arith.index_cast %scan3A_139 : i32 to index
      %swap3A_749 = arith.constant 672 : index
      %swap3A_750 = tpu.vector_load %arg13[%swap3A_748, %swap3A_749] {strides = array<i32>} : memref<128x768xf32, #tpu.memory_space<vmem>>, vector<16xf32>,
      tpu.vector_store %arg13[%swap3A_748, %swap3A_749], %add3A_747 {strides = array<i32>} : memref<128x768xf32, #tpu.memory_space<vmem>>, vector<16xf32>,
      %get3A_751 = arith.index_cast %scan3A_139 : i32 to index
      %get3A_752 = arith.constant 688 : index
      %get3A_753 = tpu.vector_load %arg13[%get3A_751, %get3A_752] {strides = array<i32>} : memref<128x768xf32, #tpu.memory_space<vmem>>, vector<16xf32>,
      %mul3A_754 = arith.mulf %get3A_753, %gather3A_145 : vector<16xf32>
      %add3A_755 = arith.constant 64 : i32
      %add3A_756 = arith.addi %add3A_755, %scan3A_139 : i32
      %get3A_757 = arith.index_cast %add3A_756 : i32 to index
      %get3A_758 = arith.constant 688 : index
      %get3A_759 = tpu.vector_load %arg13[%get3A_757, %get3A_758] {strides = array<i32>} : memref<128x768xf32, #tpu.memory_space<vmem>>, vector<16xf32>,
      %mul3A_760 = arith.mulf %get3A_759, %gather3A_149 : vector<16xf32>
      %add3A_761 = arith.addf %mul3A_754, %mul3A_760 : vector<16xf32>
      %swap3A_762 = arith.index_cast %scan3A_139 : i32 to index
      %swap3A_763 = arith.constant 688 : index
      %swap3A_764 = tpu.vector_load %arg13[%swap3A_762, %swap3A_763] {strides = array<i32>} : memref<128x768xf32, #tpu.memory_space<vmem>>, vector<16xf32>,
      tpu.vector_store %arg13[%swap3A_762, %swap3A_763], %add3A_761 {strides = array<i32>} : memref<128x768xf32, #tpu.memory_space<vmem>>, vector<16xf32>,
      %get3A_765 = arith.index_cast %scan3A_139 : i32 to index
      %get3A_766 = arith.constant 704 : index
      %get3A_767 = tpu.vector_load %arg13[%get3A_765, %get3A_766] {strides = array<i32>} : memref<128x768xf32, #tpu.memory_space<vmem>>, vector<16xf32>,
      %mul3A_768 = arith.mulf %get3A_767, %gather3A_145 : vector<16xf32>
      %add3A_769 = arith.constant 64 : i32
      %add3A_770 = arith.addi %add3A_769, %scan3A_139 : i32
      %get3A_771 = arith.index_cast %add3A_770 : i32 to index
      %get3A_772 = arith.constant 704 : index
      %get3A_773 = tpu.vector_load %arg13[%get3A_771, %get3A_772] {strides = array<i32>} : memref<128x768xf32, #tpu.memory_space<vmem>>, vector<16xf32>,
      %mul3A_774 = arith.mulf %get3A_773, %gather3A_149 : vector<16xf32>
      %add3A_775 = arith.addf %mul3A_768, %mul3A_774 : vector<16xf32>
      %swap3A_776 = arith.index_cast %scan3A_139 : i32 to index
      %swap3A_777 = arith.constant 704 : index
      %swap3A_778 = tpu.vector_load %arg13[%swap3A_776, %swap3A_777] {strides = array<i32>} : memref<128x768xf32, #tpu.memory_space<vmem>>, vector<16xf32>,
      tpu.vector_store %arg13[%swap3A_776, %swap3A_777], %add3A_775 {strides = array<i32>} : memref<128x768xf32, #tpu.memory_space<vmem>>, vector<16xf32>,
      %get3A_779 = arith.index_cast %scan3A_139 : i32 to index
      %get3A_780 = arith.constant 720 : index
      %get3A_781 = tpu.vector_load %arg13[%get3A_779, %get3A_780] {strides = array<i32>} : memref<128x768xf32, #tpu.memory_space<vmem>>, vector<16xf32>,
      %mul3A_782 = arith.mulf %get3A_781, %gather3A_145 : vector<16xf32>
      %add3A_783 = arith.constant 64 : i32
      %add3A_784 = arith.addi %add3A_783, %scan3A_139 : i32
      %get3A_785 = arith.index_cast %add3A_784 : i32 to index
      %get3A_786 = arith.constant 720 : index
      %get3A_787 = tpu.vector_load %arg13[%get3A_785, %get3A_786] {strides = array<i32>} : memref<128x768xf32, #tpu.memory_space<vmem>>, vector<16xf32>,
      %mul3A_788 = arith.mulf %get3A_787, %gather3A_149 : vector<16xf32>
      %add3A_789 = arith.addf %mul3A_782, %mul3A_788 : vector<16xf32>
      %swap3A_790 = arith.index_cast %scan3A_139 : i32 to index
      %swap3A_791 = arith.constant 720 : index
      %swap3A_792 = tpu.vector_load %arg13[%swap3A_790, %swap3A_791] {strides = array<i32>} : memref<128x768xf32, #tpu.memory_space<vmem>>, vector<16xf32>,
      tpu.vector_store %arg13[%swap3A_790, %swap3A_791], %add3A_789 {strides = array<i32>} : memref<128x768xf32, #tpu.memory_space<vmem>>, vector<16xf32>,
      %get3A_793 = arith.index_cast %scan3A_139 : i32 to index
      %get3A_794 = arith.constant 736 : index
      %get3A_795 = tpu.vector_load %arg13[%get3A_793, %get3A_794] {strides = array<i32>} : memref<128x768xf32, #tpu.memory_space<vmem>>, vector<16xf32>,
      %mul3A_796 = arith.mulf %get3A_795, %gather3A_145 : vector<16xf32>
      %add3A_797 = arith.constant 64 : i32
      %add3A_798 = arith.addi %add3A_797, %scan3A_139 : i32
      %get3A_799 = arith.index_cast %add3A_798 : i32 to index
      %get3A_800 = arith.constant 736 : index
      %get3A_801 = tpu.vector_load %arg13[%get3A_799, %get3A_800] {strides = array<i32>} : memref<128x768xf32, #tpu.memory_space<vmem>>, vector<16xf32>,
      %mul3A_802 = arith.mulf %get3A_801, %gather3A_149 : vector<16xf32>
      %add3A_803 = arith.addf %mul3A_796, %mul3A_802 : vector<16xf32>
      %swap3A_804 = arith.index_cast %scan3A_139 : i32 to index
      %swap3A_805 = arith.constant 736 : index
      %swap3A_806 = tpu.vector_load %arg13[%swap3A_804, %swap3A_805] {strides = array<i32>} : memref<128x768xf32, #tpu.memory_space<vmem>>, vector<16xf32>,
      tpu.vector_store %arg13[%swap3A_804, %swap3A_805], %add3A_803 {strides = array<i32>} : memref<128x768xf32, #tpu.memory_space<vmem>>, vector<16xf32>,
      %get3A_807 = arith.index_cast %scan3A_139 : i32 to index
      %get3A_808 = arith.constant 752 : index
      %get3A_809 = tpu.vector_load %arg13[%get3A_807, %get3A_808] {strides = array<i32>} : memref<128x768xf32, #tpu.memory_space<vmem>>, vector<16xf32>,
      %mul3A_810 = arith.mulf %get3A_809, %gather3A_145 : vector<16xf32>
      %add3A_811 = arith.constant 64 : i32
      %add3A_812 = arith.addi %add3A_811, %scan3A_139 : i32
      %get3A_813 = arith.index_cast %add3A_812 : i32 to index
      %get3A_814 = arith.constant 752 : index
      %get3A_815 = tpu.vector_load %arg13[%get3A_813, %get3A_814] {strides = array<i32>} : memref<128x768xf32, #tpu.memory_space<vmem>>, vector<16xf32>,
      %mul3A_816 = arith.mulf %get3A_815, %gather3A_149 : vector<16xf32>
      %add3A_817 = arith.addf %mul3A_810, %mul3A_816 : vector<16xf32>
      %swap3A_818 = arith.index_cast %scan3A_139 : i32 to index
      %swap3A_819 = arith.constant 752 : index
      %swap3A_820 = tpu.vector_load %arg13[%swap3A_818, %swap3A_819] {strides = array<i32>} : memref<128x768xf32, #tpu.memory_space<vmem>>, vector<16xf32>,
      tpu.vector_store %arg13[%swap3A_818, %swap3A_819], %add3A_817 {strides = array<i32>} : memref<128x768xf32, #tpu.memory_space<vmem>>, vector<16xf32>,
    }
    %scan3A_138 = arith.constant 64 : i32
    "tpu.region"() ({
      %run_scoped3A = tpu.sem_alloc : memref<!tpu.dma_semaphore, #tpu.memory_space<semaphore_mem>>
      %dma_start3A_139 = arith.constant 0 : i32
      %dma_start3A_140 = arith.constant 0 : i32
      %dma_start3A_141 = tpu.memref_slice %arg13[%dma_start3A_139, %dma_start3A_140] : memref<128x768xf32, #tpu.memory_space<vmem>> -> memref<64x768xf32, #tpu.memory_space<vmem>>
      %dma_start3A_142 = arith.constant 0 : i32
      %dma_start3A_143 = tpu.memref_slice %arg7[%mul3A_4, %dma_start3A_142] : memref<2048x768xf32, #tpu.memory_space<hbm>> -> memref<64x768xf32, #tpu.memory_space<hbm>>
      %dma_start3A_144 = arith.constant 0 : i32
      %dma_start3A_145 = tpu.memref_slice %arg7[%mul3A_4, %dma_start3A_144] : memref<2048x768xf32, #tpu.memory_space<hbm>> -> memref<64x768xf32, #tpu.memory_space<hbm>>
      %dma_start3A_146 = arith.constant 0 : i32
      %dma_start3A_147 = arith.constant 0 : i32
      %dma_start3A_148 = tpu.memref_slice %arg13[%dma_start3A_146, %dma_start3A_147] : memref<128x768xf32, #tpu.memory_space<vmem>> -> memref<64x768xf32, #tpu.memory_space<vmem>>
      tpu.enqueue_dma source(%dma_start3A_148 : memref<64x768xf32, #tpu.memory_space<vmem>>) target(%dma_start3A_145 : memref<64x768xf32, #tpu.memory_space<hbm>>) target_semaphore(%run_scoped3A : memref<!tpu.dma_semaphore, #tpu.memory_space<semaphore_mem>>)
      %dma_wait3A_149 = arith.constant 0 : i32
      %dma_wait3A_150 = arith.constant 0 : i32
      %dma_wait3A_151 = tpu.memref_slice %arg13[%dma_wait3A_149, %dma_wait3A_150] : memref<128x768xf32, #tpu.memory_space<vmem>> -> memref<64x768xf32, #tpu.memory_space<vmem>>
      %dma_wait3A_152 = arith.constant 0 : i32
      %dma_wait3A_153 = tpu.memref_slice %arg7[%mul3A_4, %dma_wait3A_152] : memref<2048x768xf32, #tpu.memory_space<hbm>> -> memref<64x768xf32, #tpu.memory_space<hbm>>
      %dma_wait3A_154 = arith.constant 0 : i32
      %dma_wait3A_155 = tpu.memref_slice %arg7[%mul3A_4, %dma_wait3A_154] : memref<2048x768xf32, #tpu.memory_space<hbm>> -> memref<64x768xf32, #tpu.memory_space<hbm>>
      %dma_wait3A_156 = arith.constant 0 : i32
      %dma_wait3A_157 = arith.constant 0 : i32
      %dma_wait3A_158 = tpu.memref_slice %arg13[%dma_wait3A_156, %dma_wait3A_157] : memref<128x768xf32, #tpu.memory_space<vmem>> -> memref<64x768xf32, #tpu.memory_space<vmem>>
      tpu.wait_dma2 semaphore(%run_scoped3A : memref<!tpu.dma_semaphore, #tpu.memory_space<semaphore_mem>>) src(%dma_wait3A_158 : memref<64x768xf32, #tpu.memory_space<vmem>>) dst(%dma_wait3A_155 : memref<64x768xf32, #tpu.memory_space<hbm>>)
      tpu.yield
    }) : () -> ()
    return
  }
}

module attributes {stable_mosaic.version = 14 : i64} {
  func.func @_ffn_body(%arg0: i32, %arg1: memref<16xi32, #tpu.memory_space<smem>>, %arg2: memref<256x768xf32, #tpu.memory_space<vmem>>, %arg3: memref<1x1024x768xf32, #tpu.memory_space<vmem>>, %arg4: memref<1x1024x768xf32, #tpu.memory_space<vmem>>, %arg5: memref<1x768x1024xf32, #tpu.memory_space<vmem>>, %arg6: memref<256x768xf32, #tpu.memory_space<vmem>>) attributes {dimension_semantics = [#tpu.dimension_semantics<arbitrary>], iteration_bounds = array<i64: 24>, scalar_prefetch = 1 : i64, scratch_operands = 0 : i64, tpu.core_type = #tpu.core_type<tc>, window_params = [{transform_indices = @transform_0, window_bounds = array<i64: 256, 768>}, {transform_indices = @transform_1, window_bounds = array<i64: 1, 1024, 768>}, {transform_indices = @transform_2, window_bounds = array<i64: 1, 1024, 768>}, {transform_indices = @transform_3, window_bounds = array<i64: 1, 768, 1024>}, {transform_indices = @transform_4, window_bounds = array<i64: 256, 768>}]} {
    %mul3A = arith.constant 256 : i32
    %mul3A_0 = arith.muli %arg0, %mul3A : i32
    %get3A = arith.constant 8 : index
    %get3A_1 = memref.load %arg1[%get3A] : memref<16xi32, #tpu.memory_space<smem>>
    %lt3A = arith.cmpi slt, %mul3A_0, %get3A_1 : i32
    %convert_element_type3A = arith.extui %lt3A : i1 to i32
    %cond3A = arith.constant 0 : i32
    %cond3A_2 = arith.cmpi ne, %convert_element_type3A, %cond3A : i32
    scf.if %cond3A_2 {
      %get3A_3 = arith.constant 0 : index
      %get3A_4 = arith.constant 0 : index
      %get3A_5 = vector.load %arg2[%get3A_3, %get3A_4] : memref<256x768xf32, #tpu.memory_space<vmem>>, vector<256x768xf32>
      %get3A_6 = arith.constant 0 : index
      %get3A_7 = arith.constant 0 : index
      %get3A_8 = arith.constant 0 : index
      %get3A_9 = vector.load %arg3[%get3A_6, %get3A_7, %get3A_8] : memref<1x1024x768xf32, #tpu.memory_space<vmem>>, vector<1x1024x768xf32>
      %get3A_10 = vector.shape_cast %get3A_9 : vector<1x1024x768xf32> to vector<1024x768xf32>
      %dot_general3A = arith.constant dense<0.000000e+00> : vector<256x1024xf32>
      %dot_general3A_11 = tpu.matmul %get3A_5, %get3A_10, %dot_general3A {dimension_numbers = #tpu.dot_dimension_numbers<[1], [1], [0], [0], [0, 0, 1, 0], [], []>, transpose_lhs_hint = false} : vector<256x768xf32>, vector<1024x768xf32>, vector<256x1024xf32> -> vector<256x1024xf32>
      %get3A_12 = arith.constant 0 : index
      %get3A_13 = arith.constant 0 : index
      %get3A_14 = arith.constant 0 : index
      %get3A_15 = vector.load %arg4[%get3A_12, %get3A_13, %get3A_14] : memref<1x1024x768xf32, #tpu.memory_space<vmem>>, vector<1x1024x768xf32>
      %get3A_16 = vector.shape_cast %get3A_15 : vector<1x1024x768xf32> to vector<1024x768xf32>
      %dot_general3A_17 = arith.constant dense<0.000000e+00> : vector<256x1024xf32>
      %dot_general3A_18 = tpu.matmul %get3A_5, %get3A_16, %dot_general3A_17 {dimension_numbers = #tpu.dot_dimension_numbers<[1], [1], [0], [0], [0, 0, 1, 0], [], []>, transpose_lhs_hint = false} : vector<256x768xf32>, vector<1024x768xf32>, vector<256x1024xf32> -> vector<256x1024xf32>
      %logistic3A = arith.negf %dot_general3A_11 : vector<256x1024xf32>
      %logistic3A_19 = math.exp %logistic3A : vector<256x1024xf32>
      %logistic3A_20 = arith.constant 1.000000e+00 : f32
      %logistic3A_21 = vector.broadcast %logistic3A_20 : f32 to vector<256x1024xf32>
      %logistic3A_22 = arith.addf %logistic3A_21, %logistic3A_19 : vector<256x1024xf32>
      %logistic3A_23 = arith.divf %logistic3A_21, %logistic3A_22 : vector<256x1024xf32>
      %mul3A_24 = arith.mulf %dot_general3A_11, %logistic3A_23 : vector<256x1024xf32>
      %mul3A_25 = arith.mulf %mul3A_24, %dot_general3A_18 : vector<256x1024xf32>
      %get3A_26 = arith.constant 0 : index
      %get3A_27 = arith.constant 0 : index
      %get3A_28 = arith.constant 0 : index
      %get3A_29 = vector.load %arg5[%get3A_26, %get3A_27, %get3A_28] : memref<1x768x1024xf32, #tpu.memory_space<vmem>>, vector<1x768x1024xf32>
      %get3A_30 = vector.shape_cast %get3A_29 : vector<1x768x1024xf32> to vector<768x1024xf32>
      %dot_general3A_31 = arith.constant dense<0.000000e+00> : vector<256x768xf32>
      %dot_general3A_32 = tpu.matmul %mul3A_25, %get3A_30, %dot_general3A_31 {dimension_numbers = #tpu.dot_dimension_numbers<[1], [1], [0], [0], [0, 0, 1, 0], [], []>, transpose_lhs_hint = false} : vector<256x1024xf32>, vector<768x1024xf32>, vector<256x768xf32> -> vector<256x768xf32>
      %swap3A = arith.constant 0 : index
      %swap3A_33 = arith.constant 0 : index
      %swap3A_34 = vector.load %arg6[%swap3A, %swap3A_33] : memref<256x768xf32, #tpu.memory_space<vmem>>, vector<256x768xf32>
      tpu.vector_store %arg6[%swap3A, %swap3A_33], %dot_general3A_32 {strides = array<i32>} : memref<256x768xf32, #tpu.memory_space<vmem>>, vector<256x768xf32>,
    } else {
    }
    return
  }
  func.func @transform_0(%arg0: i32, %arg1: memref<16xi32, #tpu.memory_space<smem>>) -> (i32, i32) {
    %get3A = arith.constant 8 : index
    %get3A_0 = memref.load %arg1[%get3A] : memref<16xi32, #tpu.memory_space<smem>>
    %jit3A = arith.constant 256 : i32
    %div3A = arith.divsi %get3A_0, %jit3A : i32
    %sign3A = arith.constant 0 : i32
    %sign3A_1 = arith.cmpi sgt, %get3A_0, %sign3A : i32
    %sign3A_2 = arith.extui %sign3A_1 : i1 to i32
    %sign3A_3 = arith.constant 0 : i32
    %sign3A_4 = arith.cmpi slt, %get3A_0, %sign3A_3 : i32
    %sign3A_5 = arith.extui %sign3A_4 : i1 to i32
    %sign3A_6 = arith.subi %sign3A_2, %sign3A_5 : i32
    %sign3A_7 = arith.constant 0 : i32
    %sign3A_8 = arith.cmpi sgt, %jit3A, %sign3A_7 : i32
    %sign3A_9 = arith.extui %sign3A_8 : i1 to i32
    %sign3A_10 = arith.constant 0 : i32
    %sign3A_11 = arith.cmpi slt, %jit3A, %sign3A_10 : i32
    %sign3A_12 = arith.extui %sign3A_11 : i1 to i32
    %sign3A_13 = arith.subi %sign3A_9, %sign3A_12 : i32
    %ne3A = arith.cmpi ne, %sign3A_6, %sign3A_13 : i32
    %rem3A = arith.remsi %get3A_0, %jit3A : i32
    %ne3A_14 = arith.constant 0 : i32
    %ne3A_15 = arith.cmpi ne, %rem3A, %ne3A_14 : i32
    %and3A = arith.andi %ne3A, %ne3A_15 : i1
    %sub3A = arith.constant 1 : i32
    %sub3A_16 = arith.subi %div3A, %sub3A : i32
    %select_n3A = arith.select %and3A, %sub3A_16, %div3A : i32
    %sub3A_17 = arith.constant 1 : i32
    %sub3A_18 = arith.subi %select_n3A, %sub3A_17 : i32
    %min3A = arith.minsi %arg0, %sub3A_18 : i32
    %c0_i32 = arith.constant 0 : i32
    %c0_i32_19 = arith.constant 0 : i32
    return %min3A, %c0_i32 : i32, i32
  }
  func.func @transform_1(%arg0: i32, %arg1: memref<16xi32, #tpu.memory_space<smem>>) -> (i32, i32, i32) {
    %get3A = arith.constant 8 : index
    %get3A_0 = memref.load %arg1[%get3A] : memref<16xi32, #tpu.memory_space<smem>>
    %jit3A = arith.constant 256 : i32
    %div3A = arith.divsi %get3A_0, %jit3A : i32
    %sign3A = arith.constant 0 : i32
    %sign3A_1 = arith.cmpi sgt, %get3A_0, %sign3A : i32
    %sign3A_2 = arith.extui %sign3A_1 : i1 to i32
    %sign3A_3 = arith.constant 0 : i32
    %sign3A_4 = arith.cmpi slt, %get3A_0, %sign3A_3 : i32
    %sign3A_5 = arith.extui %sign3A_4 : i1 to i32
    %sign3A_6 = arith.subi %sign3A_2, %sign3A_5 : i32
    %sign3A_7 = arith.constant 0 : i32
    %sign3A_8 = arith.cmpi sgt, %jit3A, %sign3A_7 : i32
    %sign3A_9 = arith.extui %sign3A_8 : i1 to i32
    %sign3A_10 = arith.constant 0 : i32
    %sign3A_11 = arith.cmpi slt, %jit3A, %sign3A_10 : i32
    %sign3A_12 = arith.extui %sign3A_11 : i1 to i32
    %sign3A_13 = arith.subi %sign3A_9, %sign3A_12 : i32
    %ne3A = arith.cmpi ne, %sign3A_6, %sign3A_13 : i32
    %rem3A = arith.remsi %get3A_0, %jit3A : i32
    %ne3A_14 = arith.constant 0 : i32
    %ne3A_15 = arith.cmpi ne, %rem3A, %ne3A_14 : i32
    %and3A = arith.andi %ne3A, %ne3A_15 : i1
    %sub3A = arith.constant 1 : i32
    %sub3A_16 = arith.subi %div3A, %sub3A : i32
    %select_n3A = arith.select %and3A, %sub3A_16, %div3A : i32
    %sub3A_17 = arith.constant 1 : i32
    %sub3A_18 = arith.subi %select_n3A, %sub3A_17 : i32
    %min3A = arith.minsi %arg0, %sub3A_18 : i32
    %mul3A = arith.constant 256 : i32
    %mul3A_19 = arith.muli %min3A, %mul3A : i32
    %get3A_20 = arith.constant 1 : index
    %get3A_21 = memref.load %arg1[%get3A_20] : memref<16xi32, #tpu.memory_space<smem>>
    %ge3A = arith.cmpi sge, %mul3A_19, %get3A_21 : i32
    %jit3A_22 = arith.constant 1 : i32
    %jit3A_23 = arith.constant 0 : i32
    %select_n3A_24 = arith.select %ge3A, %jit3A_22, %jit3A_23 : i32
    %add3A = arith.constant 0 : i32
    %add3A_25 = arith.addi %add3A, %select_n3A_24 : i32
    %mul3A_26 = arith.constant 256 : i32
    %mul3A_27 = arith.muli %min3A, %mul3A_26 : i32
    %get3A_28 = arith.constant 2 : index
    %get3A_29 = memref.load %arg1[%get3A_28] : memref<16xi32, #tpu.memory_space<smem>>
    %ge3A_30 = arith.cmpi sge, %mul3A_27, %get3A_29 : i32
    %jit3A_31 = arith.constant 1 : i32
    %jit3A_32 = arith.constant 0 : i32
    %select_n3A_33 = arith.select %ge3A_30, %jit3A_31, %jit3A_32 : i32
    %add3A_34 = arith.addi %add3A_25, %select_n3A_33 : i32
    %mul3A_35 = arith.constant 256 : i32
    %mul3A_36 = arith.muli %min3A, %mul3A_35 : i32
    %get3A_37 = arith.constant 3 : index
    %get3A_38 = memref.load %arg1[%get3A_37] : memref<16xi32, #tpu.memory_space<smem>>
    %ge3A_39 = arith.cmpi sge, %mul3A_36, %get3A_38 : i32
    %jit3A_40 = arith.constant 1 : i32
    %jit3A_41 = arith.constant 0 : i32
    %select_n3A_42 = arith.select %ge3A_39, %jit3A_40, %jit3A_41 : i32
    %add3A_43 = arith.addi %add3A_34, %select_n3A_42 : i32
    %mul3A_44 = arith.constant 256 : i32
    %mul3A_45 = arith.muli %min3A, %mul3A_44 : i32
    %get3A_46 = arith.constant 4 : index
    %get3A_47 = memref.load %arg1[%get3A_46] : memref<16xi32, #tpu.memory_space<smem>>
    %ge3A_48 = arith.cmpi sge, %mul3A_45, %get3A_47 : i32
    %jit3A_49 = arith.constant 1 : i32
    %jit3A_50 = arith.constant 0 : i32
    %select_n3A_51 = arith.select %ge3A_48, %jit3A_49, %jit3A_50 : i32
    %add3A_52 = arith.addi %add3A_43, %select_n3A_51 : i32
    %mul3A_53 = arith.constant 256 : i32
    %mul3A_54 = arith.muli %min3A, %mul3A_53 : i32
    %get3A_55 = arith.constant 5 : index
    %get3A_56 = memref.load %arg1[%get3A_55] : memref<16xi32, #tpu.memory_space<smem>>
    %ge3A_57 = arith.cmpi sge, %mul3A_54, %get3A_56 : i32
    %jit3A_58 = arith.constant 1 : i32
    %jit3A_59 = arith.constant 0 : i32
    %select_n3A_60 = arith.select %ge3A_57, %jit3A_58, %jit3A_59 : i32
    %add3A_61 = arith.addi %add3A_52, %select_n3A_60 : i32
    %mul3A_62 = arith.constant 256 : i32
    %mul3A_63 = arith.muli %min3A, %mul3A_62 : i32
    %get3A_64 = arith.constant 6 : index
    %get3A_65 = memref.load %arg1[%get3A_64] : memref<16xi32, #tpu.memory_space<smem>>
    %ge3A_66 = arith.cmpi sge, %mul3A_63, %get3A_65 : i32
    %jit3A_67 = arith.constant 1 : i32
    %jit3A_68 = arith.constant 0 : i32
    %select_n3A_69 = arith.select %ge3A_66, %jit3A_67, %jit3A_68 : i32
    %add3A_70 = arith.addi %add3A_61, %select_n3A_69 : i32
    %mul3A_71 = arith.constant 256 : i32
    %mul3A_72 = arith.muli %min3A, %mul3A_71 : i32
    %get3A_73 = arith.constant 7 : index
    %get3A_74 = memref.load %arg1[%get3A_73] : memref<16xi32, #tpu.memory_space<smem>>
    %ge3A_75 = arith.cmpi sge, %mul3A_72, %get3A_74 : i32
    %jit3A_76 = arith.constant 1 : i32
    %jit3A_77 = arith.constant 0 : i32
    %select_n3A_78 = arith.select %ge3A_75, %jit3A_76, %jit3A_77 : i32
    %add3A_79 = arith.addi %add3A_70, %select_n3A_78 : i32
    %c0_i32 = arith.constant 0 : i32
    %c0_i32_80 = arith.constant 0 : i32
    %c0_i32_81 = arith.constant 0 : i32
    return %add3A_79, %c0_i32, %c0_i32_80 : i32, i32, i32
  }
  func.func @transform_2(%arg0: i32, %arg1: memref<16xi32, #tpu.memory_space<smem>>) -> (i32, i32, i32) {
    %get3A = arith.constant 8 : index
    %get3A_0 = memref.load %arg1[%get3A] : memref<16xi32, #tpu.memory_space<smem>>
    %jit3A = arith.constant 256 : i32
    %div3A = arith.divsi %get3A_0, %jit3A : i32
    %sign3A = arith.constant 0 : i32
    %sign3A_1 = arith.cmpi sgt, %get3A_0, %sign3A : i32
    %sign3A_2 = arith.extui %sign3A_1 : i1 to i32
    %sign3A_3 = arith.constant 0 : i32
    %sign3A_4 = arith.cmpi slt, %get3A_0, %sign3A_3 : i32
    %sign3A_5 = arith.extui %sign3A_4 : i1 to i32
    %sign3A_6 = arith.subi %sign3A_2, %sign3A_5 : i32
    %sign3A_7 = arith.constant 0 : i32
    %sign3A_8 = arith.cmpi sgt, %jit3A, %sign3A_7 : i32
    %sign3A_9 = arith.extui %sign3A_8 : i1 to i32
    %sign3A_10 = arith.constant 0 : i32
    %sign3A_11 = arith.cmpi slt, %jit3A, %sign3A_10 : i32
    %sign3A_12 = arith.extui %sign3A_11 : i1 to i32
    %sign3A_13 = arith.subi %sign3A_9, %sign3A_12 : i32
    %ne3A = arith.cmpi ne, %sign3A_6, %sign3A_13 : i32
    %rem3A = arith.remsi %get3A_0, %jit3A : i32
    %ne3A_14 = arith.constant 0 : i32
    %ne3A_15 = arith.cmpi ne, %rem3A, %ne3A_14 : i32
    %and3A = arith.andi %ne3A, %ne3A_15 : i1
    %sub3A = arith.constant 1 : i32
    %sub3A_16 = arith.subi %div3A, %sub3A : i32
    %select_n3A = arith.select %and3A, %sub3A_16, %div3A : i32
    %sub3A_17 = arith.constant 1 : i32
    %sub3A_18 = arith.subi %select_n3A, %sub3A_17 : i32
    %min3A = arith.minsi %arg0, %sub3A_18 : i32
    %mul3A = arith.constant 256 : i32
    %mul3A_19 = arith.muli %min3A, %mul3A : i32
    %get3A_20 = arith.constant 1 : index
    %get3A_21 = memref.load %arg1[%get3A_20] : memref<16xi32, #tpu.memory_space<smem>>
    %ge3A = arith.cmpi sge, %mul3A_19, %get3A_21 : i32
    %jit3A_22 = arith.constant 1 : i32
    %jit3A_23 = arith.constant 0 : i32
    %select_n3A_24 = arith.select %ge3A, %jit3A_22, %jit3A_23 : i32
    %add3A = arith.constant 0 : i32
    %add3A_25 = arith.addi %add3A, %select_n3A_24 : i32
    %mul3A_26 = arith.constant 256 : i32
    %mul3A_27 = arith.muli %min3A, %mul3A_26 : i32
    %get3A_28 = arith.constant 2 : index
    %get3A_29 = memref.load %arg1[%get3A_28] : memref<16xi32, #tpu.memory_space<smem>>
    %ge3A_30 = arith.cmpi sge, %mul3A_27, %get3A_29 : i32
    %jit3A_31 = arith.constant 1 : i32
    %jit3A_32 = arith.constant 0 : i32
    %select_n3A_33 = arith.select %ge3A_30, %jit3A_31, %jit3A_32 : i32
    %add3A_34 = arith.addi %add3A_25, %select_n3A_33 : i32
    %mul3A_35 = arith.constant 256 : i32
    %mul3A_36 = arith.muli %min3A, %mul3A_35 : i32
    %get3A_37 = arith.constant 3 : index
    %get3A_38 = memref.load %arg1[%get3A_37] : memref<16xi32, #tpu.memory_space<smem>>
    %ge3A_39 = arith.cmpi sge, %mul3A_36, %get3A_38 : i32
    %jit3A_40 = arith.constant 1 : i32
    %jit3A_41 = arith.constant 0 : i32
    %select_n3A_42 = arith.select %ge3A_39, %jit3A_40, %jit3A_41 : i32
    %add3A_43 = arith.addi %add3A_34, %select_n3A_42 : i32
    %mul3A_44 = arith.constant 256 : i32
    %mul3A_45 = arith.muli %min3A, %mul3A_44 : i32
    %get3A_46 = arith.constant 4 : index
    %get3A_47 = memref.load %arg1[%get3A_46] : memref<16xi32, #tpu.memory_space<smem>>
    %ge3A_48 = arith.cmpi sge, %mul3A_45, %get3A_47 : i32
    %jit3A_49 = arith.constant 1 : i32
    %jit3A_50 = arith.constant 0 : i32
    %select_n3A_51 = arith.select %ge3A_48, %jit3A_49, %jit3A_50 : i32
    %add3A_52 = arith.addi %add3A_43, %select_n3A_51 : i32
    %mul3A_53 = arith.constant 256 : i32
    %mul3A_54 = arith.muli %min3A, %mul3A_53 : i32
    %get3A_55 = arith.constant 5 : index
    %get3A_56 = memref.load %arg1[%get3A_55] : memref<16xi32, #tpu.memory_space<smem>>
    %ge3A_57 = arith.cmpi sge, %mul3A_54, %get3A_56 : i32
    %jit3A_58 = arith.constant 1 : i32
    %jit3A_59 = arith.constant 0 : i32
    %select_n3A_60 = arith.select %ge3A_57, %jit3A_58, %jit3A_59 : i32
    %add3A_61 = arith.addi %add3A_52, %select_n3A_60 : i32
    %mul3A_62 = arith.constant 256 : i32
    %mul3A_63 = arith.muli %min3A, %mul3A_62 : i32
    %get3A_64 = arith.constant 6 : index
    %get3A_65 = memref.load %arg1[%get3A_64] : memref<16xi32, #tpu.memory_space<smem>>
    %ge3A_66 = arith.cmpi sge, %mul3A_63, %get3A_65 : i32
    %jit3A_67 = arith.constant 1 : i32
    %jit3A_68 = arith.constant 0 : i32
    %select_n3A_69 = arith.select %ge3A_66, %jit3A_67, %jit3A_68 : i32
    %add3A_70 = arith.addi %add3A_61, %select_n3A_69 : i32
    %mul3A_71 = arith.constant 256 : i32
    %mul3A_72 = arith.muli %min3A, %mul3A_71 : i32
    %get3A_73 = arith.constant 7 : index
    %get3A_74 = memref.load %arg1[%get3A_73] : memref<16xi32, #tpu.memory_space<smem>>
    %ge3A_75 = arith.cmpi sge, %mul3A_72, %get3A_74 : i32
    %jit3A_76 = arith.constant 1 : i32
    %jit3A_77 = arith.constant 0 : i32
    %select_n3A_78 = arith.select %ge3A_75, %jit3A_76, %jit3A_77 : i32
    %add3A_79 = arith.addi %add3A_70, %select_n3A_78 : i32
    %c0_i32 = arith.constant 0 : i32
    %c0_i32_80 = arith.constant 0 : i32
    %c0_i32_81 = arith.constant 0 : i32
    return %add3A_79, %c0_i32, %c0_i32_80 : i32, i32, i32
  }
  func.func @transform_3(%arg0: i32, %arg1: memref<16xi32, #tpu.memory_space<smem>>) -> (i32, i32, i32) {
    %get3A = arith.constant 8 : index
    %get3A_0 = memref.load %arg1[%get3A] : memref<16xi32, #tpu.memory_space<smem>>
    %jit3A = arith.constant 256 : i32
    %div3A = arith.divsi %get3A_0, %jit3A : i32
    %sign3A = arith.constant 0 : i32
    %sign3A_1 = arith.cmpi sgt, %get3A_0, %sign3A : i32
    %sign3A_2 = arith.extui %sign3A_1 : i1 to i32
    %sign3A_3 = arith.constant 0 : i32
    %sign3A_4 = arith.cmpi slt, %get3A_0, %sign3A_3 : i32
    %sign3A_5 = arith.extui %sign3A_4 : i1 to i32
    %sign3A_6 = arith.subi %sign3A_2, %sign3A_5 : i32
    %sign3A_7 = arith.constant 0 : i32
    %sign3A_8 = arith.cmpi sgt, %jit3A, %sign3A_7 : i32
    %sign3A_9 = arith.extui %sign3A_8 : i1 to i32
    %sign3A_10 = arith.constant 0 : i32
    %sign3A_11 = arith.cmpi slt, %jit3A, %sign3A_10 : i32
    %sign3A_12 = arith.extui %sign3A_11 : i1 to i32
    %sign3A_13 = arith.subi %sign3A_9, %sign3A_12 : i32
    %ne3A = arith.cmpi ne, %sign3A_6, %sign3A_13 : i32
    %rem3A = arith.remsi %get3A_0, %jit3A : i32
    %ne3A_14 = arith.constant 0 : i32
    %ne3A_15 = arith.cmpi ne, %rem3A, %ne3A_14 : i32
    %and3A = arith.andi %ne3A, %ne3A_15 : i1
    %sub3A = arith.constant 1 : i32
    %sub3A_16 = arith.subi %div3A, %sub3A : i32
    %select_n3A = arith.select %and3A, %sub3A_16, %div3A : i32
    %sub3A_17 = arith.constant 1 : i32
    %sub3A_18 = arith.subi %select_n3A, %sub3A_17 : i32
    %min3A = arith.minsi %arg0, %sub3A_18 : i32
    %mul3A = arith.constant 256 : i32
    %mul3A_19 = arith.muli %min3A, %mul3A : i32
    %get3A_20 = arith.constant 1 : index
    %get3A_21 = memref.load %arg1[%get3A_20] : memref<16xi32, #tpu.memory_space<smem>>
    %ge3A = arith.cmpi sge, %mul3A_19, %get3A_21 : i32
    %jit3A_22 = arith.constant 1 : i32
    %jit3A_23 = arith.constant 0 : i32
    %select_n3A_24 = arith.select %ge3A, %jit3A_22, %jit3A_23 : i32
    %add3A = arith.constant 0 : i32
    %add3A_25 = arith.addi %add3A, %select_n3A_24 : i32
    %mul3A_26 = arith.constant 256 : i32
    %mul3A_27 = arith.muli %min3A, %mul3A_26 : i32
    %get3A_28 = arith.constant 2 : index
    %get3A_29 = memref.load %arg1[%get3A_28] : memref<16xi32, #tpu.memory_space<smem>>
    %ge3A_30 = arith.cmpi sge, %mul3A_27, %get3A_29 : i32
    %jit3A_31 = arith.constant 1 : i32
    %jit3A_32 = arith.constant 0 : i32
    %select_n3A_33 = arith.select %ge3A_30, %jit3A_31, %jit3A_32 : i32
    %add3A_34 = arith.addi %add3A_25, %select_n3A_33 : i32
    %mul3A_35 = arith.constant 256 : i32
    %mul3A_36 = arith.muli %min3A, %mul3A_35 : i32
    %get3A_37 = arith.constant 3 : index
    %get3A_38 = memref.load %arg1[%get3A_37] : memref<16xi32, #tpu.memory_space<smem>>
    %ge3A_39 = arith.cmpi sge, %mul3A_36, %get3A_38 : i32
    %jit3A_40 = arith.constant 1 : i32
    %jit3A_41 = arith.constant 0 : i32
    %select_n3A_42 = arith.select %ge3A_39, %jit3A_40, %jit3A_41 : i32
    %add3A_43 = arith.addi %add3A_34, %select_n3A_42 : i32
    %mul3A_44 = arith.constant 256 : i32
    %mul3A_45 = arith.muli %min3A, %mul3A_44 : i32
    %get3A_46 = arith.constant 4 : index
    %get3A_47 = memref.load %arg1[%get3A_46] : memref<16xi32, #tpu.memory_space<smem>>
    %ge3A_48 = arith.cmpi sge, %mul3A_45, %get3A_47 : i32
    %jit3A_49 = arith.constant 1 : i32
    %jit3A_50 = arith.constant 0 : i32
    %select_n3A_51 = arith.select %ge3A_48, %jit3A_49, %jit3A_50 : i32
    %add3A_52 = arith.addi %add3A_43, %select_n3A_51 : i32
    %mul3A_53 = arith.constant 256 : i32
    %mul3A_54 = arith.muli %min3A, %mul3A_53 : i32
    %get3A_55 = arith.constant 5 : index
    %get3A_56 = memref.load %arg1[%get3A_55] : memref<16xi32, #tpu.memory_space<smem>>
    %ge3A_57 = arith.cmpi sge, %mul3A_54, %get3A_56 : i32
    %jit3A_58 = arith.constant 1 : i32
    %jit3A_59 = arith.constant 0 : i32
    %select_n3A_60 = arith.select %ge3A_57, %jit3A_58, %jit3A_59 : i32
    %add3A_61 = arith.addi %add3A_52, %select_n3A_60 : i32
    %mul3A_62 = arith.constant 256 : i32
    %mul3A_63 = arith.muli %min3A, %mul3A_62 : i32
    %get3A_64 = arith.constant 6 : index
    %get3A_65 = memref.load %arg1[%get3A_64] : memref<16xi32, #tpu.memory_space<smem>>
    %ge3A_66 = arith.cmpi sge, %mul3A_63, %get3A_65 : i32
    %jit3A_67 = arith.constant 1 : i32
    %jit3A_68 = arith.constant 0 : i32
    %select_n3A_69 = arith.select %ge3A_66, %jit3A_67, %jit3A_68 : i32
    %add3A_70 = arith.addi %add3A_61, %select_n3A_69 : i32
    %mul3A_71 = arith.constant 256 : i32
    %mul3A_72 = arith.muli %min3A, %mul3A_71 : i32
    %get3A_73 = arith.constant 7 : index
    %get3A_74 = memref.load %arg1[%get3A_73] : memref<16xi32, #tpu.memory_space<smem>>
    %ge3A_75 = arith.cmpi sge, %mul3A_72, %get3A_74 : i32
    %jit3A_76 = arith.constant 1 : i32
    %jit3A_77 = arith.constant 0 : i32
    %select_n3A_78 = arith.select %ge3A_75, %jit3A_76, %jit3A_77 : i32
    %add3A_79 = arith.addi %add3A_70, %select_n3A_78 : i32
    %c0_i32 = arith.constant 0 : i32
    %c0_i32_80 = arith.constant 0 : i32
    %c0_i32_81 = arith.constant 0 : i32
    return %add3A_79, %c0_i32, %c0_i32_80 : i32, i32, i32
  }
  func.func @transform_4(%arg0: i32, %arg1: memref<16xi32, #tpu.memory_space<smem>>) -> (i32, i32) {
    %get3A = arith.constant 8 : index
    %get3A_0 = memref.load %arg1[%get3A] : memref<16xi32, #tpu.memory_space<smem>>
    %jit3A = arith.constant 256 : i32
    %div3A = arith.divsi %get3A_0, %jit3A : i32
    %sign3A = arith.constant 0 : i32
    %sign3A_1 = arith.cmpi sgt, %get3A_0, %sign3A : i32
    %sign3A_2 = arith.extui %sign3A_1 : i1 to i32
    %sign3A_3 = arith.constant 0 : i32
    %sign3A_4 = arith.cmpi slt, %get3A_0, %sign3A_3 : i32
    %sign3A_5 = arith.extui %sign3A_4 : i1 to i32
    %sign3A_6 = arith.subi %sign3A_2, %sign3A_5 : i32
    %sign3A_7 = arith.constant 0 : i32
    %sign3A_8 = arith.cmpi sgt, %jit3A, %sign3A_7 : i32
    %sign3A_9 = arith.extui %sign3A_8 : i1 to i32
    %sign3A_10 = arith.constant 0 : i32
    %sign3A_11 = arith.cmpi slt, %jit3A, %sign3A_10 : i32
    %sign3A_12 = arith.extui %sign3A_11 : i1 to i32
    %sign3A_13 = arith.subi %sign3A_9, %sign3A_12 : i32
    %ne3A = arith.cmpi ne, %sign3A_6, %sign3A_13 : i32
    %rem3A = arith.remsi %get3A_0, %jit3A : i32
    %ne3A_14 = arith.constant 0 : i32
    %ne3A_15 = arith.cmpi ne, %rem3A, %ne3A_14 : i32
    %and3A = arith.andi %ne3A, %ne3A_15 : i1
    %sub3A = arith.constant 1 : i32
    %sub3A_16 = arith.subi %div3A, %sub3A : i32
    %select_n3A = arith.select %and3A, %sub3A_16, %div3A : i32
    %sub3A_17 = arith.constant 1 : i32
    %sub3A_18 = arith.subi %select_n3A, %sub3A_17 : i32
    %min3A = arith.minsi %arg0, %sub3A_18 : i32
    %c0_i32 = arith.constant 0 : i32
    %c0_i32_19 = arith.constant 0 : i32
    return %min3A, %c0_i32 : i32, i32
  }
}

module attributes {stable_mosaic.version = 14 : i64} {
  func.func @_router_body(%arg0: i32, %arg1: memref<1024x768xf32, #tpu.memory_space<vmem>>, %arg2: memref<8x768xf32, #tpu.memory_space<vmem>>, %arg3: memref<1024x2xi32, #tpu.memory_space<vmem>>, %arg4: memref<1024x2xf32, #tpu.memory_space<vmem>>, %arg5: memref<1024x2xi32, #tpu.memory_space<vmem>>, %arg6: memref<1x16xi32, #tpu.memory_space<vmem>>, %arg7: memref<1x8xf32, #tpu.memory_space<vmem>>) attributes {dimension_semantics = [#tpu.dimension_semantics<arbitrary>], iteration_bounds = array<i64: 2>, scalar_prefetch = 0 : i64, scratch_operands = 1 : i64, tpu.core_type = #tpu.core_type<tc>, window_params = [{transform_indices = @transform_0, window_bounds = array<i64: 1024, 768>}, {pipeline_mode = #tpu.pipeline_mode<synchronous>, transform_indices = @transform_1, window_bounds = array<i64: 8, 768>}, {transform_indices = @transform_2, window_bounds = array<i64: 1024, 2>}, {transform_indices = @transform_3, window_bounds = array<i64: 1024, 2>}, {transform_indices = @transform_4, window_bounds = array<i64: 1024, 2>}, {pipeline_mode = #tpu.pipeline_mode<synchronous>, transform_indices = @transform_5, window_bounds = array<i64: 1, 16>}]} {
    %eq3A = arith.constant 0 : i32
    %eq3A_0 = arith.cmpi eq, %arg0, %eq3A : i32
    %convert_element_type3A = arith.extui %eq3A_0 : i1 to i32
    %cond3A = arith.constant 0 : i32
    %cond3A_1 = arith.cmpi ne, %convert_element_type3A, %cond3A : i32
    scf.if %cond3A_1 {
      %broadcast_in_dim3A_118 = arith.constant 0.000000e+00 : f32
      %broadcast_in_dim3A_119 = vector.broadcast %broadcast_in_dim3A_118 : f32 to vector<1x8xf32>
      %swap3A_120 = arith.constant 0 : index
      %swap3A_121 = arith.constant 0 : index
      %swap3A_122 = vector.load %arg7[%swap3A_120, %swap3A_121] : memref<1x8xf32, #tpu.memory_space<vmem>>, vector<1x8xf32>
      tpu.vector_store %arg7[%swap3A_120, %swap3A_121], %broadcast_in_dim3A_119 {strides = array<i32>} : memref<1x8xf32, #tpu.memory_space<vmem>>, vector<1x8xf32>,
    } else {
    }
    %get3A = arith.constant 0 : index
    %get3A_2 = arith.constant 0 : index
    %get3A_3 = vector.load %arg1[%get3A, %get3A_2] : memref<1024x768xf32, #tpu.memory_space<vmem>>, vector<1024x768xf32>
    %get3A_4 = arith.constant 0 : index
    %get3A_5 = arith.constant 0 : index
    %get3A_6 = vector.load %arg2[%get3A_4, %get3A_5] : memref<8x768xf32, #tpu.memory_space<vmem>>, vector<8x768xf32>
    %dot_general3A = arith.constant dense<0.000000e+00> : vector<1024x8xf32>
    %dot_general3A_7 = tpu.matmul %get3A_3, %get3A_6, %dot_general3A {dimension_numbers = #tpu.dot_dimension_numbers<[1], [1], [0], [0], [0, 0, 1, 0], [], []>, transpose_lhs_hint = false} : vector<1024x768xf32>, vector<8x768xf32>, vector<1024x8xf32> -> vector<1024x8xf32>
    %reduce_max3A = arith.constant dense<0xFF800000> : vector<1024xf32>
    %reduce_max3A_8 = vector.multi_reduction <maximumf>, %dot_general3A_7, %reduce_max3A [1] : vector<1024x8xf32> to vector<1024xf32>
    %broadcast_in_dim3A = vector.shape_cast %reduce_max3A_8 : vector<1024xf32> to vector<1024x1xf32>
    %sub3A = vector.broadcast %broadcast_in_dim3A : vector<1024x1xf32> to vector<1024x8xf32>
    %sub3A_9 = arith.subf %dot_general3A_7, %sub3A : vector<1024x8xf32>
    %exp3A = math.exp %sub3A_9 : vector<1024x8xf32>
    %reduce_sum3A = arith.constant dense<0.000000e+00> : vector<1024xf32>
    %reduce_sum3A_10 = vector.multi_reduction <add>, %exp3A, %reduce_sum3A [1] : vector<1024x8xf32> to vector<1024xf32>
    %broadcast_in_dim3A_11 = vector.shape_cast %reduce_sum3A_10 : vector<1024xf32> to vector<1024x1xf32>
    %div3A = vector.broadcast %broadcast_in_dim3A_11 : vector<1024x1xf32> to vector<1024x8xf32>
    %div3A_12 = arith.divf %exp3A, %div3A : vector<1024x8xf32>
    %iota3A = tpu.iota {dimensions = array<i32: 1>} : vector<1024x8xi32>
    %reduce_max3A_13 = arith.constant dense<0xFF800000> : vector<1024xf32>
    %reduce_max3A_14 = vector.multi_reduction <maximumf>, %div3A_12, %reduce_max3A_13 [1] : vector<1024x8xf32> to vector<1024xf32>
    %broadcast_in_dim3A_15 = vector.shape_cast %reduce_max3A_14 : vector<1024xf32> to vector<1024x1xf32>
    %eq3A_16 = vector.broadcast %broadcast_in_dim3A_15 : vector<1024x1xf32> to vector<1024x8xf32>
    %eq3A_17 = arith.cmpf oeq, %div3A_12, %eq3A_16 : vector<1024x8xf32>
    %jit3A = arith.constant 1073741824 : i32
    %broadcast_in_dim3A_18 = vector.broadcast %jit3A : i32 to vector<1024x8xi32>
    %select_n3A = arith.select %eq3A_17, %iota3A, %broadcast_in_dim3A_18 : vector<1024x8xi1>, vector<1024x8xi32>
    %reduce_min3A = arith.constant dense<2147483647> : vector<1024xi32>
    %reduce_min3A_19 = vector.multi_reduction <minsi>, %select_n3A, %reduce_min3A [1] : vector<1024x8xi32> to vector<1024xi32>
    %broadcast_in_dim3A_20 = vector.shape_cast %reduce_min3A_19 : vector<1024xi32> to vector<1024x1xi32>
    %eq3A_21 = vector.broadcast %broadcast_in_dim3A_20 : vector<1024x1xi32> to vector<1024x8xi32>
    %eq3A_22 = arith.cmpi eq, %iota3A, %eq3A_21 : vector<1024x8xi32>
    %neg3A = arith.constant 0.000000e+00 : f32
    %neg3A_23 = arith.constant 1.000000e+00 : f32
    %neg3A_24 = arith.subf %neg3A, %neg3A_23 : f32
    %broadcast_in_dim3A_25 = vector.broadcast %neg3A_24 : f32 to vector<1024x8xf32>
    %select_n3A_26 = arith.select %eq3A_22, %broadcast_in_dim3A_25, %div3A_12 : vector<1024x8xi1>, vector<1024x8xf32>
    %reduce_max3A_27 = arith.constant dense<0xFF800000> : vector<1024xf32>
    %reduce_max3A_28 = vector.multi_reduction <maximumf>, %select_n3A_26, %reduce_max3A_27 [1] : vector<1024x8xf32> to vector<1024xf32>
    %broadcast_in_dim3A_29 = vector.shape_cast %reduce_max3A_28 : vector<1024xf32> to vector<1024x1xf32>
    %eq3A_30 = vector.broadcast %broadcast_in_dim3A_29 : vector<1024x1xf32> to vector<1024x8xf32>
    %eq3A_31 = arith.cmpf oeq, %select_n3A_26, %eq3A_30 : vector<1024x8xf32>
    %jit3A_32 = arith.constant 1073741824 : i32
    %broadcast_in_dim3A_33 = vector.broadcast %jit3A_32 : i32 to vector<1024x8xi32>
    %select_n3A_34 = arith.select %eq3A_31, %iota3A, %broadcast_in_dim3A_33 : vector<1024x8xi1>, vector<1024x8xi32>
    %reduce_min3A_35 = arith.constant dense<2147483647> : vector<1024xi32>
    %reduce_min3A_36 = vector.multi_reduction <minsi>, %select_n3A_34, %reduce_min3A_35 [1] : vector<1024x8xi32> to vector<1024xi32>
    %broadcast_in_dim3A_37 = vector.shape_cast %reduce_min3A_36 : vector<1024xi32> to vector<1024x1xi32>
    %add3A = arith.addf %broadcast_in_dim3A_15, %broadcast_in_dim3A_29 : vector<1024x1xf32>
    %add3A_38 = arith.constant 9.99999968E-21 : f32
    %add3A_39 = vector.broadcast %add3A_38 : f32 to vector<1024x1xf32>
    %add3A_40 = arith.addf %add3A, %add3A_39 : vector<1024x1xf32>
    %div3A_41 = arith.divf %broadcast_in_dim3A_15, %add3A_40 : vector<1024x1xf32>
    %div3A_42 = arith.divf %broadcast_in_dim3A_29, %add3A_40 : vector<1024x1xf32>
    %eq3A_43 = vector.broadcast %broadcast_in_dim3A_20 : vector<1024x1xi32> to vector<1024x8xi32>
    %eq3A_44 = arith.cmpi eq, %iota3A, %eq3A_43 : vector<1024x8xi32>
    %convert_element_type3A_45 = arith.extui %eq3A_44 : vector<1024x8xi1> to vector<1024x8xi32>
    %convert_element_type3A_46 = arith.sitofp %convert_element_type3A_45 : vector<1024x8xi32> to vector<1024x8xf32>
    %eq3A_47 = vector.broadcast %broadcast_in_dim3A_37 : vector<1024x1xi32> to vector<1024x8xi32>
    %eq3A_48 = arith.cmpi eq, %iota3A, %eq3A_47 : vector<1024x8xi32>
    %convert_element_type3A_49 = arith.extui %eq3A_48 : vector<1024x8xi1> to vector<1024x8xi32>
    %convert_element_type3A_50 = arith.sitofp %convert_element_type3A_49 : vector<1024x8xi32> to vector<1024x8xf32>
    %add3A_51 = arith.addf %convert_element_type3A_46, %convert_element_type3A_50 : vector<1024x8xf32>
    %iota3A_52 = tpu.iota {dimensions = array<i32: 0>} : vector<1024x1024xi32>
    %iota3A_53 = tpu.iota {dimensions = array<i32: 1>} : vector<1024x1024xi32>
    %lt3A = arith.cmpi slt, %iota3A_53, %iota3A_52 : vector<1024x1024xi32>
    %convert_element_type3A_54 = arith.extui %lt3A : vector<1024x1024xi1> to vector<1024x1024xi32>
    %convert_element_type3A_55 = arith.sitofp %convert_element_type3A_54 : vector<1024x1024xi32> to vector<1024x1024xf32>
    %dot_general3A_56 = arith.constant dense<0.000000e+00> : vector<1024x8xf32>
    %dot_general3A_57 = tpu.matmul %convert_element_type3A_55, %add3A_51, %dot_general3A_56 {dimension_numbers = #tpu.dot_dimension_numbers<[1], [0], [0], [1], [0, 0, 1, 1], [], []>, transpose_lhs_hint = false} : vector<1024x1024xf32>, vector<1024x8xf32>, vector<1024x8xf32> -> vector<1024x8xf32>
    %get3A_58 = arith.constant 0 : index
    %get3A_59 = arith.constant 0 : index
    %get3A_60 = vector.load %arg7[%get3A_58, %get3A_59] : memref<1x8xf32, #tpu.memory_space<vmem>>, vector<1x8xf32>
    %add3A_61 = vector.broadcast %get3A_60 : vector<1x8xf32> to vector<1024x8xf32>
    %add3A_62 = arith.addf %add3A_61, %dot_general3A_57 : vector<1024x8xf32>
    %mul3A = arith.mulf %convert_element_type3A_46, %add3A_62 : vector<1024x8xf32>
    %reduce_sum3A_63 = arith.constant dense<0.000000e+00> : vector<1024xf32>
    %reduce_sum3A_64 = vector.multi_reduction <add>, %mul3A, %reduce_sum3A_63 [1] : vector<1024x8xf32> to vector<1024xf32>
    %broadcast_in_dim3A_65 = vector.shape_cast %reduce_sum3A_64 : vector<1024xf32> to vector<1024x1xf32>
    %mul3A_66 = arith.mulf %convert_element_type3A_50, %add3A_62 : vector<1024x8xf32>
    %reduce_sum3A_67 = arith.constant dense<0.000000e+00> : vector<1024xf32>
    %reduce_sum3A_68 = vector.multi_reduction <add>, %mul3A_66, %reduce_sum3A_67 [1] : vector<1024x8xf32> to vector<1024xf32>
    %broadcast_in_dim3A_69 = vector.shape_cast %reduce_sum3A_68 : vector<1024xf32> to vector<1024x1xf32>
    %get3A_70 = arith.constant 0 : index
    %get3A_71 = arith.constant 0 : index
    %get3A_72 = vector.load %arg7[%get3A_70, %get3A_71] : memref<1x8xf32, #tpu.memory_space<vmem>>, vector<1x8xf32>
    %reduce_sum3A_73 = arith.constant dense<0.000000e+00> : vector<8xf32>
    %reduce_sum3A_74 = vector.multi_reduction <add>, %add3A_51, %reduce_sum3A_73 [0] : vector<1024x8xf32> to vector<8xf32>
    %broadcast_in_dim3A_75 = vector.shape_cast %reduce_sum3A_74 : vector<8xf32> to vector<1x8xf32>
    %add3A_76 = arith.addf %get3A_72, %broadcast_in_dim3A_75 : vector<1x8xf32>
    %swap3A = arith.constant 0 : index
    %swap3A_77 = arith.constant 0 : index
    %swap3A_78 = vector.load %arg7[%swap3A, %swap3A_77] : memref<1x8xf32, #tpu.memory_space<vmem>>, vector<1x8xf32>
    tpu.vector_store %arg7[%swap3A, %swap3A_77], %add3A_76 {strides = array<i32>} : memref<1x8xf32, #tpu.memory_space<vmem>>, vector<1x8xf32>,
    %concatenate3A = tpu.concatenate %broadcast_in_dim3A_20, %broadcast_in_dim3A_37 in 1 : vector<1024x1xi32>, vector<1024x1xi32> -> vector<1024x2xi32>
    %swap3A_79 = arith.constant 0 : index
    %swap3A_80 = arith.constant 0 : index
    %swap3A_81 = vector.load %arg3[%swap3A_79, %swap3A_80] : memref<1024x2xi32, #tpu.memory_space<vmem>>, vector<1024x2xi32>
    tpu.vector_store %arg3[%swap3A_79, %swap3A_80], %concatenate3A {strides = array<i32>} : memref<1024x2xi32, #tpu.memory_space<vmem>>, vector<1024x2xi32>,
    %concatenate3A_82 = tpu.concatenate %div3A_41, %div3A_42 in 1 : vector<1024x1xf32>, vector<1024x1xf32> -> vector<1024x2xf32>
    %swap3A_83 = arith.constant 0 : index
    %swap3A_84 = arith.constant 0 : index
    %swap3A_85 = vector.load %arg4[%swap3A_83, %swap3A_84] : memref<1024x2xf32, #tpu.memory_space<vmem>>, vector<1024x2xf32>
    tpu.vector_store %arg4[%swap3A_83, %swap3A_84], %concatenate3A_82 {strides = array<i32>} : memref<1024x2xf32, #tpu.memory_space<vmem>>, vector<1024x2xf32>,
    %concatenate3A_86 = tpu.concatenate %broadcast_in_dim3A_65, %broadcast_in_dim3A_69 in 1 : vector<1024x1xf32>, vector<1024x1xf32> -> vector<1024x2xf32>
    %convert_element_type3A_87 = arith.fptosi %concatenate3A_86 : vector<1024x2xf32> to vector<1024x2xi32>
    %swap3A_88 = arith.constant 0 : index
    %swap3A_89 = arith.constant 0 : index
    %swap3A_90 = vector.load %arg5[%swap3A_88, %swap3A_89] : memref<1024x2xi32, #tpu.memory_space<vmem>>, vector<1024x2xi32>
    tpu.vector_store %arg5[%swap3A_88, %swap3A_89], %convert_element_type3A_87 {strides = array<i32>} : memref<1024x2xi32, #tpu.memory_space<vmem>>, vector<1024x2xi32>,
    %add3A_91 = arith.constant 2.550000e+02 : f32
    %add3A_92 = vector.broadcast %add3A_91 : f32 to vector<1x8xf32>
    %add3A_93 = arith.addf %add3A_76, %add3A_92 : vector<1x8xf32>
    %mul3A_94 = arith.constant 3.906250e-03 : f32
    %mul3A_95 = vector.broadcast %mul3A_94 : f32 to vector<1x8xf32>
    %mul3A_96 = arith.mulf %add3A_93, %mul3A_95 : vector<1x8xf32>
    %floor3A = math.floor %mul3A_96 : vector<1x8xf32>
    %mul3A_97 = arith.constant 2.560000e+02 : f32
    %mul3A_98 = vector.broadcast %mul3A_97 : f32 to vector<1x8xf32>
    %mul3A_99 = arith.mulf %floor3A, %mul3A_98 : vector<1x8xf32>
    %iota3A_100 = tpu.iota {dimensions = array<i32: 0>} : vector<8x8xi32>
    %iota3A_101 = tpu.iota {dimensions = array<i32: 1>} : vector<8x8xi32>
    %lt3A_102 = arith.cmpi slt, %iota3A_100, %iota3A_101 : vector<8x8xi32>
    %convert_element_type3A_103 = arith.extui %lt3A_102 : vector<8x8xi1> to vector<8x8xi32>
    %convert_element_type3A_104 = arith.sitofp %convert_element_type3A_103 : vector<8x8xi32> to vector<8x8xf32>
    %dot_general3A_105 = arith.constant dense<0.000000e+00> : vector<1x8xf32>
    %dot_general3A_106 = tpu.matmul %mul3A_99, %convert_element_type3A_104, %dot_general3A_105 {dimension_numbers = #tpu.dot_dimension_numbers<[1], [0], [0], [1], [0, 0, 1, 1], [], []>, transpose_lhs_hint = false} : vector<1x8xf32>, vector<8x8xf32>, vector<1x8xf32> -> vector<1x8xf32>
    %reduce_sum3A_107 = arith.constant dense<0.000000e+00> : vector<1xf32>
    %reduce_sum3A_108 = vector.multi_reduction <add>, %mul3A_99, %reduce_sum3A_107 [1] : vector<1x8xf32> to vector<1xf32>
    %broadcast_in_dim3A_109 = vector.shape_cast %reduce_sum3A_108 : vector<1xf32> to vector<1x1xf32>
    %broadcast_in_dim3A_110 = arith.constant 0 : i32
    %broadcast_in_dim3A_111 = vector.broadcast %broadcast_in_dim3A_110 : i32 to vector<1x7xi32>
    %convert_element_type3A_112 = arith.fptosi %dot_general3A_106 : vector<1x8xf32> to vector<1x8xi32>
    %convert_element_type3A_113 = arith.fptosi %broadcast_in_dim3A_109 : vector<1x1xf32> to vector<1x1xi32>
    %concatenate3A_114 = tpu.concatenate %convert_element_type3A_112, %convert_element_type3A_113, %broadcast_in_dim3A_111 in 1 : vector<1x8xi32>, vector<1x1xi32>, vector<1x7xi32> -> vector<1x16xi32>
    %swap3A_115 = arith.constant 0 : index
    %swap3A_116 = arith.constant 0 : index
    %swap3A_117 = vector.load %arg6[%swap3A_115, %swap3A_116] : memref<1x16xi32, #tpu.memory_space<vmem>>, vector<1x16xi32>
    tpu.vector_store %arg6[%swap3A_115, %swap3A_116], %concatenate3A_114 {strides = array<i32>} : memref<1x16xi32, #tpu.memory_space<vmem>>, vector<1x16xi32>,
    return
  }
  func.func @transform_0(%arg0: i32) -> (i32, i32) {
    %c0_i32 = arith.constant 0 : i32
    %c0_i32_0 = arith.constant 0 : i32
    return %arg0, %c0_i32 : i32, i32
  }
  func.func @transform_1(%arg0: i32) -> (i32, i32) {
    %c0_i32 = arith.constant 0 : i32
    %c0_i32_0 = arith.constant 0 : i32
    %c0_i32_1 = arith.constant 0 : i32
    return %c0_i32, %c0_i32_0 : i32, i32
  }
  func.func @transform_2(%arg0: i32) -> (i32, i32) {
    %c0_i32 = arith.constant 0 : i32
    %c0_i32_0 = arith.constant 0 : i32
    return %arg0, %c0_i32 : i32, i32
  }
  func.func @transform_3(%arg0: i32) -> (i32, i32) {
    %c0_i32 = arith.constant 0 : i32
    %c0_i32_0 = arith.constant 0 : i32
    return %arg0, %c0_i32 : i32, i32
  }
  func.func @transform_4(%arg0: i32) -> (i32, i32) {
    %c0_i32 = arith.constant 0 : i32
    %c0_i32_0 = arith.constant 0 : i32
    return %arg0, %c0_i32 : i32, i32
  }
  func.func @transform_5(%arg0: i32) -> (i32, i32) {
    %c0_i32 = arith.constant 0 : i32
    %c0_i32_0 = arith.constant 0 : i32
    %c0_i32_1 = arith.constant 0 : i32
    return %c0_i32, %c0_i32_0 : i32, i32
  }
}

</mosaic_0001>

<sc_bundles>
// kernel: kernel.6.cloned.1.call-start
scs
__scs_entry_jumppad:
0x0: {  	(pc) =	sbr.rel $0x88, $3  }
0x1: {  	(tag) =	ssettag $0x0;
	lr =	simm.s32 $0x1  }
0x2: {  	[smem:$0x3F9C] =	sst lr;
	_ =	strace $0xD0000000  }
0x3: {  	_ = 	snop  }
0x4: {  	_ = 	snop  }
0x5: {  	_ = 	snop  }
0x6: {  	_ = 	snop  }
0x7: {  	_ = 	snop  }
__scs_overlays_trampoline_lowered:
0x8: {  	[smem:$0x3FAB] =	sst s0  }
0x9: {  	[smem:$0x3FAC] =	sst s1  }
0xa: {  	[smem:$0x3FAD] =	sst s2  }
0xb: {  	[smem:$0x3FAE] =	sst s3  }
0xc: {  	[smem:$0x3FAF] =	sst s4  }
0xd: {  	[smem:$0x3FB0] =	sst s5  }
0xe: {  	[smem:$0x3FB1] =	sst s6  }
0xf: {  	[smem:$0x3FB2] =	sst s7  }
0x10: {  	[smem:$0x3FB3] =	sst s8  }
0x11: {  	[smem:$0x3FB4] =	sst s9;
	s0 =	simm.s32 @!p0 $0x0  }
0x12: {  	s1 =	sld [smem:$0x3F9A];
	s0 =	simm.s32 @p0 $0x1  }
0x13: {  	[smem:$0x3FB5] =	sst s0;
	s0 =	simm.s32 @!p1 $0x0  }
0x14: {  	s2 =	sld [smem:$0x3F99];
	s0 =	simm.s32 @p1 $0x1  }
0x15: {  	[smem:$0x3FB6] =	sst s0;
	s0 =	simm.s32 @!p2 $0x0  }
0x16: {  	s3 =	sld [smem:$0x3FDB];
	s0 =	simm.s32 @p2 $0x1  }
0x17: {  	s4 =	simm.s32 $0x1BF5;
	[smem:$0x3FB8] =	sst s0  }
0x18: {  	s0 =	sld [smem:$0x3F9B];
	_ =	swait.ge [sflag:s4], $0x0  }
0x19: {  	s7 =	sld [smem:$0x3F9C]  }
0x1a: {  	s8 =	sadd.s32 $0xFFFFE003, lr  }
0x1b: {  	s9 =	sadd.s32 $0xFFFFFEF7, lr;
	s5 =	simm.s32 $0xFFFFFFFF;
	p2 =	slt.u32 s8, $0xFFFFF086  }
0x1c: {  	p1 =	slt.u32 s9, $0xF7A;
	s5 =	simm.s32 @!p2 $0x0  }
0x1d: {  	s5 =	simm.s32 @p1 $0x1;
	p0 =	seq.s32 s7, s2  }
0x1e: {  	s7 =	smul.u32 @!p0 $0xF7A, s2;
	p2 =	seq.s32 @!p0 s5, $0x0  }
0x1f: {  	s9 =	smul.u32 $0xF7A, s1;
	s8 =	simm.s32 @!p0 $0x1BF5;
	p2 =	por !p2, p0  }
0x20: {  	[sflag:s8] =	ssyncset.s32 @!p0 $0xFFFFF086;
	s6 =	sadd.s32 @!p0 s3, s7;
	s7 =	simm.s32 @!p0 $0x108  }
0x21: {  	s3 =	sadd.s32 s3, s9;
	s6 =	sadd.s32 @!p0 $0x88, s6;
	s7 =	simm.s32 @p2 $0x1082  }
0x22: {  	[simem:s7], [sflag:s8] =	dma.local @!p0 [hbm:s6], $0xF7A  }
0x23: {  	s9 =	sor.u32 $0xD0000000, s2;
	s6 =	simm.s32 $0x108;
	_ =	swait.ge @!p0 [sflag:s8], $0x0  }
0x24: {  	s3 =	sadd.s32 $0x88, s3;
	s6 =	simm.s32 @!p1 $0x1082;
	[sflag:s4] =	ssyncset.s32 $0xFFFFF086  }
0x25: {  	[simem:s6], [sflag:s4] =	dma.local [hbm:s3], $0xF7A  }
0x26: {  	[smem:$0x3F9C] =	sst s1;
	(tag) =	ssettag s2;
	_ =	strace s9  }
0x27: {  	s1 =	sld [smem:$0x3FAC]  }
0x28: {  	s2 =	sld [smem:$0x3FAD]  }
0x29: {  	s4 =	sld [smem:$0x3FAF]  }
0x2a: {  	p0 =	seq.s32 s5, $0x0;
	s5 =	sld [smem:$0x3FB0]  }
0x2b: {  	s6 =	sld [smem:$0x3FB1]  }
0x2c: {  	s7 =	sld [smem:$0x3FB2]  }
0x2d: {  	s3 =	simm.s32 $0x108;
	s8 =	sld [smem:$0x3FB3]  }
0x2e: {  	s3 =	simm.s32 @!p0 $0x1082;
	s9 =	sld [smem:$0x3FB4]  }
0x2f: {  	lr =	sadd.s32 s0, s3;
	s0 =	sld [smem:$0x3FAB]  }
0x30: {  	s3 =	sld [smem:$0x3FAE]  }
0x31: {  	[smem:$0x3FB7] =	sst s10  }
0x32: {  	s10 =	sld [smem:$0x3FB5];
	_ =	sdelay $0x3  }
0x33: {  	p0 =	seq.s32 s10, $0x1;
	s10 =	sld [smem:$0x3FB7];
	_ =	sdelay $0x3  }
0x34: {  	[smem:$0x3FB7] =	sst s10  }
0x35: {  	s10 =	sld [smem:$0x3FB6];
	_ =	sdelay $0x3  }
0x36: {  	p1 =	seq.s32 s10, $0x1;
	s10 =	sld [smem:$0x3FB7];
	_ =	sdelay $0x3  }
0x37: {  	[smem:$0x3FB7] =	sst s10  }
0x38: {  	s10 =	sld [smem:$0x3FB8]  }
0x39: {  	_ = 	snop;
	(pc) =	sbr.ind lr, $3  }
0x3a: {  	_ = 	snop  }
0x3b: {  	_ = 	snop  }
0x3c: {  	p2 =	seq.s32 s10, $0x1;
	s10 =	sld [smem:$0x3FB7]  }
0x3d: {  	_ =	shalt  }
0x3e: {  	_ =	shalt  }
0x3f: {  	_ =	shalt  }
0x40: {  	_ =	shalt  }
0x41: {  	_ =	shalt  }
0x42: {  	_ =	shalt  }
0x43: {  	_ =	shalt  }
0x44: {  	_ =	shalt  }
0x45: {  	_ =	shalt  }
0x46: {  	_ =	shalt  }
0x47: {  	_ =	shalt  }
0x48: {  	_ =	shalt  }
0x49: {  	_ =	shalt  }
0x4a: {  	_ =	shalt  }
0x4b: {  	_ =	shalt  }
0x4c: {  	_ =	shalt  }
0x4d: {  	_ =	shalt  }
0x4e: {  	_ =	shalt  }
0x4f: {  	_ =	shalt  }
0x50: {  	_ =	shalt  }
0x51: {  	_ =	shalt  }
0x52: {  	_ =	shalt  }
0x53: {  	_ =	shalt  }
0x54: {  	_ =	shalt  }
0x55: {  	_ =	shalt  }
0x56: {  	_ =	shalt  }
0x57: {  	_ =	shalt  }
0x58: {  	_ =	shalt  }
0x59: {  	_ =	shalt  }
0x5a: {  	_ =	shalt  }
0x5b: {  	_ =	shalt  }
0x5c: {  	_ =	shalt  }
0x5d: {  	_ =	shalt  }
0x5e: {  	_ =	shalt  }
0x5f: {  	_ =	shalt  }
0x60: {  	_ =	shalt  }
0x61: {  	_ =	shalt  }
0x62: {  	_ =	shalt  }
0x63: {  	_ =	shalt  }
0x64: {  	_ =	shalt  }
0x65: {  	_ =	shalt  }
0x66: {  	_ =	shalt  }
0x67: {  	_ =	shalt  }
0x68: {  	_ =	shalt  }
0x69: {  	_ =	shalt  }
0x6a: {  	_ =	shalt  }
0x6b: {  	_ =	shalt  }
0x6c: {  	_ =	shalt  }
0x6d: {  	_ =	shalt  }
0x6e: {  	_ =	shalt  }
0x6f: {  	_ =	shalt  }
0x70: {  	_ =	shalt  }
0x71: {  	_ =	shalt  }
0x72: {  	_ =	shalt  }
0x73: {  	_ =	shalt  }
0x74: {  	_ =	shalt  }
0x75: {  	_ =	shalt  }
0x76: {  	_ =	shalt  }
0x77: {  	_ =	shalt  }
0x78: {  	_ =	shalt  }
0x79: {  	_ =	shalt  }
0x7a: {  	_ =	shalt  }
0x7b: {  	_ =	shalt  }
0x7c: {  	_ =	shalt  }
0x7d: {  	_ =	shalt  }
0x7e: {  	_ =	shalt  }
0x7f: {  	_ =	shalt  }
0x80: {  	_ =	shalt  }
0x81: {  	_ =	shalt  }
0x82: {  	_ =	shalt  }
0x83: {  	_ =	shalt  }
0x84: {  	_ =	shalt  }
0x85: {  	_ =	shalt  }
0x86: {  	_ =	shalt  }
0x87: {  	_ =	shalt  }
.Lfunc_end0:
.L_simem_size_0:
called_computation_lowered:
.L_overlay_start_0:
0x88: {  	s2 =	sld [smem:$0x3FD9]  }
0x89: {  	s3 =	sld [smem:$0x3FFE];
	_ =	sdelay $0x1  }
0x8a: {  	s1 =	srdreg.scid  }
0x8b: {  	s0 =	sand.u32 $0x1, s1  }
0x8c: {  	s17 =	sshll.u32 s0, $0xA;
	s2 =	sadd.s32 s3, s2  }
0x8d: {  	s2 =	sadd.s32 s2, s17  }
0x8e: {  	[smem:$0x3FC3] =	sst s2  }
0x8f: {  	_ = 	snop  }
0x90: {  	s2 =	sld [smem:$0x3FC9];
	(tm) =	ssettm $0x1  }
0x91: {  	s18 =	sld [smem:$0x3FFB];
	_ =	sdelay $0x3  }
0x92: {  	_ =	strace s18  }
0x93: {  	s3 =	sld [smem:$0x3FFC];
	_ =	sdelay $0x3  }
0x94: {  	_ =	strace s3  }
0x95: {  	s3 =	sld [smem:$0x3FFD];
	_ =	sdelay $0x3  }
0x96: {  	_ =	strace s3  }
0x97: {  	_ =	strace $0x8FFFFFFF  }
0x98: {  	s19 =	sld [smem:$0x3FDB];
	_ =	sdelay $0x1  }
0x99: {  	s4 =	simm.s32 $_scs_section_size  }
0x9a: {  	s5 =	simm.s32 $_size__tile_overlayer_lowered;
	s6 =	simm.s32 $_tile_overlayer_lowered  }
0x9b: {  	s22 =	simm.s32 $0x1BFF;
	s21 =	sshll.u32 s6, $0x1;
	s3 =	sadd.s32 s4, s19  }
0x9c: {  	s7 =	simm.s32 $0x0;
	s20 =	sshll.u32 s5, $0x1;
	s5 =	sadd.s32 s21, s3  }
0x9d: {  	[timem:s7], [sflag:s22] =	dma.local [hbm:s5], s20  }
0x9e: {  	_ =	swait.ge [sflag:s22], s20  }
0x9f: {  	s4 =	ssub.s32 $0x0, s20;
	[sflag:s22] =	ssyncset.done $0x0  }
0xa0: {  	[sflag:s22] =	ssyncadd.s32 s4;
	_ =	sdelay $0x1  }
0xa1: {  	s23 =	simm.s32 $0x1B8B  }
0xa2: {  	_ =	swait.ge [sflag:s23], $0x1  }
0xa3: {  	[sflag:s23] =	ssyncset.done $0x0  }
0xa4: {  	s25 =	simm.s32 $0x1B8E;
	s24 =	sld [smem:$0x3FFE];
	[sflag:s23] =	ssyncadd.s32 $0xFFFFFFFF  }
0xa5: {  	s26 =	simm.s32 $execute0_lowered;
	[smem:$0x3FD2] =	sst s25  }
0xa6: {  	s5 =	sshll.u32 s26, $0x1;
	_ =	strace $0x80000046;
	[dreg:$0x1] =	wrdreg $0xFFFFFFFF  }
0xa7: {  	s28 =	simm.s32 $_size_execute0_lowered;
	s3 =	sadd.s32 s3, s5;
	[dreg:$0x0] =	wrdreg $0x0  }
0xa8: {  	s5 =	sshll.u32 s28, $0x1;
	[dreg:$0x2] =	wrdreg s3  }
0xa9: {  	[dreg:$0x3] =	wrdreg s5  }
0xaa: {  	[dreg:$0x4] =	wrdreg $0xC0  }
0xab: {  	_ =	task [dreg:s7], $0x5FFFF  }
0xac: {  	[dreg:$0x1] =	wrdreg $0xFFFFFFFF  }
0xad: {  	[dreg:$0x0] =	wrdreg $0x60  }
0xae: {  	[dreg:$0x2] =	wrdreg s2  }
0xaf: {  	[dreg:$0x3] =	wrdreg s24  }
0xb0: {  	[dreg:$0x4] =	wrdreg $0x9  }
0xb1: {  	_ =	task.clear_ibuf [dreg:s7], $0x5FFFF;
	_ =	strace $0x90000046  }
0xb2: {  	s29 =	simm.s32 $0x9;
	_ =	strace $0x80000048  }
0xb3: {  	_ =	swait.ge [sflag:s29], $0x1  }
0xb4: {  	[sflag:s29] =	ssyncadd.s32 $0xFFFFFFFF  }
0xb5: {  	_ =	strace $0x90000048  }
0xb6: {  	_ =	sfence  }
0xb7: {  	s30 =	sld [smem:$0x0];
	_ =	sdelay $0x2  }
0xb8: {  	s31 =	sshll.u32 s1, $0xD;
	s1 =	sshrl.u32 s1, $0x2  }
0xb9: {  	s3 =	sand.u32 $0x4000, s31;
	s1 =	sadd.s32 s1, s30  }
0xba: {  	s0 =	sor.u32 s3, s0;
	s1 =	sshll.u32 s1, $0x11  }
0xbb: {  	s0 =	sor.u32 s1, s0  }
0xbc: {  	s0 =	sadd.s32 $0x8F2B, s0  }
0xbd: {  	[sflag:s0] =	ssyncadd.remote.s32 $0x1  }
0xbe: {  	_ =	sfence.sel $0xFFFF  }
0xbf: {  	[dreg:$0x0] =	wrdreg $0xFFFFFFFF;
	(pc) =	sbr.abs _section_cstart, $3  }
0xc0: {  	[dreg:$0x1] =	wrdreg $0xFFFFFFFF  }
0xc1: {  	_ =	task.clear_ibuf [dreg:s7], $0x2FFFF;
	_ =	strace $0x9FFFFFFF  }
0xc2: {  	(tm) =	ssettm $0x7FFFFFFF  }
0xc3: {  	_ =	shalt  }
tec
execute0_lowered:
.L_overlay_start_1:
0x0: {  	(tag) =	ssettag $0x1  }
0x1: {  	s0 =	rddreg [dreg:$0x0];
	s1 =	srdreg.scid  }
0x2: {  	s2 =	stileid.u32;
	s5 =	rddreg [dreg:$0x1];
	s9 =	simm.s32 $0x80  }
0x3: {  	s10 =	simm.s32 $0x100;
	s18 =	simm.s32 $0x1A80;
	s19 =	simm.s32 $0x2280  }
0x4: {  	s20 =	simm.s32 $0x2A80;
	s21 =	simm.s32 $0x3280;
	s22 =	simm.s32 $0x3A80  }
0x5: {  	s23 =	simm.s32 $0x4280;
	s28 =	simm.s32 $0x6280;
	s29 =	simm.s32 $0x6A80  }
0x6: {  	s30 =	simm.s32 $0x7280;
	s31 =	simm.s32 $0x7A80;
	s12 =	simm.s32 $0x9280  }
0x7: {  	s13 =	simm.s32 $0x9A80;
	s7 =	simm.s32 $0xA280;
	s14 =	simm.s32 $0xAA80  }
0x8: {  	s15 =	simm.s32 $0xB280;
	s8 =	simm.s32 $0xBA80;
	s11 =	simm.s32 $0x280  }
0x9: {  	s1 =	sand.u32 $0x1, s1;
	s3 =	sshll.u32 s2, $0x1;
	s2 =	simm.s32 $0x0  }
0xa: {  	s6 =	sadd.s32 $0x1400, s5;
	s3 =	sor.u32 s1, s3;
	[smem:$0x7FF] =	sst s2  }
0xb: {  	s1 =	ssub.s32 $0x2, s1;
	s4 =	smul.u32 $0x1800, s3;
	_ =	strace $0x80000047  }
0xc: {  	v10 =	vlaneseq.u32;
	s3 =	sshll.u32 s3, $0x4;
	[dreg:$0x3] =	wrdreg s6;
	s25 =	sshrl.u32 s1, $0x1  }
0xd: {  	v0 =	vmul.u32 $0x2, v10;
	s3 =	sadd.s32 s3, s5;
	s1 =	ssub.s32 s1, s25;
	s25 =	simm.s32 $0x5280  }
0xe: {  	vm0 =	vmmov $0xffff;
	v9 =	vshrl.u32 v10, $0x3;
	v8 =	vand.u32 $0x7, v10;
	s0 =	sadd.s32 s0, s4;
	s24 =	sadd.s32 $0x1600, s3;
	s26 =	sadd.s32 $0x1800, s3  }
0xf: {  	v10 =	vor.u32 $0x8, v10;
	v9 =	vmul.u32 $0x8, v9;
	v1 =	vor.u32 $0x1, v0;
	s3 =	sadd.s32 $0x1A00, s5;
	s4 =	sadd.s32 $0x1B00, s5;
	[dreg:$0x4] =	wrdreg s0  }
0x10: {  	v2 =	vor.u32 $0x20, v0;
	v3 =	vor.u32 $0x21, v0;
	v4 =	vor.u32 $0x40, v0;
	s5 =	sadd.s32 $0x1C00, s5;
	s6 =	smax.u32 s1, $0x1;
	[dreg:$0x5] =	wrdreg s24  }
0x11: {  	v5 =	vor.u32 $0x41, v0;
	v6 =	vor.u32 $0x60, v0;
	v7 =	vor.u32 $0x61, v0;
	[dreg:$0x6] =	wrdreg s26;
	s24 =	simm.s32 $0x4A80;
	s26 =	simm.s32 $0x5A80  }
.LBB2_1:
0x12: {  	s16 =	rddreg [dreg:$0x4];
	s0 =	simm.s32 $0x280  }
0x13: {  	[tilespmem:s0], [sflag:$0x1] =	stream.linear.gather [hbm4b:s16+s2], $0xC000, $0x38;
	[tilespmem:$0xC280] =	vst v63  }
0x14: {  	s17 =	rddreg [dreg:$0x3];
	s0 =	simm.s32 $0x4  }
0x15: {  	[tilespmem:s2], [sflag:$0x4] =	stream.linear.gather [hbm4b:s17+s2], $0x80, $0x38;
	[tilespmem:$0xC280] =	vst v63  }
0x16: {  	_ =	swait.ge [sflag:s0], $0x80  }
0x17: {  	[sflag:s0] =	ssyncset.done $0x0  }
0x18: {  	s17 =	rddreg [dreg:$0x5];
	[sflag:s0] =	ssyncadd.s32 $0xFFFFFF80  }
0x19: {  	[tilespmem:s9], [sflag:$0x4] =	stream.linear.gather [hbm4b:s17+s2], $0x80, $0x38;
	[tilespmem:$0xC280] =	vst v63  }
0x1a: {  	_ =	swait.ge [sflag:s0], $0x80  }
0x1b: {  	[sflag:s0] =	ssyncset.done $0x0  }
0x1c: {  	s17 =	rddreg [dreg:$0x6];
	[sflag:s0] =	ssyncadd.s32 $0xFFFFFF80  }
0x1d: {  	[tilespmem:s10], [sflag:$0x4] =	stream.linear.gather [hbm4b:s17+s2], $0x80, $0x38;
	[tilespmem:$0xC280] =	vst v63  }
0x1e: {  	_ =	swait.ge [sflag:s0], $0x80  }
0x1f: {  	[sflag:s0] =	ssyncset.done $0x0  }
0x20: {  	[sflag:s0] =	ssyncadd.s32 $0xFFFFFF80  }
0x21: {  	v11 =	vld.idx.msk [tilespmem:v0+s9+$0x0], $0xffff;
	_ =	sdelay $0x6  }
0x22: {  	v12 =	vld.idx.msk [tilespmem:v0+s10+$0x0], $0xffff  }
0x23: {  	v11 =	vld.idx.msk [tilespmem:v11+s2+$0x0], $0xffff;
	_ =	sdelay $0x4  }
0x24: {  	v11 =	vadd.s32 v12, v11  }
0x25: {  	[tilespmem:$0x180] =	vst v11  }
0x26: {  	v11 =	vld.idx.msk [tilespmem:v1+s9+$0x0], $0xffff;
	_ =	sdelay $0x6  }
0x27: {  	v49 =	vld.idx.msk [tilespmem:v1+s10+$0x0], $0xffff  }
0x28: {  	v11 =	vld.idx.msk [tilespmem:v11+s2+$0x0], $0xffff;
	_ =	sdelay $0x4  }
0x29: {  	v11 =	vadd.s32 v49, v11  }
0x2a: {  	[tilespmem:$0x200] =	vst v11  }
0x2b: {  	v11 =	vld.idx.msk [tilespmem:v2+s9+$0x0], $0xffff;
	_ =	sdelay $0x6  }
0x2c: {  	v50 =	vld.idx.msk [tilespmem:v2+s10+$0x0], $0xffff  }
0x2d: {  	v11 =	vld.idx.msk [tilespmem:v11+s2+$0x0], $0xffff;
	_ =	sdelay $0x4  }
0x2e: {  	v11 =	vadd.s32 v50, v11  }
0x2f: {  	[tilespmem:$0x190] =	vst v11  }
0x30: {  	v11 =	vld.idx.msk [tilespmem:v3+s9+$0x0], $0xffff;
	_ =	sdelay $0x6  }
0x31: {  	v51 =	vld.idx.msk [tilespmem:v3+s10+$0x0], $0xffff  }
0x32: {  	v11 =	vld.idx.msk [tilespmem:v11+s2+$0x0], $0xffff;
	_ =	sdelay $0x4  }
0x33: {  	v11 =	vadd.s32 v51, v11  }
0x34: {  	[tilespmem:$0x210] =	vst v11  }
0x35: {  	v11 =	vld.idx.msk [tilespmem:v4+s9+$0x0], $0xffff;
	_ =	sdelay $0x6  }
0x36: {  	v52 =	vld.idx.msk [tilespmem:v4+s10+$0x0], $0xffff  }
0x37: {  	v11 =	vld.idx.msk [tilespmem:v11+s2+$0x0], $0xffff;
	_ =	sdelay $0x4  }
0x38: {  	v11 =	vadd.s32 v52, v11  }
0x39: {  	[tilespmem:$0x1A0] =	vst v11  }
0x3a: {  	v11 =	vld.idx.msk [tilespmem:v5+s9+$0x0], $0xffff;
	_ =	sdelay $0x6  }
0x3b: {  	v53 =	vld.idx.msk [tilespmem:v5+s10+$0x0], $0xffff  }
0x3c: {  	v11 =	vld.idx.msk [tilespmem:v11+s2+$0x0], $0xffff;
	_ =	sdelay $0x4  }
0x3d: {  	v11 =	vadd.s32 v53, v11  }
0x3e: {  	[tilespmem:$0x220] =	vst v11  }
0x3f: {  	v11 =	vld.idx.msk [tilespmem:v6+s9+$0x0], $0xffff;
	_ =	sdelay $0x6  }
0x40: {  	v54 =	vld.idx.msk [tilespmem:v6+s10+$0x0], $0xffff  }
0x41: {  	v11 =	vld.idx.msk [tilespmem:v11+s2+$0x0], $0xffff;
	_ =	sdelay $0x4  }
0x42: {  	v11 =	vadd.s32 v54, v11  }
0x43: {  	[tilespmem:$0x1B0] =	vst v11  }
0x44: {  	v11 =	vld.idx.msk [tilespmem:v7+s9+$0x0], $0xffff;
	_ =	sdelay $0x6  }
0x45: {  	v55 =	vld.idx.msk [tilespmem:v7+s10+$0x0], $0xffff  }
0x46: {  	v11 =	vld.idx.msk [tilespmem:v11+s2+$0x0], $0xffff;
	_ =	sdelay $0x4  }
0x47: {  	v11 =	vadd.s32 v55, v11  }
0x48: {  	s17 =	simm.s32 $0x1;
	[tilespmem:$0x230] =	vst v11  }
0x49: {  	_ =	swait.ge [sflag:s17], $0xC000  }
0x4a: {  	[sflag:s17] =	ssyncset.done $0x0  }
0x4b: {  	[sflag:s17] =	ssyncadd.s32 $0xFFFF4000  }
0x4c: {  	v11 =	vld [tilespmem:$0x180];
	_ =	sdelay $0x4  }
0x4d: {  	v56 =	vshrl.u32 v11, $0x3  }
0x4e: {  	v12 =	vmul.u32 $0x30, v56  }
0x4f: {  	v11 =	vand.u32 $0x7, v11  }
0x50: {  	v11 =	vor.u32 v11, v12  }
0x51: {  	v12 =	vperm.xlane v11, v8;
	_ =	sdelay $0x1  }
0x52: {  	v12 =	vadd.s32 v9, v12;
	_ =	sdelay $0x3  }
0x53: {  	s1 =	simm.s32 $0x280;
	v11 =	vperm.xlane v11, v10  }
0x54: {  	[hbm4b:s3+s2] =	stream.indirect_vreg.scatter [tilespmem:s1], [sflag:$0x2], $0x80, v12, vm0, $0xb8;
	[tilespmem:$0xC280] =	vst v63  }
0x55: {  	s16 =	simm.s32 $0xA80;
	v11 =	vadd.s32 v9, v11  }
0x56: {  	[hbm4b:s4+s2] =	stream.indirect_vreg.scatter [tilespmem:s16], [sflag:$0x2], $0x80, v12, vm0, $0xb8;
	[tilespmem:$0xC280] =	vst v63  }
0x57: {  	s17 =	simm.s32 $0x1280  }
0x58: {  	[hbm4b:s5+s2] =	stream.indirect_vreg.scatter [tilespmem:s17], [sflag:$0x2], $0x80, v12, vm0, $0xb8;
	[tilespmem:$0xC280] =	vst v63  }
0x59: {  	_ = 	snop  }
0x5a: {  	[hbm4b:s3+s2] =	stream.indirect_vreg.scatter [tilespmem:s18], [sflag:$0x2], $0x80, v11, vm0, $0xb8;
	[tilespmem:$0xC280] =	vst v63  }
0x5b: {  	_ = 	snop  }
0x5c: {  	[hbm4b:s4+s2] =	stream.indirect_vreg.scatter [tilespmem:s19], [sflag:$0x2], $0x80, v11, vm0, $0xb8;
	[tilespmem:$0xC280] =	vst v63  }
0x5d: {  	_ = 	snop  }
0x5e: {  	[hbm4b:s5+s2] =	stream.indirect_vreg.scatter [tilespmem:s20], [sflag:$0x2], $0x80, v11, vm0, $0xb8;
	[tilespmem:$0xC280] =	vst v63  }
0x5f: {  	v11 =	vld [tilespmem:$0x190];
	_ =	sdelay $0x4  }
0x60: {  	v57 =	vshrl.u32 v11, $0x3  }
0x61: {  	v12 =	vmul.u32 $0x30, v57  }
0x62: {  	v11 =	vand.u32 $0x7, v11  }
0x63: {  	v11 =	vor.u32 v11, v12  }
0x64: {  	v12 =	vperm.xlane v11, v8;
	_ =	sdelay $0x1  }
0x65: {  	v12 =	vadd.s32 v9, v12;
	_ =	sdelay $0x3  }
0x66: {  	v11 =	vperm.xlane v11, v10  }
0x67: {  	[hbm4b:s3+s2] =	stream.indirect_vreg.scatter [tilespmem:s21], [sflag:$0x2], $0x80, v12, vm0, $0xb8;
	[tilespmem:$0xC280] =	vst v63  }
0x68: {  	v11 =	vadd.s32 v9, v11  }
0x69: {  	[hbm4b:s4+s2] =	stream.indirect_vreg.scatter [tilespmem:s22], [sflag:$0x2], $0x80, v12, vm0, $0xb8;
	[tilespmem:$0xC280] =	vst v63  }
0x6a: {  	_ = 	snop  }
0x6b: {  	[hbm4b:s5+s2] =	stream.indirect_vreg.scatter [tilespmem:s23], [sflag:$0x2], $0x80, v12, vm0, $0xb8;
	[tilespmem:$0xC280] =	vst v63  }
0x6c: {  	_ = 	snop  }
0x6d: {  	[hbm4b:s3+s2] =	stream.indirect_vreg.scatter [tilespmem:s24], [sflag:$0x2], $0x80, v11, vm0, $0xb8;
	[tilespmem:$0xC280] =	vst v63  }
0x6e: {  	_ = 	snop  }
0x6f: {  	[hbm4b:s4+s2] =	stream.indirect_vreg.scatter [tilespmem:s25], [sflag:$0x2], $0x80, v11, vm0, $0xb8;
	[tilespmem:$0xC280] =	vst v63  }
0x70: {  	_ = 	snop  }
0x71: {  	[hbm4b:s5+s2] =	stream.indirect_vreg.scatter [tilespmem:s26], [sflag:$0x2], $0x80, v11, vm0, $0xb8;
	[tilespmem:$0xC280] =	vst v63  }
0x72: {  	v11 =	vld [tilespmem:$0x1A0];
	_ =	sdelay $0x4  }
0x73: {  	v58 =	vshrl.u32 v11, $0x3  }
0x74: {  	v12 =	vmul.u32 $0x30, v58  }
0x75: {  	v11 =	vand.u32 $0x7, v11  }
0x76: {  	v11 =	vor.u32 v11, v12  }
0x77: {  	v12 =	vperm.xlane v11, v8;
	_ =	sdelay $0x1  }
0x78: {  	v12 =	vadd.s32 v9, v12;
	_ =	sdelay $0x3  }
0x79: {  	v11 =	vperm.xlane v11, v10  }
0x7a: {  	[hbm4b:s3+s2] =	stream.indirect_vreg.scatter [tilespmem:s28], [sflag:$0x2], $0x80, v12, vm0, $0xb8;
	[tilespmem:$0xC280] =	vst v63  }
0x7b: {  	v11 =	vadd.s32 v9, v11  }
0x7c: {  	[hbm4b:s4+s2] =	stream.indirect_vreg.scatter [tilespmem:s29], [sflag:$0x2], $0x80, v12, vm0, $0xb8;
	[tilespmem:$0xC280] =	vst v63  }
0x7d: {  	_ = 	snop  }
0x7e: {  	[hbm4b:s5+s2] =	stream.indirect_vreg.scatter [tilespmem:s30], [sflag:$0x2], $0x80, v12, vm0, $0xb8;
	[tilespmem:$0xC280] =	vst v63  }
0x7f: {  	_ = 	snop  }
0x80: {  	[hbm4b:s3+s2] =	stream.indirect_vreg.scatter [tilespmem:s31], [sflag:$0x2], $0x80, v11, vm0, $0xb8;
	[tilespmem:$0xC280] =	vst v63  }
0x81: {  	s1 =	simm.s32 $0x8280  }
0x82: {  	[hbm4b:s4+s2] =	stream.indirect_vreg.scatter [tilespmem:s1], [sflag:$0x2], $0x80, v11, vm0, $0xb8;
	[tilespmem:$0xC280] =	vst v63  }
0x83: {  	s0 =	simm.s32 $0x8A80  }
0x84: {  	[hbm4b:s5+s2] =	stream.indirect_vreg.scatter [tilespmem:s0], [sflag:$0x2], $0x80, v11, vm0, $0xb8;
	[tilespmem:$0xC280] =	vst v63  }
0x85: {  	v11 =	vld [tilespmem:$0x1B0];
	_ =	sdelay $0x4  }
0x86: {  	v59 =	vshrl.u32 v11, $0x3  }
0x87: {  	v12 =	vmul.u32 $0x30, v59  }
0x88: {  	v11 =	vand.u32 $0x7, v11  }
0x89: {  	v11 =	vor.u32 v11, v12  }
0x8a: {  	v12 =	vperm.xlane v11, v8;
	_ =	sdelay $0x1  }
0x8b: {  	v12 =	vadd.s32 v9, v12;
	_ =	sdelay $0x3  }
0x8c: {  	v11 =	vperm.xlane v11, v10  }
0x8d: {  	[hbm4b:s3+s2] =	stream.indirect_vreg.scatter [tilespmem:s12], [sflag:$0x2], $0x80, v12, vm0, $0xb8;
	[tilespmem:$0xC280] =	vst v63  }
0x8e: {  	v11 =	vadd.s32 v9, v11  }
0x8f: {  	[hbm4b:s4+s2] =	stream.indirect_vreg.scatter [tilespmem:s13], [sflag:$0x2], $0x80, v12, vm0, $0xb8;
	[tilespmem:$0xC280] =	vst v63  }
0x90: {  	_ = 	snop  }
0x91: {  	[hbm4b:s5+s2] =	stream.indirect_vreg.scatter [tilespmem:s7], [sflag:$0x2], $0x80, v12, vm0, $0xb8;
	[tilespmem:$0xC280] =	vst v63  }
0x92: {  	_ = 	snop  }
0x93: {  	[hbm4b:s3+s2] =	stream.indirect_vreg.scatter [tilespmem:s14], [sflag:$0x2], $0x80, v11, vm0, $0xb8;
	[tilespmem:$0xC280] =	vst v63  }
0x94: {  	_ = 	snop  }
0x95: {  	[hbm4b:s4+s2] =	stream.indirect_vreg.scatter [tilespmem:s15], [sflag:$0x2], $0x80, v11, vm0, $0xb8;
	[tilespmem:$0xC280] =	vst v63  }
0x96: {  	_ = 	snop  }
0x97: {  	[hbm4b:s5+s2] =	stream.indirect_vreg.scatter [tilespmem:s8], [sflag:$0x2], $0x80, v11, vm0, $0xb8;
	[tilespmem:$0xC280] =	vst v63  }
0x98: {  	v11 =	vld [tilespmem:$0x200];
	_ =	sdelay $0x4  }
0x99: {  	v60 =	vshrl.u32 v11, $0x3  }
0x9a: {  	v12 =	vmul.u32 $0x30, v60  }
0x9b: {  	v11 =	vand.u32 $0x7, v11  }
0x9c: {  	v11 =	vor.u32 v11, v12  }
0x9d: {  	v12 =	vperm.xlane v11, v8;
	_ =	sdelay $0x1  }
0x9e: {  	v12 =	vadd.s32 v9, v12;
	_ =	sdelay $0x3  }
0x9f: {  	v11 =	vperm.xlane v11, v10  }
0xa0: {  	[hbm4b:s3+s2] =	stream.indirect_vreg.scatter [tilespmem:s11], [sflag:$0x3], $0x80, v12, vm0, $0xb8;
	[tilespmem:$0xC280] =	vst v63  }
0xa1: {  	v11 =	vadd.s32 v9, v11  }
0xa2: {  	[hbm4b:s4+s2] =	stream.indirect_vreg.scatter [tilespmem:s16], [sflag:$0x3], $0x80, v12, vm0, $0xb8;
	[tilespmem:$0xC280] =	vst v63  }
0xa3: {  	_ = 	snop  }
0xa4: {  	[hbm4b:s5+s2] =	stream.indirect_vreg.scatter [tilespmem:s17], [sflag:$0x3], $0x80, v12, vm0, $0xb8;
	[tilespmem:$0xC280] =	vst v63  }
0xa5: {  	_ = 	snop  }
0xa6: {  	[hbm4b:s3+s2] =	stream.indirect_vreg.scatter [tilespmem:s18], [sflag:$0x3], $0x80, v11, vm0, $0xb8;
	[tilespmem:$0xC280] =	vst v63  }
0xa7: {  	_ = 	snop  }
0xa8: {  	[hbm4b:s4+s2] =	stream.indirect_vreg.scatter [tilespmem:s19], [sflag:$0x3], $0x80, v11, vm0, $0xb8;
	[tilespmem:$0xC280] =	vst v63  }
0xa9: {  	_ = 	snop  }
0xaa: {  	[hbm4b:s5+s2] =	stream.indirect_vreg.scatter [tilespmem:s20], [sflag:$0x3], $0x80, v11, vm0, $0xb8;
	[tilespmem:$0xC280] =	vst v63  }
0xab: {  	v11 =	vld [tilespmem:$0x210];
	_ =	sdelay $0x4  }
0xac: {  	v61 =	vshrl.u32 v11, $0x3  }
0xad: {  	v12 =	vmul.u32 $0x30, v61  }
0xae: {  	v11 =	vand.u32 $0x7, v11  }
0xaf: {  	v11 =	vor.u32 v11, v12  }
0xb0: {  	v12 =	vperm.xlane v11, v8;
	_ =	sdelay $0x1  }
0xb1: {  	v12 =	vadd.s32 v9, v12;
	_ =	sdelay $0x3  }
0xb2: {  	v11 =	vperm.xlane v11, v10  }
0xb3: {  	[hbm4b:s3+s2] =	stream.indirect_vreg.scatter [tilespmem:s21], [sflag:$0x3], $0x80, v12, vm0, $0xb8;
	[tilespmem:$0xC280] =	vst v63  }
0xb4: {  	v11 =	vadd.s32 v9, v11  }
0xb5: {  	[hbm4b:s4+s2] =	stream.indirect_vreg.scatter [tilespmem:s22], [sflag:$0x3], $0x80, v12, vm0, $0xb8;
	[tilespmem:$0xC280] =	vst v63  }
0xb6: {  	_ = 	snop  }
0xb7: {  	[hbm4b:s5+s2] =	stream.indirect_vreg.scatter [tilespmem:s23], [sflag:$0x3], $0x80, v12, vm0, $0xb8;
	[tilespmem:$0xC280] =	vst v63  }
0xb8: {  	_ = 	snop  }
0xb9: {  	[hbm4b:s3+s2] =	stream.indirect_vreg.scatter [tilespmem:s24], [sflag:$0x3], $0x80, v11, vm0, $0xb8;
	[tilespmem:$0xC280] =	vst v63  }
0xba: {  	_ = 	snop  }
0xbb: {  	[hbm4b:s4+s2] =	stream.indirect_vreg.scatter [tilespmem:s25], [sflag:$0x3], $0x80, v11, vm0, $0xb8;
	[tilespmem:$0xC280] =	vst v63  }
0xbc: {  	_ = 	snop  }
0xbd: {  	[hbm4b:s5+s2] =	stream.indirect_vreg.scatter [tilespmem:s26], [sflag:$0x3], $0x80, v11, vm0, $0xb8;
	[tilespmem:$0xC280] =	vst v63  }
0xbe: {  	v11 =	vld [tilespmem:$0x220];
	_ =	sdelay $0x4  }
0xbf: {  	v62 =	vshrl.u32 v11, $0x3  }
0xc0: {  	v12 =	vmul.u32 $0x30, v62  }
0xc1: {  	v11 =	vand.u32 $0x7, v11  }
0xc2: {  	v11 =	vor.u32 v11, v12  }
0xc3: {  	v12 =	vperm.xlane v11, v8;
	_ =	sdelay $0x1  }
0xc4: {  	v12 =	vadd.s32 v9, v12;
	_ =	sdelay $0x3  }
0xc5: {  	v11 =	vperm.xlane v11, v10  }
0xc6: {  	[hbm4b:s3+s2] =	stream.indirect_vreg.scatter [tilespmem:s28], [sflag:$0x3], $0x80, v12, vm0, $0xb8;
	[tilespmem:$0xC280] =	vst v63  }
0xc7: {  	v11 =	vadd.s32 v9, v11  }
0xc8: {  	[hbm4b:s4+s2] =	stream.indirect_vreg.scatter [tilespmem:s29], [sflag:$0x3], $0x80, v12, vm0, $0xb8;
	[tilespmem:$0xC280] =	vst v63  }
0xc9: {  	_ = 	snop  }
0xca: {  	[hbm4b:s5+s2] =	stream.indirect_vreg.scatter [tilespmem:s30], [sflag:$0x3], $0x80, v12, vm0, $0xb8;
	[tilespmem:$0xC280] =	vst v63  }
0xcb: {  	_ = 	snop  }
0xcc: {  	[hbm4b:s3+s2] =	stream.indirect_vreg.scatter [tilespmem:s31], [sflag:$0x3], $0x80, v11, vm0, $0xb8;
	[tilespmem:$0xC280] =	vst v63  }
0xcd: {  	_ = 	snop  }
0xce: {  	[hbm4b:s4+s2] =	stream.indirect_vreg.scatter [tilespmem:s1], [sflag:$0x3], $0x80, v11, vm0, $0xb8;
	[tilespmem:$0xC280] =	vst v63  }
0xcf: {  	_ = 	snop  }
0xd0: {  	[hbm4b:s5+s2] =	stream.indirect_vreg.scatter [tilespmem:s0], [sflag:$0x3], $0x80, v11, vm0, $0xb8;
	[tilespmem:$0xC280] =	vst v63  }
0xd1: {  	v11 =	vld [tilespmem:$0x230];
	_ =	sdelay $0x4  }
0xd2: {  	v63 =	vshrl.u32 v11, $0x3  }
0xd3: {  	v12 =	vmul.u32 $0x30, v63  }
0xd4: {  	v11 =	vand.u32 $0x7, v11  }
0xd5: {  	v11 =	vor.u32 v11, v12  }
0xd6: {  	v12 =	vperm.xlane v11, v8;
	_ =	sdelay $0x1  }
0xd7: {  	v12 =	vadd.s32 v9, v12;
	_ =	sdelay $0x3  }
0xd8: {  	v11 =	vperm.xlane v11, v10  }
0xd9: {  	[hbm4b:s3+s2] =	stream.indirect_vreg.scatter [tilespmem:s12], [sflag:$0x3], $0x80, v12, vm0, $0xb8;
	[tilespmem:$0xC280] =	vst v63  }
0xda: {  	v11 =	vadd.s32 v9, v11  }
0xdb: {  	[hbm4b:s4+s2] =	stream.indirect_vreg.scatter [tilespmem:s13], [sflag:$0x3], $0x80, v12, vm0, $0xb8;
	[tilespmem:$0xC280] =	vst v63  }
0xdc: {  	_ = 	snop  }
0xdd: {  	[hbm4b:s5+s2] =	stream.indirect_vreg.scatter [tilespmem:s7], [sflag:$0x3], $0x80, v12, vm0, $0xb8;
	[tilespmem:$0xC280] =	vst v63  }
0xde: {  	_ = 	snop  }
0xdf: {  	[hbm4b:s3+s2] =	stream.indirect_vreg.scatter [tilespmem:s14], [sflag:$0x3], $0x80, v11, vm0, $0xb8;
	[tilespmem:$0xC280] =	vst v63  }
0xe0: {  	_ = 	snop  }
0xe1: {  	[hbm4b:s4+s2] =	stream.indirect_vreg.scatter [tilespmem:s15], [sflag:$0x3], $0x80, v11, vm0, $0xb8;
	[tilespmem:$0xC280] =	vst v63  }
0xe2: {  	s16 =	simm.s32 $0x2  }
0xe3: {  	[hbm4b:s5+s2] =	stream.indirect_vreg.scatter [tilespmem:s8], [sflag:$0x3], $0x80, v11, vm0, $0xb8;
	[tilespmem:$0xC280] =	vst v63  }
0xe4: {  	p0 =	sne.s32 s6, $0x1;
	_ =	swait.ge [sflag:s16], $0xC000  }
.Ltmp0:
0xe5: {  	[sflag:s16] =	ssyncset.done $0x0;
	(pc) =	sbr.rel @p0 .LBB2_1-.Ltmp0, $4  }
0xe6: {  	s17 =	simm.s32 $0x3;
	[sflag:s16] =	ssyncadd.s32 $0xFFFF4000  }
0xe7: {  	_ =	swait.ge [sflag:s17], $0xC000  }
0xe8: {  	[sflag:s17] =	ssyncset.done $0x0  }
0xe9: {  	s6 =	sadd.s32 $0xFFFFFFFF, s6;
	[sflag:s17] =	ssyncadd.s32 $0xFFFF4000  }
0xea: {  	_ =	sfence.sel $0x180000  }
0xeb: {  	[bflag:$0x0] =	sbarrier.arrive $0xFFFF  }
0xec: {  	_ =	strace $0x90000047  }
0xed: {  	s0 =	stileid.u32;
	[bflag:$0x2] =	sbarrier.arrive $0xFFFF  }
0xee: {  	p0 =	sne.s32 s0, $0x0;
	s0 =	rddreg [dreg:$0x2]  }
0xef: {  	s0 =	sadd.s32 @!p0 $0x100000, s0  }
0xf0: {  	[sflag:s0] =	ssyncadd.tile.s32 @!p0 $0x1;
	_ =	shalt  }
.Lfunc_end2:
_tile_overlayer_lowered:
.L_overlay_start_2:
0xf1: {  	(tag) =	ssettag $0x2  }
0xf2: {  	s0 =	rddreg [dreg:$0x0];
	s2 =	stileid.u32  }
0xf3: {  	s1 =	rddreg [dreg:$0x1];
	p0 =	sne.s32 s2, $0x0  }
0xf4: {  	s3 =	rddreg [dreg:$0x2];
	[bflag:$0x3] =	sbarrier.arrive $0xFFFF;
	s2 =	simm.s32 @!p0 $0x1C04  }
0xf5: {  	[timem:s3], [sflag:s2] =	dma.local @!p0 [hbm:s0], s1  }
0xf6: {  	s0 =	simm.s32 @!p0 $0x4  }
0xf7: {  	_ =	swait.ge @!p0 [sflag:s0], s1  }
0xf8: {  	s1 =	ssub.s32 @!p0 $0x0, s1;
	[sflag:s0] =	ssyncset.done @!p0 $0x0  }
0xf9: {  	[sflag:s0] =	ssyncadd.s32 @!p0 s1  }
0xfa: {  	[bflag:$0x3] =	sbarrier.arrive $0xFFFF  }
0xfb: {  	_ =	shalt  }

// kernel: kernel.9.cloned.1.call-start
scs
__scs_entry_jumppad:
0x0: {  	(pc) =	sbr.rel $0x88, $3  }
0x1: {  	(tag) =	ssettag $0x0;
	lr =	simm.s32 $0x1  }
0x2: {  	[smem:$0x3F9C] =	sst lr;
	_ =	strace $0xD0000000  }
0x3: {  	_ = 	snop  }
0x4: {  	_ = 	snop  }
0x5: {  	_ = 	snop  }
0x6: {  	_ = 	snop  }
0x7: {  	_ = 	snop  }
__scs_overlays_trampoline_lowered:
0x8: {  	[smem:$0x3FAB] =	sst s0  }
0x9: {  	[smem:$0x3FAC] =	sst s1  }
0xa: {  	[smem:$0x3FAD] =	sst s2  }
0xb: {  	[smem:$0x3FAE] =	sst s3  }
0xc: {  	[smem:$0x3FAF] =	sst s4  }
0xd: {  	[smem:$0x3FB0] =	sst s5  }
0xe: {  	[smem:$0x3FB1] =	sst s6  }
0xf: {  	[smem:$0x3FB2] =	sst s7  }
0x10: {  	[smem:$0x3FB3] =	sst s8  }
0x11: {  	[smem:$0x3FB4] =	sst s9;
	s0 =	simm.s32 @!p0 $0x0  }
0x12: {  	s1 =	sld [smem:$0x3F9A];
	s0 =	simm.s32 @p0 $0x1  }
0x13: {  	[smem:$0x3FB5] =	sst s0;
	s0 =	simm.s32 @!p1 $0x0  }
0x14: {  	s2 =	sld [smem:$0x3F99];
	s0 =	simm.s32 @p1 $0x1  }
0x15: {  	[smem:$0x3FB6] =	sst s0;
	s0 =	simm.s32 @!p2 $0x0  }
0x16: {  	s3 =	sld [smem:$0x3FDB];
	s0 =	simm.s32 @p2 $0x1  }
0x17: {  	s4 =	simm.s32 $0x1BF5;
	[smem:$0x3FB8] =	sst s0  }
0x18: {  	s0 =	sld [smem:$0x3F9B];
	_ =	swait.ge [sflag:s4], $0x0  }
0x19: {  	s7 =	sld [smem:$0x3F9C]  }
0x1a: {  	s8 =	sadd.s32 $0xFFFFE003, lr  }
0x1b: {  	s9 =	sadd.s32 $0xFFFFFEF7, lr;
	s5 =	simm.s32 $0xFFFFFFFF;
	p2 =	slt.u32 s8, $0xFFFFF086  }
0x1c: {  	p1 =	slt.u32 s9, $0xF7A;
	s5 =	simm.s32 @!p2 $0x0  }
0x1d: {  	s5 =	simm.s32 @p1 $0x1;
	p0 =	seq.s32 s7, s2  }
0x1e: {  	s7 =	smul.u32 @!p0 $0xF7A, s2;
	p2 =	seq.s32 @!p0 s5, $0x0  }
0x1f: {  	s9 =	smul.u32 $0xF7A, s1;
	s8 =	simm.s32 @!p0 $0x1BF5;
	p2 =	por !p2, p0  }
0x20: {  	[sflag:s8] =	ssyncset.s32 @!p0 $0xFFFFF086;
	s6 =	sadd.s32 @!p0 s3, s7;
	s7 =	simm.s32 @!p0 $0x108  }
0x21: {  	s3 =	sadd.s32 s3, s9;
	s6 =	sadd.s32 @!p0 $0x88, s6;
	s7 =	simm.s32 @p2 $0x1082  }
0x22: {  	[simem:s7], [sflag:s8] =	dma.local @!p0 [hbm:s6], $0xF7A  }
0x23: {  	s9 =	sor.u32 $0xD0000000, s2;
	s6 =	simm.s32 $0x108;
	_ =	swait.ge @!p0 [sflag:s8], $0x0  }
0x24: {  	s3 =	sadd.s32 $0x88, s3;
	s6 =	simm.s32 @!p1 $0x1082;
	[sflag:s4] =	ssyncset.s32 $0xFFFFF086  }
0x25: {  	[simem:s6], [sflag:s4] =	dma.local [hbm:s3], $0xF7A  }
0x26: {  	[smem:$0x3F9C] =	sst s1;
	(tag) =	ssettag s2;
	_ =	strace s9  }
0x27: {  	s1 =	sld [smem:$0x3FAC]  }
0x28: {  	s2 =	sld [smem:$0x3FAD]  }
0x29: {  	s4 =	sld [smem:$0x3FAF]  }
0x2a: {  	p0 =	seq.s32 s5, $0x0;
	s5 =	sld [smem:$0x3FB0]  }
0x2b: {  	s6 =	sld [smem:$0x3FB1]  }
0x2c: {  	s7 =	sld [smem:$0x3FB2]  }
0x2d: {  	s3 =	simm.s32 $0x108;
	s8 =	sld [smem:$0x3FB3]  }
0x2e: {  	s3 =	simm.s32 @!p0 $0x1082;
	s9 =	sld [smem:$0x3FB4]  }
0x2f: {  	lr =	sadd.s32 s0, s3;
	s0 =	sld [smem:$0x3FAB]  }
0x30: {  	s3 =	sld [smem:$0x3FAE]  }
0x31: {  	[smem:$0x3FB7] =	sst s10  }
0x32: {  	s10 =	sld [smem:$0x3FB5];
	_ =	sdelay $0x3  }
0x33: {  	p0 =	seq.s32 s10, $0x1;
	s10 =	sld [smem:$0x3FB7];
	_ =	sdelay $0x3  }
0x34: {  	[smem:$0x3FB7] =	sst s10  }
0x35: {  	s10 =	sld [smem:$0x3FB6];
	_ =	sdelay $0x3  }
0x36: {  	p1 =	seq.s32 s10, $0x1;
	s10 =	sld [smem:$0x3FB7];
	_ =	sdelay $0x3  }
0x37: {  	[smem:$0x3FB7] =	sst s10  }
0x38: {  	s10 =	sld [smem:$0x3FB8]  }
0x39: {  	_ = 	snop;
	(pc) =	sbr.ind lr, $3  }
0x3a: {  	_ = 	snop  }
0x3b: {  	_ = 	snop  }
0x3c: {  	p2 =	seq.s32 s10, $0x1;
	s10 =	sld [smem:$0x3FB7]  }
0x3d: {  	_ =	shalt  }
0x3e: {  	_ =	shalt  }
0x3f: {  	_ =	shalt  }
0x40: {  	_ =	shalt  }
0x41: {  	_ =	shalt  }
0x42: {  	_ =	shalt  }
0x43: {  	_ =	shalt  }
0x44: {  	_ =	shalt  }
0x45: {  	_ =	shalt  }
0x46: {  	_ =	shalt  }
0x47: {  	_ =	shalt  }
0x48: {  	_ =	shalt  }
0x49: {  	_ =	shalt  }
0x4a: {  	_ =	shalt  }
0x4b: {  	_ =	shalt  }
0x4c: {  	_ =	shalt  }
0x4d: {  	_ =	shalt  }
0x4e: {  	_ =	shalt  }
0x4f: {  	_ =	shalt  }
0x50: {  	_ =	shalt  }
0x51: {  	_ =	shalt  }
0x52: {  	_ =	shalt  }
0x53: {  	_ =	shalt  }
0x54: {  	_ =	shalt  }
0x55: {  	_ =	shalt  }
0x56: {  	_ =	shalt  }
0x57: {  	_ =	shalt  }
0x58: {  	_ =	shalt  }
0x59: {  	_ =	shalt  }
0x5a: {  	_ =	shalt  }
0x5b: {  	_ =	shalt  }
0x5c: {  	_ =	shalt  }
0x5d: {  	_ =	shalt  }
0x5e: {  	_ =	shalt  }
0x5f: {  	_ =	shalt  }
0x60: {  	_ =	shalt  }
0x61: {  	_ =	shalt  }
0x62: {  	_ =	shalt  }
0x63: {  	_ =	shalt  }
0x64: {  	_ =	shalt  }
0x65: {  	_ =	shalt  }
0x66: {  	_ =	shalt  }
0x67: {  	_ =	shalt  }
0x68: {  	_ =	shalt  }
0x69: {  	_ =	shalt  }
0x6a: {  	_ =	shalt  }
0x6b: {  	_ =	shalt  }
0x6c: {  	_ =	shalt  }
0x6d: {  	_ =	shalt  }
0x6e: {  	_ =	shalt  }
0x6f: {  	_ =	shalt  }
0x70: {  	_ =	shalt  }
0x71: {  	_ =	shalt  }
0x72: {  	_ =	shalt  }
0x73: {  	_ =	shalt  }
0x74: {  	_ =	shalt  }
0x75: {  	_ =	shalt  }
0x76: {  	_ =	shalt  }
0x77: {  	_ =	shalt  }
0x78: {  	_ =	shalt  }
0x79: {  	_ =	shalt  }
0x7a: {  	_ =	shalt  }
0x7b: {  	_ =	shalt  }
0x7c: {  	_ =	shalt  }
0x7d: {  	_ =	shalt  }
0x7e: {  	_ =	shalt  }
0x7f: {  	_ =	shalt  }
0x80: {  	_ =	shalt  }
0x81: {  	_ =	shalt  }
0x82: {  	_ =	shalt  }
0x83: {  	_ =	shalt  }
0x84: {  	_ =	shalt  }
0x85: {  	_ =	shalt  }
0x86: {  	_ =	shalt  }
0x87: {  	_ =	shalt  }
.Lfunc_end0:
.L_simem_size_0:
called_computation.1_lowered:
.L_overlay_start_0:
0x88: {  	s2 =	sld [smem:$0x3FD9]  }
0x89: {  	s3 =	sld [smem:$0x3FFE];
	_ =	sdelay $0x1  }
0x8a: {  	s1 =	srdreg.scid  }
0x8b: {  	s0 =	sand.u32 $0x1, s1  }
0x8c: {  	s17 =	sshll.u32 s0, $0xA;
	s2 =	sadd.s32 s3, s2  }
0x8d: {  	s2 =	sadd.s32 s2, s17  }
0x8e: {  	[smem:$0x3FC3] =	sst s2  }
0x8f: {  	_ = 	snop  }
0x90: {  	s2 =	sld [smem:$0x3FD0];
	(tm) =	ssettm $0x1  }
0x91: {  	s18 =	sld [smem:$0x3FFB];
	_ =	sdelay $0x3  }
0x92: {  	_ =	strace s18  }
0x93: {  	s3 =	sld [smem:$0x3FFC];
	_ =	sdelay $0x3  }
0x94: {  	_ =	strace s3  }
0x95: {  	s3 =	sld [smem:$0x3FFD];
	_ =	sdelay $0x3  }
0x96: {  	_ =	strace s3  }
0x97: {  	_ =	strace $0x8FFFFFFF  }
0x98: {  	s19 =	sld [smem:$0x3FDB];
	_ =	sdelay $0x1  }
0x99: {  	s4 =	simm.s32 $_scs_section_size  }
0x9a: {  	s5 =	simm.s32 $_size__tile_overlayer_lowered;
	s6 =	simm.s32 $_tile_overlayer_lowered  }
0x9b: {  	s22 =	simm.s32 $0x1BFF;
	s21 =	sshll.u32 s6, $0x1;
	s3 =	sadd.s32 s4, s19  }
0x9c: {  	s7 =	simm.s32 $0x0;
	s20 =	sshll.u32 s5, $0x1;
	s5 =	sadd.s32 s21, s3  }
0x9d: {  	[timem:s7], [sflag:s22] =	dma.local [hbm:s5], s20  }
0x9e: {  	_ =	swait.ge [sflag:s22], s20  }
0x9f: {  	s4 =	ssub.s32 $0x0, s20;
	[sflag:s22] =	ssyncset.done $0x0  }
0xa0: {  	[sflag:s22] =	ssyncadd.s32 s4;
	_ =	sdelay $0x1  }
0xa1: {  	s23 =	simm.s32 $0x1B8B  }
0xa2: {  	_ =	swait.ge [sflag:s23], $0x1  }
0xa3: {  	[sflag:s23] =	ssyncset.done $0x0  }
0xa4: {  	s25 =	simm.s32 $0x1B8E;
	s24 =	sld [smem:$0x3FFE];
	[sflag:s23] =	ssyncadd.s32 $0xFFFFFFFF  }
0xa5: {  	s26 =	simm.s32 $execute0_lowered;
	[smem:$0x3FD2] =	sst s25  }
0xa6: {  	s5 =	sshll.u32 s26, $0x1;
	_ =	strace $0x80000049;
	[dreg:$0x1] =	wrdreg $0xFFFFFFFF  }
0xa7: {  	s28 =	simm.s32 $_size_execute0_lowered;
	s3 =	sadd.s32 s3, s5;
	[dreg:$0x0] =	wrdreg $0x0  }
0xa8: {  	s5 =	sshll.u32 s28, $0x1;
	[dreg:$0x2] =	wrdreg s3  }
0xa9: {  	[dreg:$0x3] =	wrdreg s5  }
0xaa: {  	[dreg:$0x4] =	wrdreg $0xC0  }
0xab: {  	_ =	task [dreg:s7], $0x5FFFF  }
0xac: {  	[dreg:$0x1] =	wrdreg $0xFFFFFFFF  }
0xad: {  	[dreg:$0x0] =	wrdreg $0x60  }
0xae: {  	[dreg:$0x2] =	wrdreg s24  }
0xaf: {  	[dreg:$0x3] =	wrdreg s2  }
0xb0: {  	[dreg:$0x4] =	wrdreg $0x9  }
0xb1: {  	_ =	task.clear_ibuf [dreg:s7], $0x5FFFF;
	_ =	strace $0x90000049  }
0xb2: {  	s29 =	simm.s32 $0x9;
	_ =	strace $0x8000004B  }
0xb3: {  	_ =	swait.ge [sflag:s29], $0x1  }
0xb4: {  	[sflag:s29] =	ssyncadd.s32 $0xFFFFFFFF  }
0xb5: {  	_ =	strace $0x9000004B  }
0xb6: {  	_ =	sfence  }
0xb7: {  	s30 =	sld [smem:$0x0];
	_ =	sdelay $0x2  }
0xb8: {  	s31 =	sshll.u32 s1, $0xD;
	s1 =	sshrl.u32 s1, $0x2  }
0xb9: {  	s3 =	sand.u32 $0x4000, s31;
	s1 =	sadd.s32 s1, s30  }
0xba: {  	s0 =	sor.u32 s3, s0;
	s1 =	sshll.u32 s1, $0x11  }
0xbb: {  	s0 =	sor.u32 s1, s0  }
0xbc: {  	s0 =	sadd.s32 $0x8F2B, s0  }
0xbd: {  	[sflag:s0] =	ssyncadd.remote.s32 $0x1  }
0xbe: {  	_ =	sfence.sel $0xFFFF  }
0xbf: {  	[dreg:$0x0] =	wrdreg $0xFFFFFFFF;
	(pc) =	sbr.abs _section_cstart, $3  }
0xc0: {  	[dreg:$0x1] =	wrdreg $0xFFFFFFFF  }
0xc1: {  	_ =	task.clear_ibuf [dreg:s7], $0x2FFFF;
	_ =	strace $0x9FFFFFFF  }
0xc2: {  	(tm) =	ssettm $0x7FFFFFFF  }
0xc3: {  	_ =	shalt  }
tec
execute0_lowered:
.L_overlay_start_1:
0x0: {  	(tag) =	ssettag $0x1  }
0x1: {  	s0 =	rddreg [dreg:$0x0]  }
0x2: {  	s1 =	rddreg [dreg:$0x1];
	s2 =	simm.s32 $0x0;
	s3 =	srdreg.scid  }
0x3: {  	s5 =	stileid.u32;
	s12 =	simm.s32 $0x2;
	s13 =	simm.s32 $0x80  }
0x4: {  	s14 =	simm.s32 $0x100;
	s15 =	simm.s32 $0x180;
	s16 =	simm.s32 $0x280  }
0x5: {  	v10 =	vlaneseq.u32;
	s28 =	simm.s32 $0x15A80;
	s29 =	simm.s32 $0x16280;
	s30 =	simm.s32 $0x16A80  }
0x6: {  	s31 =	simm.s32 $0x17280;
	s17 =	simm.s32 $0x0;
	[smem:$0x7FF] =	sst s2;
	v0 =	vmul.u32 $0x2, v10  }
0x7: {  	s4 =	sand.u32 $0x1, s3;
	s24 =	sshll.u32 s5, $0x1;
	s3 =	sadd.s32 $0x1A00, s0  }
0x8: {  	s9 =	sadd.s32 $0x1C00, s0;
	_ =	strace $0x8000004A;
	s6 =	sor.u32 s4, s24;
	v1 =	vor.u32 $0x20, v0  }
0x9: {  	s7 =	ssub.s32 $0x2, s4;
	s4 =	sadd.s32 $0x1400, s0;
	s24 =	simm.s32 $0x14280;
	[tilespmem:$0x1FFA0] =	vst v1;
	v1 =	vor.u32 $0x40, v0  }
0xa: {  	s25 =	sshll.u32 s6, $0x4;
	s26 =	sshrl.u32 s7, $0x1;
	s10 =	smul.u32 $0x1800, s6;
	[tilespmem:$0x1FFB0] =	vst v1;
	v1 =	vor.u32 $0x60, v0  }
0xb: {  	s8 =	sadd.s32 s25, s0;
	s11 =	ssub.s32 s7, s26;
	s25 =	simm.s32 $0x14A80;
	[tilespmem:$0x1FFC0] =	vst v1;
	v1 =	vor.u32 $0x1, v0  }
0xc: {  	vm0 =	vmmov $0xffff;
	s26 =	simm.s32 $0x15280;
	s5 =	sadd.s32 $0x1600, s8;
	s6 =	sadd.s32 $0x1800, s8;
	[tilespmem:$0x1FFD0] =	vst v1;
	v1 =	vor.u32 $0x21, v0  }
0xd: {  	v9 =	vshrl.u32 v10, $0x3;
	v8 =	vand.u32 $0x7, v10;
	s7 =	sadd.s32 $0x91A00, s8;
	s8 =	sadd.s32 $0x1B00, s0;
	s10 =	sadd.s32 s1, s10;
	[tilespmem:$0x1FFE0] =	vst v1;
	v1 =	vor.u32 $0x41, v0  }
0xe: {  	v10 =	vor.u32 $0x8, v10;
	v9 =	vmul.u32 $0x8, v9;
	v7 =	vor.u32 $0x61, v0;
	s11 =	smax.u32 s11, $0x1;
	s0 =	simm.s32 $0x17A80;
	s1 =	simm.s32 $0x1;
	[tilespmem:$0x1FFF0] =	vst v1  }
.LBB2_1:
0xf: {  	[tilespmem:s2], [sflag:$0x2] =	stream.linear.gather [hbm4b:s4+s2], $0x80, $0x38;
	[tilespmem:$0x18280] =	vst v63  }
0x10: {  	_ =	swait.ge [sflag:s12], $0x80  }
0x11: {  	[sflag:s12] =	ssyncset.done $0x0  }
0x12: {  	[sflag:s12] =	ssyncadd.s32 $0xFFFFFF80  }
0x13: {  	[tilespmem:s13], [sflag:$0x2] =	stream.linear.gather [hbm4b:s5+s2], $0x80, $0x38;
	[tilespmem:$0x18280] =	vst v63  }
0x14: {  	_ =	swait.ge [sflag:s12], $0x80  }
0x15: {  	[sflag:s12] =	ssyncset.done $0x0  }
0x16: {  	[sflag:s12] =	ssyncadd.s32 $0xFFFFFF80  }
0x17: {  	[tilespmem:s14], [sflag:$0x2] =	stream.linear.gather [hbm4b:s6+s2], $0x80, $0x38;
	[tilespmem:$0x18280] =	vst v63  }
0x18: {  	_ =	swait.ge [sflag:s12], $0x80  }
0x19: {  	[sflag:s12] =	ssyncset.done $0x0  }
0x1a: {  	[sflag:s12] =	ssyncadd.s32 $0xFFFFFF80  }
0x1b: {  	[tilespmem:s15], [sflag:$0x2] =	stream.linear.gather [hbm4b:s7+s2], $0x80, $0x38;
	[tilespmem:$0x18280] =	vst v63  }
0x1c: {  	_ =	swait.ge [sflag:s12], $0x80  }
0x1d: {  	[sflag:s12] =	ssyncset.done $0x0  }
0x1e: {  	[sflag:s12] =	ssyncadd.s32 $0xFFFFFF80  }
0x1f: {  	v11 =	vld.idx.msk [tilespmem:v0+s13+$0x0], $0xffff;
	_ =	sdelay $0x5  }
0x20: {  	v1 =	vld [tilespmem:$0x1FFA0]  }
0x21: {  	v12 =	vld.idx.msk [tilespmem:v0+s14+$0x0], $0xffff  }
0x22: {  	v11 =	vld.idx.msk [tilespmem:v11+s2+$0x0], $0xffff;
	_ =	sdelay $0x4  }
0x23: {  	v11 =	vadd.s32 v12, v11  }
0x24: {  	[tilespmem:$0x200] =	vst v11  }
0x25: {  	v12 =	vld.idx.msk [tilespmem:v1+s13+$0x0], $0xffff;
	_ =	sdelay $0x5  }
0x26: {  	v13 =	vld.idx.msk [tilespmem:v1+s14+$0x0], $0xffff  }
0x27: {  	v1 =	vld [tilespmem:$0x1FFB0]  }
0x28: {  	v12 =	vld.idx.msk [tilespmem:v12+s2+$0x0], $0xffff;
	_ =	sdelay $0x4  }
0x29: {  	v12 =	vadd.s32 v13, v12  }
0x2a: {  	[tilespmem:$0x210] =	vst v12  }
0x2b: {  	v12 =	vld.idx.msk [tilespmem:v1+s13+$0x0], $0xffff;
	_ =	sdelay $0x5  }
0x2c: {  	v13 =	vld.idx.msk [tilespmem:v1+s14+$0x0], $0xffff  }
0x2d: {  	v1 =	vld [tilespmem:$0x1FFC0]  }
0x2e: {  	v12 =	vld.idx.msk [tilespmem:v12+s2+$0x0], $0xffff;
	_ =	sdelay $0x4  }
0x2f: {  	v12 =	vadd.s32 v13, v12  }
0x30: {  	[tilespmem:$0x220] =	vst v12  }
0x31: {  	v12 =	vld.idx.msk [tilespmem:v1+s13+$0x0], $0xffff;
	_ =	sdelay $0x5  }
0x32: {  	v13 =	vld.idx.msk [tilespmem:v1+s14+$0x0], $0xffff  }
0x33: {  	v1 =	vld [tilespmem:$0x1FFD0]  }
0x34: {  	v12 =	vld.idx.msk [tilespmem:v12+s2+$0x0], $0xffff;
	_ =	sdelay $0x4  }
0x35: {  	v12 =	vadd.s32 v13, v12  }
0x36: {  	[tilespmem:$0x230] =	vst v12  }
0x37: {  	v12 =	vld.idx.msk [tilespmem:v1+s13+$0x0], $0xffff;
	_ =	sdelay $0x5  }
0x38: {  	v13 =	vld.idx.msk [tilespmem:v1+s14+$0x0], $0xffff  }
0x39: {  	v1 =	vld [tilespmem:$0x1FFE0]  }
0x3a: {  	v12 =	vld.idx.msk [tilespmem:v12+s2+$0x0], $0xffff;
	_ =	sdelay $0x4  }
0x3b: {  	v12 =	vadd.s32 v13, v12  }
0x3c: {  	[tilespmem:$0x240] =	vst v12  }
0x3d: {  	v12 =	vld.idx.msk [tilespmem:v1+s13+$0x0], $0xffff;
	_ =	sdelay $0x5  }
0x3e: {  	v13 =	vld.idx.msk [tilespmem:v1+s14+$0x0], $0xffff  }
0x3f: {  	v1 =	vld [tilespmem:$0x1FFF0]  }
0x40: {  	v12 =	vld.idx.msk [tilespmem:v12+s2+$0x0], $0xffff;
	_ =	sdelay $0x4  }
0x41: {  	v12 =	vadd.s32 v13, v12  }
0x42: {  	[tilespmem:$0x250] =	vst v12  }
0x43: {  	v12 =	vld.idx.msk [tilespmem:v1+s13+$0x0], $0xffff;
	_ =	sdelay $0x6  }
0x44: {  	v13 =	vld.idx.msk [tilespmem:v1+s14+$0x0], $0xffff  }
0x45: {  	v12 =	vld.idx.msk [tilespmem:v12+s2+$0x0], $0xffff;
	_ =	sdelay $0x4  }
0x46: {  	v12 =	vadd.s32 v13, v12  }
0x47: {  	[tilespmem:$0x260] =	vst v12  }
0x48: {  	v12 =	vld.idx.msk [tilespmem:v7+s13+$0x0], $0xffff;
	_ =	sdelay $0x3  }
0x49: {  	v13 =	vshrl.u32 v11, $0x3  }
0x4a: {  	v13 =	vmul.u32 $0x30, v13  }
0x4b: {  	v11 =	vand.u32 $0x7, v11  }
0x4c: {  	v14 =	vld.idx.msk [tilespmem:v7+s14+$0x0], $0xffff;
	v11 =	vor.u32 v11, v13  }
0x4d: {  	v13 =	vperm.xlane v11, v8;
	v12 =	vld.idx.msk [tilespmem:v12+s2+$0x0], $0xffff;
	_ =	sdelay $0x1  }
0x4e: {  	v13 =	vadd.s32 v9, v13;
	_ =	sdelay $0x2  }
0x4f: {  	v12 =	vadd.s32 v14, v12  }
0x50: {  	v11 =	vperm.xlane v11, v10;
	[tilespmem:$0x270] =	vst v12  }
0x51: {  	[tilespmem:s16], [sflag:$0x1] =	stream.indirect_vreg.gather [hbm4b:s3+s2], $0x80, v13, vm0, $0xb8;
	[tilespmem:$0x18280] =	vst v63  }
0x52: {  	s18 =	simm.s32 $0xA80;
	v11 =	vadd.s32 v9, v11  }
0x53: {  	[tilespmem:s18], [sflag:$0x1] =	stream.indirect_vreg.gather [hbm4b:s8+s2], $0x80, v13, vm0, $0xb8;
	[tilespmem:$0x18280] =	vst v63  }
0x54: {  	s20 =	simm.s32 $0x1280  }
0x55: {  	[tilespmem:s20], [sflag:$0x1] =	stream.indirect_vreg.gather [hbm4b:s9+s2], $0x80, v13, vm0, $0xb8;
	[tilespmem:$0x18280] =	vst v63  }
0x56: {  	s21 =	simm.s32 $0x1A80  }
0x57: {  	[tilespmem:s21], [sflag:$0x1] =	stream.indirect_vreg.gather [hbm4b:s3+s2], $0x80, v11, vm0, $0xb8;
	[tilespmem:$0x18280] =	vst v63  }
0x58: {  	s22 =	simm.s32 $0x2280  }
0x59: {  	[tilespmem:s22], [sflag:$0x1] =	stream.indirect_vreg.gather [hbm4b:s8+s2], $0x80, v11, vm0, $0xb8;
	[tilespmem:$0x18280] =	vst v63  }
0x5a: {  	s23 =	simm.s32 $0x2A80  }
0x5b: {  	[tilespmem:s23], [sflag:$0x1] =	stream.indirect_vreg.gather [hbm4b:s9+s2], $0x80, v11, vm0, $0xb8;
	[tilespmem:$0x18280] =	vst v63  }
0x5c: {  	v11 =	vld [tilespmem:$0x210];
	_ =	sdelay $0x4  }
0x5d: {  	v12 =	vshrl.u32 v11, $0x3  }
0x5e: {  	v12 =	vmul.u32 $0x30, v12  }
0x5f: {  	v11 =	vand.u32 $0x7, v11  }
0x60: {  	v11 =	vor.u32 v11, v12  }
0x61: {  	v12 =	vperm.xlane v11, v8;
	_ =	sdelay $0x1  }
0x62: {  	v12 =	vadd.s32 v9, v12;
	_ =	sdelay $0x3  }
0x63: {  	s19 =	simm.s32 $0x3280;
	v11 =	vperm.xlane v11, v10  }
0x64: {  	[tilespmem:s19], [sflag:$0x1] =	stream.indirect_vreg.gather [hbm4b:s3+s2], $0x80, v12, vm0, $0xb8;
	[tilespmem:$0x18280] =	vst v63  }
0x65: {  	s20 =	simm.s32 $0x3A80;
	v11 =	vadd.s32 v9, v11  }
0x66: {  	[tilespmem:s20], [sflag:$0x1] =	stream.indirect_vreg.gather [hbm4b:s8+s2], $0x80, v12, vm0, $0xb8;
	[tilespmem:$0x18280] =	vst v63  }
0x67: {  	s21 =	simm.s32 $0x4280  }
0x68: {  	[tilespmem:s21], [sflag:$0x1] =	stream.indirect_vreg.gather [hbm4b:s9+s2], $0x80, v12, vm0, $0xb8;
	[tilespmem:$0x18280] =	vst v63  }
0x69: {  	s22 =	simm.s32 $0x4A80  }
0x6a: {  	[tilespmem:s22], [sflag:$0x1] =	stream.indirect_vreg.gather [hbm4b:s3+s2], $0x80, v11, vm0, $0xb8;
	[tilespmem:$0x18280] =	vst v63  }
0x6b: {  	s23 =	simm.s32 $0x5280  }
0x6c: {  	[tilespmem:s23], [sflag:$0x1] =	stream.indirect_vreg.gather [hbm4b:s8+s2], $0x80, v11, vm0, $0xb8;
	[tilespmem:$0x18280] =	vst v63  }
0x6d: {  	s19 =	simm.s32 $0x5A80  }
0x6e: {  	[tilespmem:s19], [sflag:$0x1] =	stream.indirect_vreg.gather [hbm4b:s9+s2], $0x80, v11, vm0, $0xb8;
	[tilespmem:$0x18280] =	vst v63  }
0x6f: {  	v11 =	vld [tilespmem:$0x220];
	_ =	sdelay $0x4  }
0x70: {  	v12 =	vshrl.u32 v11, $0x3  }
0x71: {  	v12 =	vmul.u32 $0x30, v12  }
0x72: {  	v11 =	vand.u32 $0x7, v11  }
0x73: {  	v11 =	vor.u32 v11, v12  }
0x74: {  	v12 =	vperm.xlane v11, v8;
	_ =	sdelay $0x1  }
0x75: {  	v12 =	vadd.s32 v9, v12;
	_ =	sdelay $0x3  }
0x76: {  	s20 =	simm.s32 $0x6280;
	v11 =	vperm.xlane v11, v10  }
0x77: {  	[tilespmem:s20], [sflag:$0x1] =	stream.indirect_vreg.gather [hbm4b:s3+s2], $0x80, v12, vm0, $0xb8;
	[tilespmem:$0x18280] =	vst v63  }
0x78: {  	s21 =	simm.s32 $0x6A80;
	v11 =	vadd.s32 v9, v11  }
0x79: {  	[tilespmem:s21], [sflag:$0x1] =	stream.indirect_vreg.gather [hbm4b:s8+s2], $0x80, v12, vm0, $0xb8;
	[tilespmem:$0x18280] =	vst v63  }
0x7a: {  	s22 =	simm.s32 $0x7280  }
0x7b: {  	[tilespmem:s22], [sflag:$0x1] =	stream.indirect_vreg.gather [hbm4b:s9+s2], $0x80, v12, vm0, $0xb8;
	[tilespmem:$0x18280] =	vst v63  }
0x7c: {  	s23 =	simm.s32 $0x7A80  }
0x7d: {  	[tilespmem:s23], [sflag:$0x1] =	stream.indirect_vreg.gather [hbm4b:s3+s2], $0x80, v11, vm0, $0xb8;
	[tilespmem:$0x18280] =	vst v63  }
0x7e: {  	s19 =	simm.s32 $0x8280  }
0x7f: {  	[tilespmem:s19], [sflag:$0x1] =	stream.indirect_vreg.gather [hbm4b:s8+s2], $0x80, v11, vm0, $0xb8;
	[tilespmem:$0x18280] =	vst v63  }
0x80: {  	s20 =	simm.s32 $0x8A80  }
0x81: {  	[tilespmem:s20], [sflag:$0x1] =	stream.indirect_vreg.gather [hbm4b:s9+s2], $0x80, v11, vm0, $0xb8;
	[tilespmem:$0x18280] =	vst v63  }
0x82: {  	v11 =	vld [tilespmem:$0x230];
	_ =	sdelay $0x4  }
0x83: {  	v12 =	vshrl.u32 v11, $0x3  }
0x84: {  	v12 =	vmul.u32 $0x30, v12  }
0x85: {  	v11 =	vand.u32 $0x7, v11  }
0x86: {  	v11 =	vor.u32 v11, v12  }
0x87: {  	v12 =	vperm.xlane v11, v8;
	_ =	sdelay $0x1  }
0x88: {  	v12 =	vadd.s32 v9, v12;
	_ =	sdelay $0x3  }
0x89: {  	s21 =	simm.s32 $0x9280;
	v11 =	vperm.xlane v11, v10  }
0x8a: {  	[tilespmem:s21], [sflag:$0x1] =	stream.indirect_vreg.gather [hbm4b:s3+s2], $0x80, v12, vm0, $0xb8;
	[tilespmem:$0x18280] =	vst v63  }
0x8b: {  	s22 =	simm.s32 $0x9A80;
	v11 =	vadd.s32 v9, v11  }
0x8c: {  	[tilespmem:s22], [sflag:$0x1] =	stream.indirect_vreg.gather [hbm4b:s8+s2], $0x80, v12, vm0, $0xb8;
	[tilespmem:$0x18280] =	vst v63  }
0x8d: {  	s23 =	simm.s32 $0xA280  }
0x8e: {  	[tilespmem:s23], [sflag:$0x1] =	stream.indirect_vreg.gather [hbm4b:s9+s2], $0x80, v12, vm0, $0xb8;
	[tilespmem:$0x18280] =	vst v63  }
0x8f: {  	s19 =	simm.s32 $0xAA80  }
0x90: {  	[tilespmem:s19], [sflag:$0x1] =	stream.indirect_vreg.gather [hbm4b:s3+s2], $0x80, v11, vm0, $0xb8;
	[tilespmem:$0x18280] =	vst v63  }
0x91: {  	s20 =	simm.s32 $0xB280  }
0x92: {  	[tilespmem:s20], [sflag:$0x1] =	stream.indirect_vreg.gather [hbm4b:s8+s2], $0x80, v11, vm0, $0xb8;
	[tilespmem:$0x18280] =	vst v63  }
0x93: {  	s21 =	simm.s32 $0xBA80  }
0x94: {  	[tilespmem:s21], [sflag:$0x1] =	stream.indirect_vreg.gather [hbm4b:s9+s2], $0x80, v11, vm0, $0xb8;
	[tilespmem:$0x18280] =	vst v63  }
0x95: {  	v11 =	vld [tilespmem:$0x240];
	_ =	sdelay $0x4  }
0x96: {  	v12 =	vshrl.u32 v11, $0x3  }
0x97: {  	v12 =	vmul.u32 $0x30, v12  }
0x98: {  	v11 =	vand.u32 $0x7, v11  }
0x99: {  	v11 =	vor.u32 v11, v12  }
0x9a: {  	v12 =	vperm.xlane v11, v8;
	_ =	sdelay $0x1  }
0x9b: {  	v12 =	vadd.s32 v9, v12;
	_ =	sdelay $0x3  }
0x9c: {  	s22 =	simm.s32 $0xC280;
	v11 =	vperm.xlane v11, v10  }
0x9d: {  	[tilespmem:s22], [sflag:$0x1] =	stream.indirect_vreg.gather [hbm4b:s3+s2], $0x80, v12, vm0, $0xb8;
	[tilespmem:$0x18280] =	vst v63  }
0x9e: {  	s23 =	simm.s32 $0xCA80;
	v11 =	vadd.s32 v9, v11  }
0x9f: {  	[tilespmem:s23], [sflag:$0x1] =	stream.indirect_vreg.gather [hbm4b:s8+s2], $0x80, v12, vm0, $0xb8;
	[tilespmem:$0x18280] =	vst v63  }
0xa0: {  	s19 =	simm.s32 $0xD280  }
0xa1: {  	[tilespmem:s19], [sflag:$0x1] =	stream.indirect_vreg.gather [hbm4b:s9+s2], $0x80, v12, vm0, $0xb8;
	[tilespmem:$0x18280] =	vst v63  }
0xa2: {  	s20 =	simm.s32 $0xDA80  }
0xa3: {  	[tilespmem:s20], [sflag:$0x1] =	stream.indirect_vreg.gather [hbm4b:s3+s2], $0x80, v11, vm0, $0xb8;
	[tilespmem:$0x18280] =	vst v63  }
0xa4: {  	s21 =	simm.s32 $0xE280  }
0xa5: {  	[tilespmem:s21], [sflag:$0x1] =	stream.indirect_vreg.gather [hbm4b:s8+s2], $0x80, v11, vm0, $0xb8;
	[tilespmem:$0x18280] =	vst v63  }
0xa6: {  	s22 =	simm.s32 $0xEA80  }
0xa7: {  	[tilespmem:s22], [sflag:$0x1] =	stream.indirect_vreg.gather [hbm4b:s9+s2], $0x80, v11, vm0, $0xb8;
	[tilespmem:$0x18280] =	vst v63  }
0xa8: {  	v11 =	vld [tilespmem:$0x250];
	_ =	sdelay $0x4  }
0xa9: {  	v12 =	vshrl.u32 v11, $0x3  }
0xaa: {  	v12 =	vmul.u32 $0x30, v12  }
0xab: {  	v11 =	vand.u32 $0x7, v11  }
0xac: {  	v11 =	vor.u32 v11, v12  }
0xad: {  	v12 =	vperm.xlane v11, v8;
	_ =	sdelay $0x1  }
0xae: {  	v12 =	vadd.s32 v9, v12;
	_ =	sdelay $0x3  }
0xaf: {  	s23 =	simm.s32 $0xF280;
	v11 =	vperm.xlane v11, v10  }
0xb0: {  	[tilespmem:s23], [sflag:$0x1] =	stream.indirect_vreg.gather [hbm4b:s3+s2], $0x80, v12, vm0, $0xb8;
	[tilespmem:$0x18280] =	vst v63  }
0xb1: {  	s19 =	simm.s32 $0xFA80;
	v11 =	vadd.s32 v9, v11  }
0xb2: {  	[tilespmem:s19], [sflag:$0x1] =	stream.indirect_vreg.gather [hbm4b:s8+s2], $0x80, v12, vm0, $0xb8;
	[tilespmem:$0x18280] =	vst v63  }
0xb3: {  	s20 =	simm.s32 $0x10280  }
0xb4: {  	[tilespmem:s20], [sflag:$0x1] =	stream.indirect_vreg.gather [hbm4b:s9+s2], $0x80, v12, vm0, $0xb8;
	[tilespmem:$0x18280] =	vst v63  }
0xb5: {  	s21 =	simm.s32 $0x10A80  }
0xb6: {  	[tilespmem:s21], [sflag:$0x1] =	stream.indirect_vreg.gather [hbm4b:s3+s2], $0x80, v11, vm0, $0xb8;
	[tilespmem:$0x18280] =	vst v63  }
0xb7: {  	s22 =	simm.s32 $0x11280  }
0xb8: {  	[tilespmem:s22], [sflag:$0x1] =	stream.indirect_vreg.gather [hbm4b:s8+s2], $0x80, v11, vm0, $0xb8;
	[tilespmem:$0x18280] =	vst v63  }
0xb9: {  	s23 =	simm.s32 $0x11A80  }
0xba: {  	[tilespmem:s23], [sflag:$0x1] =	stream.indirect_vreg.gather [hbm4b:s9+s2], $0x80, v11, vm0, $0xb8;
	[tilespmem:$0x18280] =	vst v63  }
0xbb: {  	v11 =	vld [tilespmem:$0x260];
	_ =	sdelay $0x4  }
0xbc: {  	v12 =	vshrl.u32 v11, $0x3  }
0xbd: {  	v12 =	vmul.u32 $0x30, v12  }
0xbe: {  	v11 =	vand.u32 $0x7, v11  }
0xbf: {  	v11 =	vor.u32 v11, v12  }
0xc0: {  	v12 =	vperm.xlane v11, v8;
	_ =	sdelay $0x1  }
0xc1: {  	v12 =	vadd.s32 v9, v12;
	_ =	sdelay $0x3  }
0xc2: {  	s19 =	simm.s32 $0x12280;
	v11 =	vperm.xlane v11, v10  }
0xc3: {  	[tilespmem:s19], [sflag:$0x1] =	stream.indirect_vreg.gather [hbm4b:s3+s2], $0x80, v12, vm0, $0xb8;
	[tilespmem:$0x18280] =	vst v63  }
0xc4: {  	s20 =	simm.s32 $0x12A80;
	v11 =	vadd.s32 v9, v11  }
0xc5: {  	[tilespmem:s20], [sflag:$0x1] =	stream.indirect_vreg.gather [hbm4b:s8+s2], $0x80, v12, vm0, $0xb8;
	[tilespmem:$0x18280] =	vst v63  }
0xc6: {  	s21 =	simm.s32 $0x13280  }
0xc7: {  	[tilespmem:s21], [sflag:$0x1] =	stream.indirect_vreg.gather [hbm4b:s9+s2], $0x80, v12, vm0, $0xb8;
	[tilespmem:$0x18280] =	vst v63  }
0xc8: {  	s22 =	simm.s32 $0x13A80  }
0xc9: {  	[tilespmem:s22], [sflag:$0x1] =	stream.indirect_vreg.gather [hbm4b:s3+s2], $0x80, v11, vm0, $0xb8;
	[tilespmem:$0x18280] =	vst v63  }
0xca: {  	_ = 	snop  }
0xcb: {  	[tilespmem:s24], [sflag:$0x1] =	stream.indirect_vreg.gather [hbm4b:s8+s2], $0x80, v11, vm0, $0xb8;
	[tilespmem:$0x18280] =	vst v63  }
0xcc: {  	_ = 	snop  }
0xcd: {  	[tilespmem:s25], [sflag:$0x1] =	stream.indirect_vreg.gather [hbm4b:s9+s2], $0x80, v11, vm0, $0xb8;
	[tilespmem:$0x18280] =	vst v63  }
0xce: {  	v11 =	vld [tilespmem:$0x270];
	_ =	sdelay $0x4  }
0xcf: {  	v12 =	vshrl.u32 v11, $0x3  }
0xd0: {  	v12 =	vmul.u32 $0x30, v12  }
0xd1: {  	v11 =	vand.u32 $0x7, v11  }
0xd2: {  	v11 =	vor.u32 v11, v12  }
0xd3: {  	v12 =	vperm.xlane v11, v8;
	_ =	sdelay $0x1  }
0xd4: {  	v12 =	vadd.s32 v9, v12;
	_ =	sdelay $0x3  }
0xd5: {  	v11 =	vperm.xlane v11, v10  }
0xd6: {  	[tilespmem:s26], [sflag:$0x1] =	stream.indirect_vreg.gather [hbm4b:s3+s2], $0x80, v12, vm0, $0xb8;
	[tilespmem:$0x18280] =	vst v63  }
0xd7: {  	v11 =	vadd.s32 v9, v11  }
0xd8: {  	[tilespmem:s28], [sflag:$0x1] =	stream.indirect_vreg.gather [hbm4b:s8+s2], $0x80, v12, vm0, $0xb8;
	[tilespmem:$0x18280] =	vst v63  }
0xd9: {  	_ = 	snop  }
0xda: {  	[tilespmem:s29], [sflag:$0x1] =	stream.indirect_vreg.gather [hbm4b:s9+s2], $0x80, v12, vm0, $0xb8;
	[tilespmem:$0x18280] =	vst v63  }
0xdb: {  	_ = 	snop  }
0xdc: {  	[tilespmem:s30], [sflag:$0x1] =	stream.indirect_vreg.gather [hbm4b:s3+s2], $0x80, v11, vm0, $0xb8;
	[tilespmem:$0x18280] =	vst v63  }
0xdd: {  	s23 =	simm.s32 $0x0  }
0xde: {  	[tilespmem:s31], [sflag:$0x1] =	stream.indirect_vreg.gather [hbm4b:s8+s2], $0x80, v11, vm0, $0xb8;
	[tilespmem:$0x18280] =	vst v63  }
0xdf: {  	s18 =	smul.u32 $0x6000, s23  }
0xe0: {  	[tilespmem:s0], [sflag:$0x1] =	stream.indirect_vreg.gather [hbm4b:s9+s2], $0x80, v11, vm0, $0xb8;
	[tilespmem:$0x18280] =	vst v63  }
0xe1: {  	_ =	swait.ge [sflag:s1], $0x18000  }
0xe2: {  	s18 =	sshra.s32 s18, $0x2;
	s19 =	sand.u32 $0x380, s2;
	[sflag:s1] =	ssyncset.done $0x0  }
0xe3: {  	s18 =	sor.u32 s19, s18;
	[sflag:s1] =	ssyncadd.s32 $0xFFFE8000  }
0xe4: {  	v11 =	vld [tilespmem:s18+$0xC280]  }
0xe5: {  	v12 =	vld [tilespmem:s18+$0x290]  }
0xe6: {  	v13 =	vld [tilespmem:s18+$0xC290]  }
0xe7: {  	v14 =	vld [tilespmem:s18+$0x2A0]  }
0xe8: {  	v15 =	vld [tilespmem:s18+$0xC2A0]  }
0xe9: {  	v16 =	vld [tilespmem:s18+$0x2B0]  }
0xea: {  	v17 =	vld [tilespmem:s18+$0xC2B0]  }
0xeb: {  	v18 =	vld [tilespmem:s18+$0x2C0]  }
0xec: {  	v19 =	vld [tilespmem:s18+$0xC2C0]  }
0xed: {  	v20 =	vld [tilespmem:s18+$0xC2D0]  }
0xee: {  	v21 =	vld [tilespmem:s18+$0xC2E0]  }
0xef: {  	v22 =	vld [tilespmem:s18+$0xC2F0]  }
0xf0: {  	v23 =	vld [tilespmem:s18+$0xC680]  }
0xf1: {  	v24 =	vld [tilespmem:s18+$0xC690]  }
0xf2: {  	v25 =	vld [tilespmem:s18+$0xC6A0]  }
0xf3: {  	v26 =	vld [tilespmem:s18+$0xC6B0]  }
0xf4: {  	v27 =	vld [tilespmem:s18+$0xC6C0]  }
0xf5: {  	v28 =	vld [tilespmem:s18+$0xC6D0]  }
0xf6: {  	v29 =	vld [tilespmem:s18+$0xC6E0]  }
0xf7: {  	v30 =	vld [tilespmem:s18+$0xC6F0]  }
0xf8: {  	v31 =	vld [tilespmem:s18+$0xCA80]  }
0xf9: {  	v32 =	vld [tilespmem:s18+$0xCA90]  }
0xfa: {  	v33 =	vld [tilespmem:s18+$0xCAA0]  }
0xfb: {  	v34 =	vld [tilespmem:s18+$0xCAB0]  }
0xfc: {  	v35 =	vld [tilespmem:s18+$0xCAC0]  }
0xfd: {  	v36 =	vld [tilespmem:s18+$0xCAD0]  }
0xfe: {  	v37 =	vld [tilespmem:s18+$0xCAE0]  }
0xff: {  	v38 =	vld [tilespmem:s18+$0xCAF0]  }
0x100: {  	v40 =	vld [tilespmem:s18+$0xCE80]  }
0x101: {  	v42 =	vld [tilespmem:s18+$0xCE90]  }
0x102: {  	v43 =	vld [tilespmem:s18+$0xCEA0]  }
0x103: {  	v44 =	vld [tilespmem:s18+$0xCEB0]  }
0x104: {  	v45 =	vld [tilespmem:s18+$0xCEC0]  }
0x105: {  	v46 =	vld [tilespmem:s18+$0xCED0]  }
0x106: {  	v47 =	vld [tilespmem:s18+$0xCEE0]  }
0x107: {  	v48 =	vld [tilespmem:s18+$0xCEF0]  }
0x108: {  	v49 =	vld [tilespmem:s18+$0xD280]  }
0x109: {  	v50 =	vld [tilespmem:s18+$0xD290]  }
0x10a: {  	v51 =	vld [tilespmem:s18+$0xD2A0]  }
0x10b: {  	v52 =	vld [tilespmem:s18+$0xD2B0]  }
0x10c: {  	v53 =	vld [tilespmem:s18+$0xD2C0]  }
0x10d: {  	v54 =	vld [tilespmem:s18+$0xD2D0]  }
0x10e: {  	v55 =	vld [tilespmem:s18+$0xD2E0]  }
0x10f: {  	v39 =	vmov s2;
	s19 =	simm.s32 $0x1;
	s20 =	simm.s32 $0x0;
	s21 =	simm.s32 $0x0;
	v56 =	vld [tilespmem:s18+$0x1680]  }
.LBB2_2:
0x110: {  	p0 =	sne.s32 s19, $0x3F;
	v41 =	vor.u32 $0x1, v39;
	v57 =	vld [tilespmem:s18+$0x1690]  }
0x111: {  	v58 =	vld [tilespmem:s18+$0xD690]  }
0x112: {  	v59 =	vld [tilespmem:s18+$0xD6B0]  }
0x113: {  	v60 =	vld [tilespmem:s18+$0x16A0]  }
0x114: {  	v39 =	vld.idx.msk [tilespmem:v39+s15+$0x0], $0xffff  }
0x115: {  	v41 =	vld.idx.msk [tilespmem:v41+s15+$0x0], $0xffff  }
0x116: {  	v61 =	vld [tilespmem:s18+$0x16B0]  }
0x117: {  	v62 =	vld [tilespmem:s18+$0xD6A0]  }
0x118: {  	v63 =	vld [tilespmem:s18+$0xD680]  }
0x119: {  	v1 =	vld [tilespmem:s18+$0xD2F0]  }
0x11a: {  	v57 =	vmul.f32 v57, v39;
	v60 =	vmul.f32 v60, v39;
	v2 =	vld [tilespmem:s18+$0x12F0]  }
0x11b: {  	v59 =	vmul.f32 v59, v41;
	v3 =	vld [tilespmem:s18+$0x12E0];
	v61 =	vmul.f32 v61, v39  }
0x11c: {  	v58 =	vmul.f32 v58, v41;
	v4 =	vld [tilespmem:s18+$0x12D0];
	v62 =	vmul.f32 v62, v41  }
0x11d: {  	v56 =	vmul.f32 v56, v39;
	v5 =	vld [tilespmem:s18+$0x12C0];
	v63 =	vmul.f32 v63, v41;
	v59 =	vadd.f32 v59, v61  }
0x11e: {  	v57 =	vadd.f32 v58, v57;
	v61 =	vld [tilespmem:s18+$0x12B0];
	v1 =	vmul.f32 v1, v41;
	v58 =	vadd.f32 v62, v60  }
0x11f: {  	v55 =	vmul.f32 v55, v41;
	v60 =	vld [tilespmem:s18+$0x12A0];
	v2 =	vmul.f32 v2, v39;
	v56 =	vadd.f32 v63, v56;
	[tilespmem:s18+$0x16B0] =	vst v59  }
0x120: {  	v54 =	vmul.f32 v54, v41;
	v59 =	vld [tilespmem:s18+$0x1290];
	v3 =	vmul.f32 v3, v39;
	[tilespmem:s18+$0x16A0] =	vst v58  }
0x121: {  	v53 =	vmul.f32 v53, v41;
	v58 =	vld [tilespmem:s18+$0x1280];
	v4 =	vmul.f32 v4, v39;
	v1 =	vadd.f32 v1, v2;
	[tilespmem:s18+$0x1690] =	vst v57  }
0x122: {  	v52 =	vmul.f32 v52, v41;
	v2 =	vld [tilespmem:s18+$0xEF0];
	v5 =	vmul.f32 v5, v39;
	v3 =	vadd.f32 v55, v3;
	[tilespmem:s18+$0x1680] =	vst v56  }
0x123: {  	v51 =	vmul.f32 v51, v41;
	v55 =	vld [tilespmem:s18+$0xEE0];
	v56 =	vmul.f32 v61, v39;
	v4 =	vadd.f32 v54, v4;
	[tilespmem:s18+$0x12F0] =	vst v1  }
0x124: {  	v50 =	vmul.f32 v50, v41;
	v1 =	vld [tilespmem:s18+$0xED0];
	v54 =	vmul.f32 v60, v39;
	v5 =	vadd.f32 v53, v5;
	[tilespmem:s18+$0x12E0] =	vst v3  }
0x125: {  	v49 =	vmul.f32 v49, v41;
	v3 =	vld [tilespmem:s18+$0xEC0];
	v53 =	vmul.f32 v59, v39;
	v52 =	vadd.f32 v52, v56;
	[tilespmem:s18+$0x12D0] =	vst v4  }
0x126: {  	v48 =	vmul.f32 v48, v41;
	v4 =	vld [tilespmem:s18+$0xEB0];
	v56 =	vmul.f32 v58, v39;
	v51 =	vadd.f32 v51, v54;
	[tilespmem:s18+$0x12C0] =	vst v5  }
0x127: {  	v47 =	vmul.f32 v47, v41;
	v5 =	vld [tilespmem:s18+$0xEA0];
	v2 =	vmul.f32 v2, v39;
	v50 =	vadd.f32 v50, v53;
	[tilespmem:s18+$0x12B0] =	vst v52  }
0x128: {  	v46 =	vmul.f32 v46, v41;
	v52 =	vld [tilespmem:s18+$0xE90];
	v53 =	vmul.f32 v55, v39;
	v49 =	vadd.f32 v49, v56;
	[tilespmem:s18+$0x12A0] =	vst v51  }
0x129: {  	v45 =	vmul.f32 v45, v41;
	v51 =	vld [tilespmem:s18+$0xE80];
	v1 =	vmul.f32 v1, v39;
	v2 =	vadd.f32 v48, v2;
	[tilespmem:s18+$0x1290] =	vst v50  }
0x12a: {  	v44 =	vmul.f32 v44, v41;
	v48 =	vld [tilespmem:s18+$0xAF0];
	v3 =	vmul.f32 v3, v39;
	v47 =	vadd.f32 v47, v53;
	[tilespmem:s18+$0x1280] =	vst v49  }
0x12b: {  	v43 =	vmul.f32 v43, v41;
	v49 =	vld [tilespmem:s18+$0xAE0];
	v4 =	vmul.f32 v4, v39;
	v1 =	vadd.f32 v46, v1;
	[tilespmem:s18+$0xEF0] =	vst v2  }
0x12c: {  	v42 =	vmul.f32 v42, v41;
	v2 =	vld [tilespmem:s18+$0xAD0];
	v5 =	vmul.f32 v5, v39;
	v3 =	vadd.f32 v45, v3;
	[tilespmem:s18+$0xEE0] =	vst v47  }
0x12d: {  	v40 =	vmul.f32 v40, v41;
	v45 =	vld [tilespmem:s18+$0xAC0];
	v46 =	vmul.f32 v52, v39;
	v4 =	vadd.f32 v44, v4;
	[tilespmem:s18+$0xED0] =	vst v1  }
0x12e: {  	v38 =	vmul.f32 v38, v41;
	v1 =	vld [tilespmem:s18+$0xAB0];
	v44 =	vmul.f32 v51, v39;
	v5 =	vadd.f32 v43, v5;
	[tilespmem:s18+$0xEC0] =	vst v3  }
0x12f: {  	v37 =	vmul.f32 v37, v41;
	v3 =	vld [tilespmem:s18+$0xAA0];
	v43 =	vmul.f32 v48, v39;
	v42 =	vadd.f32 v42, v46;
	[tilespmem:s18+$0xEB0] =	vst v4  }
0x130: {  	v36 =	vmul.f32 v36, v41;
	v4 =	vld [tilespmem:s18+$0xA90];
	v46 =	vmul.f32 v49, v39;
	v40 =	vadd.f32 v40, v44;
	[tilespmem:s18+$0xEA0] =	vst v5  }
0x131: {  	v35 =	vmul.f32 v35, v41;
	v5 =	vld [tilespmem:s18+$0xA80];
	v2 =	vmul.f32 v2, v39;
	v38 =	vadd.f32 v38, v43;
	[tilespmem:s18+$0xE90] =	vst v42  }
0x132: {  	v34 =	vmul.f32 v34, v41;
	v42 =	vld [tilespmem:s18+$0x6F0];
	v43 =	vmul.f32 v45, v39;
	v37 =	vadd.f32 v37, v46;
	[tilespmem:s18+$0xE80] =	vst v40  }
0x133: {  	v33 =	vmul.f32 v33, v41;
	v40 =	vld [tilespmem:s18+$0x6E0];
	v1 =	vmul.f32 v1, v39;
	v2 =	vadd.f32 v36, v2;
	[tilespmem:s18+$0xAF0] =	vst v38  }
0x134: {  	v32 =	vmul.f32 v32, v41;
	v36 =	vld [tilespmem:s18+$0x6D0];
	v3 =	vmul.f32 v3, v39;
	v35 =	vadd.f32 v35, v43;
	[tilespmem:s18+$0xAE0] =	vst v37  }
0x135: {  	v31 =	vmul.f32 v31, v41;
	v37 =	vld [tilespmem:s18+$0x6C0];
	v4 =	vmul.f32 v4, v39;
	v1 =	vadd.f32 v34, v1;
	[tilespmem:s18+$0xAD0] =	vst v2  }
0x136: {  	v30 =	vmul.f32 v30, v41;
	v2 =	vld [tilespmem:s18+$0x6B0];
	v5 =	vmul.f32 v5, v39;
	v3 =	vadd.f32 v33, v3;
	[tilespmem:s18+$0xAC0] =	vst v35  }
0x137: {  	v29 =	vmul.f32 v29, v41;
	v33 =	vld [tilespmem:s18+$0x6A0];
	v34 =	vmul.f32 v42, v39;
	v4 =	vadd.f32 v32, v4;
	[tilespmem:s18+$0xAB0] =	vst v1  }
0x138: {  	v28 =	vmul.f32 v28, v41;
	v1 =	vld [tilespmem:s18+$0x690];
	v32 =	vmul.f32 v40, v39;
	v5 =	vadd.f32 v31, v5;
	[tilespmem:s18+$0xAA0] =	vst v3  }
0x139: {  	v27 =	vmul.f32 v27, v41;
	v3 =	vld [tilespmem:s18+$0x680];
	v31 =	vmul.f32 v36, v39;
	v30 =	vadd.f32 v30, v34;
	[tilespmem:s18+$0xA90] =	vst v4  }
0x13a: {  	v26 =	vmul.f32 v26, v41;
	v4 =	vld [tilespmem:s18+$0x2F0];
	v34 =	vmul.f32 v37, v39;
	v29 =	vadd.f32 v29, v32;
	[tilespmem:s18+$0xA80] =	vst v5  }
0x13b: {  	v25 =	vmul.f32 v25, v41;
	v5 =	vld [tilespmem:s18+$0x2E0];
	v2 =	vmul.f32 v2, v39;
	v28 =	vadd.f32 v28, v31;
	[tilespmem:s18+$0x6F0] =	vst v30  }
0x13c: {  	v24 =	vmul.f32 v24, v41;
	v30 =	vld [tilespmem:s18+$0x2D0];
	v31 =	vmul.f32 v33, v39;
	v27 =	vadd.f32 v27, v34;
	[tilespmem:s18+$0x6E0] =	vst v29  }
0x13d: {  	v23 =	vmul.f32 v23, v41;
	v1 =	vmul.f32 v1, v39;
	v2 =	vadd.f32 v26, v2;
	[tilespmem:s18+$0x6D0] =	vst v28;
	v26 =	vld [tilespmem:s18+$0xD6C0]  }
0x13e: {  	v22 =	vmul.f32 v22, v41;
	v3 =	vmul.f32 v3, v39;
	v25 =	vadd.f32 v25, v31;
	[tilespmem:s18+$0x6C0] =	vst v27;
	v27 =	vld [tilespmem:s18+$0xD6D0]  }
0x13f: {  	v21 =	vmul.f32 v21, v41;
	v4 =	vmul.f32 v4, v39;
	v1 =	vadd.f32 v24, v1;
	[tilespmem:s18+$0x6B0] =	vst v2;
	v2 =	vld [tilespmem:s18+$0xD6E0]  }
0x140: {  	v20 =	vmul.f32 v20, v41;
	v5 =	vmul.f32 v5, v39;
	v3 =	vadd.f32 v23, v3;
	[tilespmem:s18+$0x6A0] =	vst v25;
	v23 =	vld [tilespmem:s18+$0xD6F0]  }
0x141: {  	v19 =	vmul.f32 v19, v41;
	v24 =	vmul.f32 v30, v39;
	v4 =	vadd.f32 v22, v4;
	[tilespmem:s18+$0x690] =	vst v1;
	v1 =	vld [tilespmem:s18+$0x16C0]  }
0x142: {  	v18 =	vmul.f32 v18, v39;
	v17 =	vmul.f32 v17, v41;
	v5 =	vadd.f32 v21, v5;
	[tilespmem:s18+$0x680] =	vst v3;
	v3 =	vld [tilespmem:s18+$0x16D0]  }
0x143: {  	v16 =	vmul.f32 v16, v39;
	v15 =	vmul.f32 v15, v41;
	v20 =	vadd.f32 v20, v24;
	[tilespmem:s18+$0x2F0] =	vst v4;
	v4 =	vld [tilespmem:s18+$0x16E0]  }
0x144: {  	s22 =	sshrl.u32 s19, $0x3;
	v14 =	vmul.f32 v14, v39;
	v13 =	vmul.f32 v13, v41;
	v18 =	vadd.f32 v19, v18;
	[tilespmem:s18+$0x2E0] =	vst v5;
	v5 =	vld [tilespmem:s18+$0x16F0]  }
0x145: {  	s22 =	smul.u32 $0x6000, s22;
	v12 =	vmul.f32 v12, v39;
	v16 =	vadd.f32 v17, v16;
	v17 =	vmul.f32 v26, v41;
	v19 =	vld [tilespmem:s18+$0x280];
	[tilespmem:s18+$0x2D0] =	vst v20  }
0x146: {  	s20 =	sadd.s32 $0x80, s20;
	v14 =	vadd.f32 v15, v14;
	v15 =	vmul.f32 v27, v41;
	[tilespmem:s18+$0x2C0] =	vst v18;
	v1 =	vmul.f32 v1, v39  }
0x147: {  	s23 =	sand.u32 $0x380, s20;
	s22 =	sshra.s32 s22, $0x2;
	v12 =	vadd.f32 v13, v12;
	v2 =	vmul.f32 v2, v41;
	[tilespmem:s18+$0x2B0] =	vst v16;
	v3 =	vmul.f32 v3, v39  }
0x148: {  	s22 =	sor.u32 s23, s22;
	[tilespmem:s18+$0x2A0] =	vst v14;
	v1 =	vadd.f32 v17, v1;
	v4 =	vmul.f32 v4, v39;
	v14 =	vmul.f32 v23, v41  }
0x149: {  	v16 =	vmul.f32 v11, v41;
	v11 =	vld [tilespmem:s22+$0xC280];
	[tilespmem:s18+$0x290] =	vst v12;
	v3 =	vadd.f32 v15, v3;
	v5 =	vmul.f32 v5, v39  }
0x14a: {  	v12 =	vld [tilespmem:s22+$0x290];
	v15 =	vmul.f32 v19, v39;
	[tilespmem:s18+$0x16C0] =	vst v1;
	v1 =	vadd.f32 v2, v4  }
0x14b: {  	v13 =	vld [tilespmem:s22+$0xC290];
	[tilespmem:s18+$0x16D0] =	vst v3;
	v2 =	vadd.f32 v14, v5  }
0x14c: {  	v14 =	vld [tilespmem:s22+$0x2A0];
	v3 =	vadd.f32 v16, v15;
	[tilespmem:s18+$0x16E0] =	vst v1  }
0x14d: {  	v15 =	vld [tilespmem:s22+$0xC2A0];
	[tilespmem:s18+$0x16F0] =	vst v2  }
0x14e: {  	v16 =	vld [tilespmem:s22+$0x2B0];
	[tilespmem:s18+$0x280] =	vst v3;
	s18 =	smov.u32 s22  }
0x14f: {  	v17 =	vld [tilespmem:s18+$0xC2B0]  }
0x150: {  	v18 =	vld [tilespmem:s18+$0x2C0]  }
0x151: {  	v19 =	vld [tilespmem:s18+$0xC2C0]  }
0x152: {  	v20 =	vld [tilespmem:s18+$0xC2D0]  }
0x153: {  	v21 =	vld [tilespmem:s18+$0xC2E0]  }
0x154: {  	v22 =	vld [tilespmem:s18+$0xC2F0]  }
0x155: {  	v23 =	vld [tilespmem:s18+$0xC680]  }
0x156: {  	v24 =	vld [tilespmem:s18+$0xC690]  }
0x157: {  	v25 =	vld [tilespmem:s18+$0xC6A0]  }
0x158: {  	v26 =	vld [tilespmem:s18+$0xC6B0]  }
0x159: {  	v27 =	vld [tilespmem:s18+$0xC6C0]  }
0x15a: {  	v28 =	vld [tilespmem:s18+$0xC6D0]  }
0x15b: {  	v29 =	vld [tilespmem:s18+$0xC6E0]  }
0x15c: {  	v30 =	vld [tilespmem:s18+$0xC6F0]  }
0x15d: {  	v31 =	vld [tilespmem:s18+$0xCA80]  }
0x15e: {  	v32 =	vld [tilespmem:s18+$0xCA90]  }
0x15f: {  	v33 =	vld [tilespmem:s18+$0xCAA0]  }
0x160: {  	v34 =	vld [tilespmem:s18+$0xCAB0]  }
0x161: {  	v35 =	vld [tilespmem:s18+$0xCAC0]  }
0x162: {  	v36 =	vld [tilespmem:s18+$0xCAD0]  }
0x163: {  	v37 =	vld [tilespmem:s18+$0xCAE0]  }
0x164: {  	v38 =	vld [tilespmem:s18+$0xCAF0]  }
0x165: {  	v40 =	vld [tilespmem:s18+$0xCE80]  }
0x166: {  	v42 =	vld [tilespmem:s18+$0xCE90]  }
0x167: {  	v43 =	vld [tilespmem:s18+$0xCEA0]  }
0x168: {  	v44 =	vld [tilespmem:s18+$0xCEB0]  }
0x169: {  	v45 =	vld [tilespmem:s18+$0xCEC0]  }
0x16a: {  	v46 =	vld [tilespmem:s18+$0xCED0]  }
0x16b: {  	v47 =	vld [tilespmem:s18+$0xCEE0]  }
0x16c: {  	v48 =	vld [tilespmem:s18+$0xCEF0]  }
0x16d: {  	v49 =	vld [tilespmem:s18+$0xD280]  }
0x16e: {  	v50 =	vld [tilespmem:s18+$0xD290]  }
0x16f: {  	v51 =	vld [tilespmem:s18+$0xD2A0]  }
.Ltmp0:
0x170: {  	v52 =	vld [tilespmem:s18+$0xD2B0];
	(pc) =	sbr.rel @p0 .LBB2_2-.Ltmp0, $4  }
0x171: {  	v53 =	vld [tilespmem:s18+$0xD2C0]  }
0x172: {  	v54 =	vld [tilespmem:s18+$0xD2D0]  }
0x173: {  	s21 =	sadd.s32 $0x2, s21;
	v55 =	vld [tilespmem:s18+$0xD2E0]  }
0x174: {  	s19 =	sadd.s32 $0x1, s19;
	v39 =	vmov s21;
	v56 =	vld [tilespmem:s18+$0x1680]  }
0x175: {  	v2 =	vld [tilespmem:s18+$0x1690]  }
0x176: {  	v1 =	vor.u32 $0x1, v39;
	v3 =	vld [tilespmem:s18+$0xD690]  }
0x177: {  	v4 =	vld [tilespmem:s18+$0xD6B0]  }
0x178: {  	v5 =	vld [tilespmem:s18+$0x16A0]  }
0x179: {  	v39 =	vld.idx.msk [tilespmem:v39+s15+$0x0], $0xffff  }
0x17a: {  	v57 =	vld [tilespmem:s18+$0xD6A0]  }
0x17b: {  	v41 =	vld.idx.msk [tilespmem:v1+s15+$0x0], $0xffff  }
0x17c: {  	v1 =	vld [tilespmem:s18+$0x16B0]  }
0x17d: {  	v60 =	vld [tilespmem:s18+$0x12F0]  }
0x17e: {  	v61 =	vld [tilespmem:s18+$0x12E0]  }
0x17f: {  	v62 =	vld [tilespmem:s18+$0x12D0];
	v5 =	vmul.f32 v5, v39  }
0x180: {  	v6 =	vld [tilespmem:s18+$0x12A0];
	v2 =	vmul.f32 v2, v39;
	v56 =	vmul.f32 v56, v39  }
0x181: {  	v1 =	vmul.f32 v1, v39;
	v4 =	vmul.f32 v4, v41  }
0x182: {  	v58 =	vld [tilespmem:s18+$0xD680];
	v60 =	vmul.f32 v60, v39;
	v57 =	vmul.f32 v57, v41  }
0x183: {  	v59 =	vld [tilespmem:s18+$0xD2F0];
	v61 =	vmul.f32 v61, v39;
	v3 =	vmul.f32 v3, v41;
	v1 =	vadd.f32 v4, v1  }
0x184: {  	v63 =	vld [tilespmem:s18+$0x12C0];
	v62 =	vmul.f32 v62, v39;
	v55 =	vmul.f32 v55, v41;
	v5 =	vadd.f32 v57, v5  }
0x185: {  	v6 =	vmul.f32 v6, v39;
	v54 =	vmul.f32 v54, v41;
	v4 =	vld [tilespmem:s18+$0x12B0];
	v2 =	vadd.f32 v3, v2;
	[tilespmem:s18+$0x16B0] =	vst v1  }
0x186: {  	v18 =	vmul.f32 v18, v39;
	v51 =	vmul.f32 v51, v41;
	v3 =	vld [tilespmem:s18+$0x1280];
	v55 =	vadd.f32 v55, v61;
	[tilespmem:s18+$0x16A0] =	vst v5  }
0x187: {  	v16 =	vmul.f32 v16, v39;
	v17 =	vmul.f32 v17, v41;
	v54 =	vadd.f32 v54, v62;
	v61 =	vld [tilespmem:s18+$0xEC0];
	[tilespmem:s18+$0x1690] =	vst v2  }
0x188: {  	v12 =	vmul.f32 v12, v39;
	v13 =	vmul.f32 v13, v41;
	v62 =	vld [tilespmem:s18+$0xEB0];
	v6 =	vadd.f32 v51, v6;
	[tilespmem:s18+$0x12E0] =	vst v55  }
0x189: {  	v52 =	vmul.f32 v52, v41;
	v16 =	vadd.f32 v17, v16;
	v5 =	vmul.f32 v59, v41;
	v2 =	vld [tilespmem:s18+$0xEF0];
	[tilespmem:s18+$0x12D0] =	vst v54  }
0x18a: {  	v57 =	vmul.f32 v58, v41;
	v58 =	vld [tilespmem:s18+$0xAC0];
	v12 =	vadd.f32 v13, v12;
	[tilespmem:s18+$0x12A0] =	vst v6;
	v4 =	vmul.f32 v4, v39  }
0x18b: {  	v53 =	vmul.f32 v53, v41;
	v50 =	vmul.f32 v50, v41;
	v51 =	vld [tilespmem:s18+$0x2F0];
	[tilespmem:s18+$0x2B0] =	vst v16;
	v5 =	vadd.f32 v5, v60  }
0x18c: {  	v49 =	vmul.f32 v49, v41;
	v1 =	vld [tilespmem:s18+$0x1290];
	[tilespmem:s18+$0x290] =	vst v12;
	v60 =	vmul.f32 v63, v39;
	v4 =	vadd.f32 v52, v4  }
0x18d: {  	v48 =	vmul.f32 v48, v41;
	v56 =	vadd.f32 v57, v56;
	v3 =	vmul.f32 v3, v39;
	[tilespmem:s18+$0x12F0] =	vst v5;
	v5 =	vld [tilespmem:s18+$0xED0]  }
0x18e: {  	v47 =	vmul.f32 v47, v41;
	v53 =	vadd.f32 v53, v60;
	v2 =	vmul.f32 v2, v39;
	[tilespmem:s18+$0x12B0] =	vst v4;
	v4 =	vld [tilespmem:s18+$0xE90]  }
0x18f: {  	v45 =	vmul.f32 v45, v41;
	v6 =	vld [tilespmem:s18+$0xE80];
	[tilespmem:s18+$0x1680] =	vst v56;
	v57 =	vmul.f32 v61, v39;
	v3 =	vadd.f32 v49, v3  }
0x190: {  	v44 =	vmul.f32 v44, v41;
	v56 =	vld [tilespmem:s18+$0xEE0];
	v59 =	vmul.f32 v62, v39;
	[tilespmem:s18+$0x12C0] =	vst v53;
	v2 =	vadd.f32 v48, v2  }
0x191: {  	v46 =	vmul.f32 v46, v41;
	v63 =	vld [tilespmem:s18+$0xEA0];
	v1 =	vmul.f32 v1, v39;
	v45 =	vadd.f32 v45, v57;
	[tilespmem:s18+$0x1280] =	vst v3  }
0x192: {  	v43 =	vmul.f32 v43, v41;
	v44 =	vadd.f32 v44, v59;
	v5 =	vmul.f32 v5, v39;
	[tilespmem:s18+$0xEF0] =	vst v2;
	v2 =	vld [tilespmem:s18+$0xAD0]  }
0x193: {  	v42 =	vmul.f32 v42, v41;
	v61 =	vld [tilespmem:s18+$0xAA0];
	v1 =	vadd.f32 v50, v1;
	[tilespmem:s18+$0xEC0] =	vst v45;
	v4 =	vmul.f32 v4, v39  }
0x194: {  	v22 =	vmul.f32 v22, v41;
	v55 =	vmul.f32 v51, v39;
	v3 =	vld [tilespmem:s18+$0xAE0];
	[tilespmem:s18+$0xEB0] =	vst v44;
	v5 =	vadd.f32 v46, v5  }
0x195: {  	v40 =	vmul.f32 v40, v41;
	v6 =	vmul.f32 v6, v39;
	[tilespmem:s18+$0x1290] =	vst v1;
	v1 =	vld [tilespmem:s18+$0xAF0];
	v4 =	vadd.f32 v42, v4  }
0x196: {  	v38 =	vmul.f32 v38, v41;
	v22 =	vadd.f32 v22, v55;
	v56 =	vmul.f32 v56, v39;
	[tilespmem:s18+$0xED0] =	vst v5;
	v5 =	vld [tilespmem:s18+$0xAB0]  }
0x197: {  	v36 =	vmul.f32 v36, v41;
	v6 =	vadd.f32 v40, v6;
	v2 =	vmul.f32 v2, v39;
	[tilespmem:s18+$0xE90] =	vst v4;
	v4 =	vld [tilespmem:s18+$0x6F0]  }
0x198: {  	v37 =	vmul.f32 v37, v41;
	v62 =	vld [tilespmem:s18+$0xA90];
	v60 =	vmul.f32 v63, v39;
	[tilespmem:s18+$0x2F0] =	vst v22;
	v47 =	vadd.f32 v47, v56  }
0x199: {  	v35 =	vmul.f32 v35, v41;
	v53 =	vld [tilespmem:s18+$0x2D0];
	[tilespmem:s18+$0xE80] =	vst v6;
	v3 =	vmul.f32 v3, v39;
	v2 =	vadd.f32 v36, v2  }
0x19a: {  	v34 =	vmul.f32 v34, v41;
	v63 =	vld [tilespmem:s18+$0xA80];
	v43 =	vadd.f32 v43, v60;
	[tilespmem:s18+$0xEE0] =	vst v47;
	v1 =	vmul.f32 v1, v39  }
0x19b: {  	v33 =	vmul.f32 v33, v41;
	v3 =	vadd.f32 v37, v3;
	v5 =	vmul.f32 v5, v39;
	[tilespmem:s18+$0xAD0] =	vst v2;
	v2 =	vld [tilespmem:s18+$0x6B0]  }
0x19c: {  	v30 =	vmul.f32 v30, v41;
	v6 =	vld [tilespmem:s18+$0x6E0];
	[tilespmem:s18+$0xEA0] =	vst v43;
	v1 =	vadd.f32 v38, v1;
	v4 =	vmul.f32 v4, v39  }
0x19d: {  	v32 =	vmul.f32 v32, v41;
	v19 =	vmul.f32 v19, v41;
	[tilespmem:s18+$0xAE0] =	vst v3;
	v3 =	vld [tilespmem:s18+$0x6C0];
	v5 =	vadd.f32 v34, v5  }
0x19e: {  	v29 =	vmul.f32 v29, v41;
	v48 =	vmul.f32 v62, v39;
	[tilespmem:s18+$0xAF0] =	vst v1;
	v1 =	vld [tilespmem:s18+$0x6D0];
	v4 =	vadd.f32 v30, v4  }
0x19f: {  	v59 =	vadd.f32 v19, v18;
	v43 =	vmul.f32 v58, v39;
	v46 =	vmul.f32 v61, v39;
	[tilespmem:s18+$0xAB0] =	vst v5;
	v5 =	vld [tilespmem:s18+$0x690]  }
0x1a0: {  	v32 =	vadd.f32 v32, v48;
	v47 =	vld [tilespmem:s18+$0x6A0];
	v2 =	vmul.f32 v2, v39;
	[tilespmem:s18+$0x6F0] =	vst v4;
	v4 =	vmul.f32 v26, v41  }
0x1a1: {  	v27 =	vmul.f32 v27, v41;
	v50 =	vld [tilespmem:s18+$0x680];
	[tilespmem:s18+$0x2C0] =	vst v59;
	v35 =	vadd.f32 v35, v43;
	v6 =	vmul.f32 v6, v39  }
0x1a2: {  	[tilespmem:s18+$0xA90] =	vst v32;
	v33 =	vadd.f32 v33, v46;
	v3 =	vmul.f32 v3, v39;
	v2 =	vadd.f32 v4, v2;
	v4 =	vld [tilespmem:s18+$0x2E0]  }
0x1a3: {  	v28 =	vmul.f32 v28, v41;
	v56 =	vld [tilespmem:s18+$0x16D0];
	[tilespmem:s18+$0xAC0] =	vst v35;
	v6 =	vadd.f32 v29, v6;
	v1 =	vmul.f32 v1, v39  }
0x1a4: {  	v24 =	vmul.f32 v24, v41;
	v60 =	vld [tilespmem:s18+$0x16F0];
	[tilespmem:s18+$0xAA0] =	vst v33;
	v3 =	vadd.f32 v27, v3;
	v5 =	vmul.f32 v5, v39  }
0x1a5: {  	v58 =	vld [tilespmem:s18+$0x16E0];
	v52 =	vmul.f32 v47, v39;
	[tilespmem:s18+$0x6E0] =	vst v6;
	v6 =	vmul.f32 v25, v41;
	v1 =	vadd.f32 v28, v1  }
0x1a6: {  	[tilespmem:s18+$0x6C0] =	vst v3;
	v3 =	vld [tilespmem:s18+$0xD6D0];
	v5 =	vadd.f32 v24, v5  }
0x1a7: {  	v21 =	vmul.f32 v21, v41;
	v6 =	vadd.f32 v6, v52;
	[tilespmem:s18+$0x6D0] =	vst v1;
	v1 =	vld [tilespmem:s18+$0xD6C0];
	v4 =	vmul.f32 v4, v39  }
0x1a8: {  	v20 =	vmul.f32 v20, v41;
	v57 =	vmul.f32 v53, v39;
	[tilespmem:s18+$0x690] =	vst v5;
	v5 =	vld [tilespmem:s18+$0x16C0]  }
0x1a9: {  	v31 =	vmul.f32 v31, v41;
	v61 =	vld [tilespmem:s18+$0x280];
	v49 =	vmul.f32 v63, v39;
	[tilespmem:s18+$0x6A0] =	vst v6;
	v4 =	vadd.f32 v21, v4  }
0x1aa: {  	v23 =	vmul.f32 v23, v41;
	v54 =	vmul.f32 v50, v39;
	v20 =	vadd.f32 v20, v57;
	[tilespmem:s18+$0x6B0] =	vst v2;
	v2 =	vld [tilespmem:s18+$0xD6E0]  }
0x1ab: {  	v14 =	vmul.f32 v14, v39;
	v31 =	vadd.f32 v31, v49;
	v6 =	vld [tilespmem:s18+$0xD6F0];
	[tilespmem:s18+$0x2E0] =	vst v4;
	v4 =	vmul.f32 v15, v41  }
0x1ac: {  	v23 =	vadd.f32 v23, v54;
	v62 =	vmul.f32 v56, v39;
	[tilespmem:s18+$0x2D0] =	vst v20;
	v3 =	vmul.f32 v3, v41  }
0x1ad: {  	[tilespmem:s18+$0xA80] =	vst v31;
	v1 =	vmul.f32 v1, v41;
	v5 =	vmul.f32 v5, v39;
	v4 =	vadd.f32 v4, v14  }
0x1ae: {  	v11 =	vmul.f32 v11, v41;
	[tilespmem:s18+$0x680] =	vst v23;
	v63 =	vmul.f32 v61, v39;
	v3 =	vadd.f32 v3, v62  }
0x1af: {  	v2 =	vmul.f32 v2, v41;
	v1 =	vadd.f32 v1, v5;
	[tilespmem:s18+$0x2A0] =	vst v4;
	v4 =	vmul.f32 v58, v39  }
0x1b0: {  	[tilespmem:s18+$0x16D0] =	vst v3;
	v3 =	vadd.f32 v11, v63;
	v5 =	vmul.f32 v6, v41;
	v6 =	vmul.f32 v60, v39  }
0x1b1: {  	[tilespmem:s18+$0x16C0] =	vst v1;
	v1 =	vadd.f32 v2, v4  }
0x1b2: {  	s17 =	sadd.s32 $0x1, s17;
	[tilespmem:s18+$0x280] =	vst v3;
	v2 =	vadd.f32 v5, v6  }
0x1b3: {  	p0 =	sne.s32 s17, s11;
	[tilespmem:s18+$0x16E0] =	vst v1  }
.Ltmp1:
0x1b4: {  	[tilespmem:s18+$0x16F0] =	vst v2;
	(pc) =	sbr.rel @p0 .LBB2_1-.Ltmp1, $4  }
0x1b5: {  	[hbm4b:s10+s2] =	stream.linear.scatter [tilespmem:s16], [sflag:$0x2], $0xC000, $0x38;
	[tilespmem:$0x18280] =	vst v63  }
0x1b6: {  	_ =	swait.ge [sflag:s12], $0xC000  }
0x1b7: {  	[sflag:s12] =	ssyncset.done $0x0  }
0x1b8: {  	[sflag:s12] =	ssyncadd.s32 $0xFFFF4000  }
0x1b9: {  	_ =	sfence.sel $0x180000  }
0x1ba: {  	[bflag:$0x0] =	sbarrier.arrive $0xFFFF  }
0x1bb: {  	_ =	strace $0x9000004A  }
0x1bc: {  	s0 =	stileid.u32;
	[bflag:$0x2] =	sbarrier.arrive $0xFFFF  }
0x1bd: {  	p0 =	sne.s32 s0, $0x0;
	s0 =	rddreg [dreg:$0x2]  }
0x1be: {  	s0 =	sadd.s32 @!p0 $0x100000, s0  }
0x1bf: {  	[sflag:s0] =	ssyncadd.tile.s32 @!p0 $0x1;
	_ =	shalt  }
.Lfunc_end2:
_tile_overlayer_lowered:
.L_overlay_start_2:
0x1c0: {  	(tag) =	ssettag $0x2  }
0x1c1: {  	s0 =	rddreg [dreg:$0x0];
	s2 =	stileid.u32  }
0x1c2: {  	s1 =	rddreg [dreg:$0x1];
	p0 =	sne.s32 s2, $0x0  }
0x1c3: {  	s3 =	rddreg [dreg:$0x2];
	[bflag:$0x3] =	sbarrier.arrive $0xFFFF;
	s2 =	simm.s32 @!p0 $0x1C02  }
0x1c4: {  	[timem:s3], [sflag:s2] =	dma.local @!p0 [hbm:s0], s1  }
0x1c5: {  	s0 =	simm.s32 @!p0 $0x2  }
0x1c6: {  	_ =	swait.ge @!p0 [sflag:s0], s1  }
0x1c7: {  	s1 =	ssub.s32 @!p0 $0x0, s1;
	[sflag:s0] =	ssyncset.done @!p0 $0x0  }
0x1c8: {  	[sflag:s0] =	ssyncadd.s32 @!p0 s1  }
0x1c9: {  	[bflag:$0x3] =	sbarrier.arrive $0xFFFF  }
0x1ca: {  	_ =	shalt  }

</sc_bundles>
